<compile_context>
chip_gen: v7x
topology: tpu7x:2x2x1
jax: 0.10.2.dev20260603
libtpu: 0.0.44.dev20260713+nightly
codegen_flags: <defaults>
</compile_context>

<pallas_src>
import functools

import jax
import jax.numpy as jnp
from jax import lax
from jax.experimental import pallas as pl
from jax.experimental.pallas import tpu as pltpu
from jax.experimental.pallas import tpu_sc as plsc

N = 10000
E = 160000
D = 256
HALF = 128
G = 64

NS = 16
EPW = E // NS
CH = 120
NBUF = 3
NCHUNK = 84
EPAD = NCHUNK * CH
SUBROWS = 640
ACCROWS = NS * SUBROWS
ZCH = 80

BN = 1000
NB = N // BN


def _sc_edge_segsum(x_lo, x_hi, src4, dst4):
    mesh = plsc.VectorSubcoreMesh(core_axis_name="c", subcore_axis_name="s")

    @functools.partial(
        pl.kernel,
        out_type=[
            jax.ShapeDtypeStruct((ACCROWS, HALF), jnp.float32),
            jax.ShapeDtypeStruct((ACCROWS, HALF), jnp.float32),
        ],
        mesh=mesh,
        scratch_types=(
            [pltpu.VMEM((CH,), jnp.int32) for _ in range(NBUF)]
            + [pltpu.VMEM((CH,), jnp.int32) for _ in range(NBUF)]
            + [pltpu.VMEM((CH, HALF), jnp.float32) for _ in range(NBUF)]
            + [pltpu.VMEM_SHARED((ACCROWS, HALF), jnp.float32)]
            + [pltpu.SemaphoreType.DMA for _ in range(3 * NBUF)]
        ),
    )
    def k(lo_hbm, hi_hbm, src_hbm, dst_hbm, out_lo, out_hi, *rest):
        srcb = rest[:NBUF]
        dstb = rest[NBUF:2 * NBUF]
        rows = rest[2 * NBUF:3 * NBUF]
        acc = rest[3 * NBUF]
        isem = rest[3 * NBUF + 1:3 * NBUF + 1 + NBUF]
        gsem = rest[3 * NBUF + 1 + NBUF:3 * NBUF + 1 + 2 * NBUF]
        ssem = rest[3 * NBUF + 1 + 2 * NBUF:]
        c = lax.axis_index("c")
        s = lax.axis_index("s")

        zero16 = jnp.zeros((16,), jnp.float32)

        @pl.loop(0, ZCH)
        def _(i):
            @pl.loop(0, HALF, step=16)
            def _(j):
                rows[0][i, pl.ds(j, 16)] = zero16

        @pl.loop(0, SUBROWS, step=ZCH)
        def _(r):
            pltpu.async_copy(rows[0].at[pl.ds(0, ZCH)],
                             acc.at[pl.ds(s * SUBROWS + r, ZCH)], gsem[0])

        @pl.loop(0, SUBROWS, step=ZCH)
        def _(r):
            pltpu.make_async_copy(rows[0].at[pl.ds(0, ZCH)],
                                  acc.at[pl.ds(0, ZCH)], gsem[0]).wait()

        plsc.subcore_barrier()

        def start_i(j, b):
            pltpu.async_copy(src_hbm.at[s, j, 0], srcb[b], isem[b])
            pltpu.async_copy(dst_hbm.at[s, j, 0], dstb[b], isem[b])

        def wait_i(b):
            pltpu.make_async_copy(src_hbm.at[s, 0, 0], srcb[b],
                                  isem[b]).wait()
            pltpu.make_async_copy(dst_hbm.at[s, 0, 0], dstb[b],
                                  isem[b]).wait()

        def start_g(b):
            @pl.when(c == 0)
            def _():
                pltpu.async_copy(lo_hbm.at[srcb[b]], rows[b], gsem[b])

            @pl.when(c == 1)
            def _():
                pltpu.async_copy(hi_hbm.at[srcb[b]], rows[b], gsem[b])

        def wait_g(b):
            pltpu.make_async_copy(lo_hbm.at[srcb[b]], rows[b],
                                  gsem[b]).wait()

        def start_s(b):
            pltpu.async_copy(rows[b], acc.at[dstb[b]], ssem[b], add=True)

        def wait_s(b):
            pltpu.make_async_copy(rows[b], acc.at[dstb[b]], ssem[b]).wait()

        start_i(0, 0)
        start_i(1, 1)
        wait_i(0)
        start_g(0)

        @pl.loop(0, NCHUNK, step=NBUF)
        def _(j):
            for t in range(NBUF):
                jj = j + t
                b, b1, b2 = t, (t + 1) % NBUF, (t + 2) % NBUF

                @pl.when(jj >= 1)
                def _():
                    wait_s(b2)

                @pl.when(jj + 2 < NCHUNK)
                def _():
                    start_i(jj + 2, b2)

                @pl.when(jj + 1 < NCHUNK)
                def _():
                    wait_i(b1)
                    start_g(b1)

                wait_g(b)
                start_s(b)

        wait_s((NCHUNK - 1) % NBUF)

        plsc.subcore_barrier()

        base = s * SUBROWS

        @pl.loop(0, SUBROWS, step=ZCH)
        def _(r):
            @pl.when(c == 0)
            def _():
                pltpu.async_copy(acc.at[pl.ds(base + r, ZCH)],
                                 out_lo.at[pl.ds(base + r, ZCH)], gsem[0])

            @pl.when(c == 1)
            def _():
                pltpu.async_copy(acc.at[pl.ds(base + r, ZCH)],
                                 out_hi.at[pl.ds(base + r, ZCH)], gsem[0])

        @pl.loop(0, SUBROWS, step=ZCH)
        def _(r):
            pltpu.make_async_copy(acc.at[pl.ds(0, ZCH)],
                                  out_lo.at[pl.ds(0, ZCH)], gsem[0]).wait()

    return k(x_lo, x_hi, src4, dst4)


def _pad_idx(a, fill):
    a2 = a.reshape(NS, EPW)
    a2 = jnp.pad(a2, ((0, 0), (0, EPAD - EPW)), constant_values=fill)
    return a2.reshape(NS, NCHUNK, 1, CH)


def _dot(a, b):
    return jnp.dot(a, b, preferred_element_type=jnp.float32,
                   precision=lax.Precision.DEFAULT)


def _mlp_core(sc_ref, hlo_in, hhi_in, alo, ahi, W1b, b1b, W2b, b2b, bb, po):
    h = jnp.concatenate([hlo_in[...], hhi_in[...]], axis=1)
    agg = jnp.concatenate([alo[...], ahi[...]], axis=1)
    z = sc_ref[0] * h + agg
    z = jnp.maximum(_dot(z, W1b[...]) + b1b[...], 0.0)
    z = _dot(z, W2b[...]) + b2b[...] + h
    seg = bb[0, 0, :]
    onehot = (seg[None, :] ==
              lax.broadcasted_iota(jnp.int32, (G, BN), 0)).astype(jnp.float32)
    contrib = _dot(onehot, z)

    @pl.when(pl.program_id(0) == 0)
    def _():
        po[...] = contrib

    @pl.when(pl.program_id(0) != 0)
    def _():
        po[...] = po[...] + contrib

    return z


_MLP_IN_SPECS = [
    pl.BlockSpec(memory_space=pltpu.SMEM),
    pl.BlockSpec((BN, HALF), lambda i: (i, 0)),
    pl.BlockSpec((BN, HALF), lambda i: (i, 0)),
    pl.BlockSpec((BN, HALF), lambda i: (i, 0)),
    pl.BlockSpec((BN, HALF), lambda i: (i, 0)),
    pl.BlockSpec((D, D), lambda i: (0, 0)),
    pl.BlockSpec((1, D), lambda i: (0, 0)),
    pl.BlockSpec((D, D), lambda i: (0, 0)),
    pl.BlockSpec((1, D), lambda i: (0, 0)),
    pl.BlockSpec((1, 1, BN), lambda i: (i, 0, 0)),
]


def _tc_gin_mlp(h_lo, h_hi, agg_lo, agg_hi, scale, W1, b1, W2, b2, batch3):
    def body(sc_ref, hlo_in, hhi_in, alo, ahi, W1b, b1b, W2b, b2b, bb,
             hlo, hhi, po):
        z = _mlp_core(sc_ref, hlo_in, hhi_in, alo, ahi,
                      W1b, b1b, W2b, b2b, bb, po)
        hlo[...] = z[:, :HALF]
        hhi[...] = z[:, HALF:]

    return pl.pallas_call(
        body,
        grid=(NB,),
        in_specs=_MLP_IN_SPECS,
        out_specs=[
            pl.BlockSpec((BN, HALF), lambda i: (i, 0)),
            pl.BlockSpec((BN, HALF), lambda i: (i, 0)),
            pl.BlockSpec((G, D), lambda i: (0, 0)),
        ],
        out_shape=[
            jax.ShapeDtypeStruct((N, HALF), jnp.float32),
            jax.ShapeDtypeStruct((N, HALF), jnp.float32),
            jax.ShapeDtypeStruct((G, D), jnp.float32),
        ],
    )(scale, h_lo, h_hi, agg_lo, agg_hi, W1, b1, W2, b2, batch3)


def _tc_gin_mlp_last(h_lo, h_hi, agg_lo, agg_hi, scale, W1, b1, W2, b2,
                     batch3, p0, p1, Wp, bp):
    def body(sc_ref, hlo_in, hhi_in, alo, ahi, W1b, b1b, W2b, b2b, bb,
             p0b, p1b, wpb, bpb, ho, po, ge):
        z = _mlp_core(sc_ref, hlo_in, hhi_in, alo, ahi,
                      W1b, b1b, W2b, b2b, bb, po)
        ho[...] = z

        @pl.when(pl.program_id(0) == NB - 1)
        def _():
            ge[...] = (_dot(p0b[...], wpb[0:D, :])
                       + _dot(p1b[...], wpb[D:2 * D, :])
                       + _dot(po[...], wpb[2 * D:, :]) + bpb[...])

    return pl.pallas_call(
        body,
        grid=(NB,),
        in_specs=_MLP_IN_SPECS + [
            pl.BlockSpec((G, D), lambda i: (0, 0)),
            pl.BlockSpec((G, D), lambda i: (0, 0)),
            pl.BlockSpec((3 * D, D), lambda i: (0, 0)),
            pl.BlockSpec((1, D), lambda i: (0, 0)),
        ],
        out_specs=[
            pl.BlockSpec((BN, D), lambda i: (i, 0)),
            pl.BlockSpec((G, D), lambda i: (0, 0)),
            pl.BlockSpec((G, D), lambda i: (0, 0)),
        ],
        out_shape=[
            jax.ShapeDtypeStruct((N, D), jnp.float32),
            jax.ShapeDtypeStruct((G, D), jnp.float32),
            jax.ShapeDtypeStruct((G, D), jnp.float32),
        ],
    )(scale, h_lo, h_hi, agg_lo, agg_hi, W1, b1, W2, b2, batch3,
      p0, p1, Wp, bp)


def kernel(x, edge_index, batch,
           eps0, l0_W1, l0_b1, l0_W2, l0_b2,
           eps1, l1_W1, l1_b1, l1_W2, l1_b2,
           eps2, l2_W1, l2_b1, l2_W2, l2_b2,
           pool_W, pool_b):
    src4 = _pad_idx(edge_index[0].astype(jnp.int32), 0)
    dst4 = _pad_idx(edge_index[1].astype(jnp.int32), N)
    batch3 = batch.astype(jnp.int32).reshape(NB, 1, BN)

    layer_params = [
        (eps0, l0_W1, l0_b1, l0_W2, l0_b2),
        (eps1, l1_W1, l1_b1, l1_W2, l1_b2),
        (eps2, l2_W1, l2_b1, l2_W2, l2_b2),
    ]

    h_lo = x[:, :HALF]
    h_hi = x[:, HALF:]
    pooled = []
    for li, (eps, W1, b1, W2, b2) in enumerate(layer_params):
        agg_lo, agg_hi = _sc_edge_segsum(h_lo, h_hi, src4, dst4)
        scale = (1.0 + eps).reshape(1).astype(jnp.float32)
        args = (h_lo, h_hi, agg_lo, agg_hi, scale, W1, b1.reshape(1, D),
                W2, b2.reshape(1, D), batch3)
        if li < 2:
            h_lo, h_hi, po = _tc_gin_mlp(*args)
            pooled.append(po)
        else:
            h, po, ge = _tc_gin_mlp_last(
                *args, pooled[0], pooled[1], pool_W, pool_b.reshape(1, D))

    return (h, ge)

# --- scband reference (transcript-rebuilt; emitter-appended) ---
"""Pipeline reference for scband-model-67164698574875 (READ-ONLY COPY).

The authoritative reference and input builder live on the scoring server;
editing this copy changes nothing except your own understanding.
"""

import jax, jax.numpy as jnp
import numpy as np

N = 10000          # nodes
E = 160000         # edges
D = 256            # input_dim
H = 256            # hidden_dim
L = 3              # n_layers
G = 64             # number of graphs in batch


def setup_inputs(seed: int = 0) -> dict:
    key = jax.random.key(seed)
    ks = jax.random.split(key, 40)
    inp = {}
    inp['x'] = jax.random.normal(ks[0], (N, D), dtype=jnp.float32)
    inp['edge_index'] = jax.random.randint(ks[1], (2, E), 0, N)
    inp['batch'] = jnp.sort(jax.random.randint(ks[2], (N,), 0, G))
    ki = 3
    for l in range(L):
        in_dim = D if l == 0 else H
        s1 = 1.0 / np.sqrt(in_dim)
        s2 = 1.0 / np.sqrt(H)
        inp[f'eps{l}'] = jnp.zeros((), dtype=jnp.float32)
        inp[f'l{l}_W1'] = jax.random.uniform(ks[ki], (in_dim, H), minval=-s1, maxval=s1, dtype=jnp.float32); ki += 1
        inp[f'l{l}_b1'] = jax.random.uniform(ks[ki], (H,), minval=-s1, maxval=s1, dtype=jnp.float32); ki += 1
        inp[f'l{l}_W2'] = jax.random.uniform(ks[ki], (H, H), minval=-s2, maxval=s2, dtype=jnp.float32); ki += 1
        inp[f'l{l}_b2'] = jax.random.uniform(ks[ki], (H,), minval=-s2, maxval=s2, dtype=jnp.float32); ki += 1
    sp = 1.0 / np.sqrt(H * L)
    inp['pool_W'] = jax.random.uniform(ks[ki], (H * L, H), minval=-sp, maxval=sp, dtype=jnp.float32); ki += 1
    inp['pool_b'] = jax.random.uniform(ks[ki], (H,), minval=-sp, maxval=sp, dtype=jnp.float32)
    return inp


def _gin_layer(x, edge_index, eps, W1, b1, W2, b2):
    # GIN aggregation: h_i = MLP((1+eps)*x_i + sum_{j in N(i)} x_j)
    src = edge_index[0]
    dst = edge_index[1]
    agg = jax.ops.segment_sum(jnp.take(x, src, axis=0), dst, num_segments=N)
    h = (1.0 + eps) * x + agg
    h = jax.nn.relu(jnp.dot(h, W1) + b1)
    h = jnp.dot(h, W2) + b2
    return h


def reference(x, edge_index, batch,
              eps0, l0_W1, l0_b1, l0_W2, l0_b2,
              eps1, l1_W1, l1_b1, l1_W2, l1_b2,
              eps2, l2_W1, l2_b1, l2_W2, l2_b2,
              pool_W, pool_b):
    layer_params = [
        (eps0, l0_W1, l0_b1, l0_W2, l0_b2),
        (eps1, l1_W1, l1_b1, l1_W2, l1_b2),
        (eps2, l2_W1, l2_b1, l2_W2, l2_b2),
    ]
    # input_dim == hidden_dim so input_proj is None
    x_residual = x
    node_embeddings = []
    h = x
    for (eps, W1, b1, W2, b2) in layer_params:
        h = _gin_layer(h, edge_index, eps, W1, b1, W2, b2)
        h = h + x_residual
        x_residual = h
        node_embeddings.append(h)
    # use_attention=False: global_add_pool per layer + DensePooling (linear head)
    graph_pooled = [jax.ops.segment_sum(emb, batch, num_segments=G) for emb in node_embeddings]
    hcat = jnp.concatenate(graph_pooled, axis=1)
    graph_embeddings = jnp.dot(hcat, pool_W) + pool_b
    return (node_embeddings[-1], graph_embeddings)

if __name__ == "__main__":
    import jax
    _d = setup_inputs()
    print(jax.jit(kernel)(*tuple(_d.values())))

</pallas_src>

<mosaic_0001>
#map = affine_map<(d0, d1) -> (0, 0)>
#map1 = affine_map<(d0, d1) -> (0, 0, 0, 0)>
module attributes {stable_mosaic.version = 14 : i64} {
  func.func @k(%arg0: i32, %arg1: i32, %arg2: memref<10000x128xf32, #tpu.memory_space<hbm>>, %arg3: memref<10000x128xf32, #tpu.memory_space<hbm>>, %arg4: memref<16x84x1x120xi32, #tpu.memory_space<hbm>>, %arg5: memref<16x84x1x120xi32, #tpu.memory_space<hbm>>, %arg6: memref<10240x128xf32, #tpu.memory_space<hbm>>, %arg7: memref<10240x128xf32, #tpu.memory_space<hbm>>, %arg8: memref<120xi32, #tpu.memory_space<vmem>>, %arg9: memref<120xi32, #tpu.memory_space<vmem>>, %arg10: memref<120xi32, #tpu.memory_space<vmem>>, %arg11: memref<120xi32, #tpu.memory_space<vmem>>, %arg12: memref<120xi32, #tpu.memory_space<vmem>>, %arg13: memref<120xi32, #tpu.memory_space<vmem>>, %arg14: memref<120x128xf32, #tpu.memory_space<vmem>>, %arg15: memref<120x128xf32, #tpu.memory_space<vmem>>, %arg16: memref<120x128xf32, #tpu.memory_space<vmem>>, %arg17: memref<10240x128xf32, #tpu.memory_space<vmem_shared>>, %arg18: memref<!tpu.dma_semaphore, #tpu.memory_space<semaphore_mem>>, %arg19: memref<!tpu.dma_semaphore, #tpu.memory_space<semaphore_mem>>, %arg20: memref<!tpu.dma_semaphore, #tpu.memory_space<semaphore_mem>>, %arg21: memref<!tpu.dma_semaphore, #tpu.memory_space<semaphore_mem>>, %arg22: memref<!tpu.dma_semaphore, #tpu.memory_space<semaphore_mem>>, %arg23: memref<!tpu.dma_semaphore, #tpu.memory_space<semaphore_mem>>, %arg24: memref<!tpu.dma_semaphore, #tpu.memory_space<semaphore_mem>>, %arg25: memref<!tpu.dma_semaphore, #tpu.memory_space<semaphore_mem>>, %arg26: memref<!tpu.dma_semaphore, #tpu.memory_space<semaphore_mem>>) attributes {dimension_semantics = [#tpu.dimension_semantics<core_parallel>, #tpu.dimension_semantics<subcore_parallel>], iteration_bounds = array<i64: 2, 16>, scalar_prefetch = 0 : i64, scratch_operands = 19 : i64, tpu.core_type = #tpu.core_type<sc_vector_subcore>, window_params = [{transform_indices = #map}, {transform_indices = #map}, {transform_indices = #map1}, {transform_indices = #map1}, {transform_indices = #map}, {transform_indices = #map}]} {
    %broadcast_in_dim3A = arith.constant 0.000000e+00 : f32
    %broadcast_in_dim3A_0 = vector.broadcast %broadcast_in_dim3A : f32 to vector<16xf32>
    %scan3A = arith.constant 0 : i32
    %scan3A_1 = arith.constant 80 : i32
    %scan3A_2 = arith.addi %scan3A, %scan3A_1 : i32
    %scan3A_3 = arith.constant 1 : i32
    scf.for %scan3A_88 = %scan3A to %scan3A_2 step %scan3A_3  : i32 {
      %mul3A_89 = arith.constant 1 : i32
      %mul3A_90 = arith.muli %scan3A_88, %mul3A_89 : i32
      %add3A = arith.constant 0 : i32
      %add3A_91 = arith.addi %add3A, %mul3A_90 : i32
      %scan3A_92 = arith.constant 0 : i32
      %scan3A_93 = arith.constant 8 : i32
      %scan3A_94 = arith.addi %scan3A_92, %scan3A_93 : i32
      %scan3A_95 = arith.constant 1 : i32
      scf.for %scan3A_97 = %scan3A_92 to %scan3A_94 step %scan3A_95  : i32 {
        %mul3A_98 = arith.constant 16 : i32
        %mul3A_99 = arith.muli %scan3A_97, %mul3A_98 : i32
        %add3A_100 = arith.constant 0 : i32
        %add3A_101 = arith.addi %add3A_100, %mul3A_99 : i32
        %swap3A = arith.index_cast %add3A_91 : i32 to index
        %swap3A_102 = arith.index_cast %add3A_101 : i32 to index
        %swap3A_103 = tpu.vector_load %arg14[%swap3A, %swap3A_102] {strides = array<i32>} : memref<120x128xf32, #tpu.memory_space<vmem>>, vector<1x16xf32>,
        %swap3A_104 = vector.shape_cast %swap3A_103 : vector<1x16xf32> to vector<16xf32>
        %swap3A_105 = vector.shape_cast %broadcast_in_dim3A_0 : vector<16xf32> to vector<1x16xf32>
        tpu.vector_store %arg14[%swap3A, %swap3A_102], %swap3A_105 {strides = array<i32>} : memref<120x128xf32, #tpu.memory_space<vmem>>, vector<1x16xf32>,
      }
      %scan3A_96 = arith.constant 8 : i32
    }
    %scan3A_4 = arith.constant 80 : i32
    %scan3A_5 = arith.constant 0 : i32
    %scan3A_6 = arith.constant 8 : i32
    %scan3A_7 = arith.addi %scan3A_5, %scan3A_6 : i32
    %scan3A_8 = arith.constant 1 : i32
    scf.for %scan3A_88 = %scan3A_5 to %scan3A_7 step %scan3A_8  : i32 {
      %mul3A_89 = arith.constant 80 : i32
      %mul3A_90 = arith.muli %scan3A_88, %mul3A_89 : i32
      %add3A = arith.constant 0 : i32
      %add3A_91 = arith.addi %add3A, %mul3A_90 : i32
      %mul3A_92 = arith.constant 640 : i32
      %mul3A_93 = arith.muli %arg1, %mul3A_92 : i32
      %add3A_94 = arith.addi %mul3A_93, %add3A_91 : i32
      %dma_start3A_95 = arith.constant 0 : i32
      %dma_start3A_96 = arith.constant 0 : i32
      %dma_start3A_97 = tpu.memref_slice %arg14[%dma_start3A_95, %dma_start3A_96] : memref<120x128xf32, #tpu.memory_space<vmem>> -> memref<80x128xf32, #tpu.memory_space<vmem>>
      %dma_start3A_98 = arith.constant 0 : i32
      %dma_start3A_99 = tpu.memref_slice %arg17[%add3A_94, %dma_start3A_98] : memref<10240x128xf32, #tpu.memory_space<vmem_shared>> -> memref<80x128xf32, #tpu.memory_space<vmem_shared>>
      %dma_start3A_100 = arith.constant 0 : i32
      %dma_start3A_101 = tpu.memref_slice %arg17[%add3A_94, %dma_start3A_100] : memref<10240x128xf32, #tpu.memory_space<vmem_shared>> -> memref<80x128xf32, #tpu.memory_space<vmem_shared>>
      %dma_start3A_102 = arith.constant 0 : i32
      %dma_start3A_103 = arith.constant 0 : i32
      %dma_start3A_104 = tpu.memref_slice %arg14[%dma_start3A_102, %dma_start3A_103] : memref<120x128xf32, #tpu.memory_space<vmem>> -> memref<80x128xf32, #tpu.memory_space<vmem>>
      tpu.enqueue_dma source(%dma_start3A_104 : memref<80x128xf32, #tpu.memory_space<vmem>>) target(%dma_start3A_101 : memref<80x128xf32, #tpu.memory_space<vmem_shared>>) target_semaphore(%arg21 : memref<!tpu.dma_semaphore, #tpu.memory_space<semaphore_mem>>)
    }
    %scan3A_9 = arith.constant 8 : i32
    %scan3A_10 = arith.constant 0 : i32
    %scan3A_11 = arith.constant 8 : i32
    %scan3A_12 = arith.addi %scan3A_10, %scan3A_11 : i32
    %scan3A_13 = arith.constant 1 : i32
    scf.for %scan3A_88 = %scan3A_10 to %scan3A_12 step %scan3A_13  : i32 {
      %mul3A_89 = arith.constant 80 : i32
      %mul3A_90 = arith.muli %scan3A_88, %mul3A_89 : i32
      %add3A = arith.constant 0 : i32
      %add3A_91 = arith.addi %add3A, %mul3A_90 : i32
      %dma_wait3A_92 = arith.constant 0 : i32
      %dma_wait3A_93 = arith.constant 0 : i32
      %dma_wait3A_94 = tpu.memref_slice %arg14[%dma_wait3A_92, %dma_wait3A_93] : memref<120x128xf32, #tpu.memory_space<vmem>> -> memref<80x128xf32, #tpu.memory_space<vmem>>
      %dma_wait3A_95 = arith.constant 0 : i32
      %dma_wait3A_96 = arith.constant 0 : i32
      %dma_wait3A_97 = tpu.memref_slice %arg17[%dma_wait3A_95, %dma_wait3A_96] : memref<10240x128xf32, #tpu.memory_space<vmem_shared>> -> memref<80x128xf32, #tpu.memory_space<vmem_shared>>
      %dma_wait3A_98 = arith.constant 0 : i32
      %dma_wait3A_99 = arith.constant 0 : i32
      %dma_wait3A_100 = tpu.memref_slice %arg17[%dma_wait3A_98, %dma_wait3A_99] : memref<10240x128xf32, #tpu.memory_space<vmem_shared>> -> memref<80x128xf32, #tpu.memory_space<vmem_shared>>
      %dma_wait3A_101 = arith.constant 0 : i32
      %dma_wait3A_102 = arith.constant 0 : i32
      %dma_wait3A_103 = tpu.memref_slice %arg14[%dma_wait3A_101, %dma_wait3A_102] : memref<120x128xf32, #tpu.memory_space<vmem>> -> memref<80x128xf32, #tpu.memory_space<vmem>>
      tpu.wait_dma2 semaphore(%arg21 : memref<!tpu.dma_semaphore, #tpu.memory_space<semaphore_mem>>) src(%dma_wait3A_103 : memref<80x128xf32, #tpu.memory_space<vmem>>) dst(%dma_wait3A_100 : memref<80x128xf32, #tpu.memory_space<vmem_shared>>)
    }
    %scan3A_14 = arith.constant 8 : i32
    %barrier3A = arith.constant 0 : index
    tpu.barrier barrier_id(%barrier3A)
    %dma_start3A = arith.constant 0 : i32
    %dma_start3A_15 = arith.constant 0 : i32
    %dma_start3A_16 = arith.constant 0 : i32
    %dma_start3A_17 = tpu.memref_slice %arg4[%arg1, %dma_start3A, %dma_start3A_15, %dma_start3A_16] : memref<16x84x1x120xi32, #tpu.memory_space<hbm>> -> memref<1x1x1x120xi32, #tpu.memory_space<hbm>>
    %dma_start3A_18 = tpu.memref_squeeze %dma_start3A_17 : memref<1x1x1x120xi32, #tpu.memory_space<hbm>> -> memref<120xi32, #tpu.memory_space<hbm>>
    %dma_start3A_19 = arith.constant 0 : i32
    %dma_start3A_20 = tpu.memref_slice %arg4[%arg1, %dma_start3A, %dma_start3A_15, %dma_start3A_19] : memref<16x84x1x120xi32, #tpu.memory_space<hbm>> -> memref<1x1x1x120xi32, #tpu.memory_space<hbm>>
    %dma_start3A_21 = tpu.memref_squeeze %dma_start3A_20 : memref<1x1x1x120xi32, #tpu.memory_space<hbm>> -> memref<120xi32, #tpu.memory_space<hbm>>
    tpu.enqueue_dma source(%dma_start3A_21 : memref<120xi32, #tpu.memory_space<hbm>>) target(%arg8 : memref<120xi32, #tpu.memory_space<vmem>>) target_semaphore(%arg18 : memref<!tpu.dma_semaphore, #tpu.memory_space<semaphore_mem>>)
    %dma_start3A_22 = arith.constant 0 : i32
    %dma_start3A_23 = arith.constant 0 : i32
    %dma_start3A_24 = arith.constant 0 : i32
    %dma_start3A_25 = tpu.memref_slice %arg5[%arg1, %dma_start3A_22, %dma_start3A_23, %dma_start3A_24] : memref<16x84x1x120xi32, #tpu.memory_space<hbm>> -> memref<1x1x1x120xi32, #tpu.memory_space<hbm>>
    %dma_start3A_26 = tpu.memref_squeeze %dma_start3A_25 : memref<1x1x1x120xi32, #tpu.memory_space<hbm>> -> memref<120xi32, #tpu.memory_space<hbm>>
    %dma_start3A_27 = arith.constant 0 : i32
    %dma_start3A_28 = tpu.memref_slice %arg5[%arg1, %dma_start3A_22, %dma_start3A_23, %dma_start3A_27] : memref<16x84x1x120xi32, #tpu.memory_space<hbm>> -> memref<1x1x1x120xi32, #tpu.memory_space<hbm>>
    %dma_start3A_29 = tpu.memref_squeeze %dma_start3A_28 : memref<1x1x1x120xi32, #tpu.memory_space<hbm>> -> memref<120xi32, #tpu.memory_space<hbm>>
    tpu.enqueue_dma source(%dma_start3A_29 : memref<120xi32, #tpu.memory_space<hbm>>) target(%arg11 : memref<120xi32, #tpu.memory_space<vmem>>) target_semaphore(%arg18 : memref<!tpu.dma_semaphore, #tpu.memory_space<semaphore_mem>>)
    %dma_start3A_30 = arith.constant 1 : i32
    %dma_start3A_31 = arith.constant 0 : i32
    %dma_start3A_32 = arith.constant 0 : i32
    %dma_start3A_33 = tpu.memref_slice %arg4[%arg1, %dma_start3A_30, %dma_start3A_31, %dma_start3A_32] : memref<16x84x1x120xi32, #tpu.memory_space<hbm>> -> memref<1x1x1x120xi32, #tpu.memory_space<hbm>>
    %dma_start3A_34 = tpu.memref_squeeze %dma_start3A_33 : memref<1x1x1x120xi32, #tpu.memory_space<hbm>> -> memref<120xi32, #tpu.memory_space<hbm>>
    %dma_start3A_35 = arith.constant 0 : i32
    %dma_start3A_36 = tpu.memref_slice %arg4[%arg1, %dma_start3A_30, %dma_start3A_31, %dma_start3A_35] : memref<16x84x1x120xi32, #tpu.memory_space<hbm>> -> memref<1x1x1x120xi32, #tpu.memory_space<hbm>>
    %dma_start3A_37 = tpu.memref_squeeze %dma_start3A_36 : memref<1x1x1x120xi32, #tpu.memory_space<hbm>> -> memref<120xi32, #tpu.memory_space<hbm>>
    tpu.enqueue_dma source(%dma_start3A_37 : memref<120xi32, #tpu.memory_space<hbm>>) target(%arg9 : memref<120xi32, #tpu.memory_space<vmem>>) target_semaphore(%arg19 : memref<!tpu.dma_semaphore, #tpu.memory_space<semaphore_mem>>)
    %dma_start3A_38 = arith.constant 1 : i32
    %dma_start3A_39 = arith.constant 0 : i32
    %dma_start3A_40 = arith.constant 0 : i32
    %dma_start3A_41 = tpu.memref_slice %arg5[%arg1, %dma_start3A_38, %dma_start3A_39, %dma_start3A_40] : memref<16x84x1x120xi32, #tpu.memory_space<hbm>> -> memref<1x1x1x120xi32, #tpu.memory_space<hbm>>
    %dma_start3A_42 = tpu.memref_squeeze %dma_start3A_41 : memref<1x1x1x120xi32, #tpu.memory_space<hbm>> -> memref<120xi32, #tpu.memory_space<hbm>>
    %dma_start3A_43 = arith.constant 0 : i32
    %dma_start3A_44 = tpu.memref_slice %arg5[%arg1, %dma_start3A_38, %dma_start3A_39, %dma_start3A_43] : memref<16x84x1x120xi32, #tpu.memory_space<hbm>> -> memref<1x1x1x120xi32, #tpu.memory_space<hbm>>
    %dma_start3A_45 = tpu.memref_squeeze %dma_start3A_44 : memref<1x1x1x120xi32, #tpu.memory_space<hbm>> -> memref<120xi32, #tpu.memory_space<hbm>>
    tpu.enqueue_dma source(%dma_start3A_45 : memref<120xi32, #tpu.memory_space<hbm>>) target(%arg12 : memref<120xi32, #tpu.memory_space<vmem>>) target_semaphore(%arg19 : memref<!tpu.dma_semaphore, #tpu.memory_space<semaphore_mem>>)
    %dma_wait3A = arith.constant 0 : i32
    %dma_wait3A_46 = arith.constant 0 : i32
    %dma_wait3A_47 = arith.constant 0 : i32
    %dma_wait3A_48 = tpu.memref_slice %arg4[%arg1, %dma_wait3A, %dma_wait3A_46, %dma_wait3A_47] : memref<16x84x1x120xi32, #tpu.memory_space<hbm>> -> memref<1x1x1x120xi32, #tpu.memory_space<hbm>>
    %dma_wait3A_49 = tpu.memref_squeeze %dma_wait3A_48 : memref<1x1x1x120xi32, #tpu.memory_space<hbm>> -> memref<120xi32, #tpu.memory_space<hbm>>
    %dma_wait3A_50 = arith.constant 0 : i32
    %dma_wait3A_51 = tpu.memref_slice %arg4[%arg1, %dma_wait3A, %dma_wait3A_46, %dma_wait3A_50] : memref<16x84x1x120xi32, #tpu.memory_space<hbm>> -> memref<1x1x1x120xi32, #tpu.memory_space<hbm>>
    %dma_wait3A_52 = tpu.memref_squeeze %dma_wait3A_51 : memref<1x1x1x120xi32, #tpu.memory_space<hbm>> -> memref<120xi32, #tpu.memory_space<hbm>>
    tpu.wait_dma2 semaphore(%arg18 : memref<!tpu.dma_semaphore, #tpu.memory_space<semaphore_mem>>) src(%dma_wait3A_52 : memref<120xi32, #tpu.memory_space<hbm>>) dst(%arg8 : memref<120xi32, #tpu.memory_space<vmem>>)
    %dma_wait3A_53 = arith.constant 0 : i32
    %dma_wait3A_54 = arith.constant 0 : i32
    %dma_wait3A_55 = arith.constant 0 : i32
    %dma_wait3A_56 = tpu.memref_slice %arg5[%arg1, %dma_wait3A_53, %dma_wait3A_54, %dma_wait3A_55] : memref<16x84x1x120xi32, #tpu.memory_space<hbm>> -> memref<1x1x1x120xi32, #tpu.memory_space<hbm>>
    %dma_wait3A_57 = tpu.memref_squeeze %dma_wait3A_56 : memref<1x1x1x120xi32, #tpu.memory_space<hbm>> -> memref<120xi32, #tpu.memory_space<hbm>>
    %dma_wait3A_58 = arith.constant 0 : i32
    %dma_wait3A_59 = tpu.memref_slice %arg5[%arg1, %dma_wait3A_53, %dma_wait3A_54, %dma_wait3A_58] : memref<16x84x1x120xi32, #tpu.memory_space<hbm>> -> memref<1x1x1x120xi32, #tpu.memory_space<hbm>>
    %dma_wait3A_60 = tpu.memref_squeeze %dma_wait3A_59 : memref<1x1x1x120xi32, #tpu.memory_space<hbm>> -> memref<120xi32, #tpu.memory_space<hbm>>
    tpu.wait_dma2 semaphore(%arg18 : memref<!tpu.dma_semaphore, #tpu.memory_space<semaphore_mem>>) src(%dma_wait3A_60 : memref<120xi32, #tpu.memory_space<hbm>>) dst(%arg11 : memref<120xi32, #tpu.memory_space<vmem>>)
    %eq3A = arith.constant 0 : i32
    %eq3A_61 = arith.cmpi eq, %arg0, %eq3A : i32
    %convert_element_type3A = arith.extui %eq3A_61 : i1 to i32
    %cond3A = arith.constant 0 : i32
    %cond3A_62 = arith.cmpi ne, %convert_element_type3A, %cond3A : i32
    scf.if %cond3A_62 {
      %dma_start3A_88 = arith.constant 0 : i32
      %dma_start3A_89 = arith.constant 0 : i32
      %dma_start3A_90 = tpu.memref_slice %arg2[%dma_start3A_88, %dma_start3A_89] : memref<10000x128xf32, #tpu.memory_space<hbm>> -> memref<10000x128xf32, #tpu.memory_space<hbm>>
      tpu.enqueue_indirect_dma source(%dma_start3A_90 : memref<10000x128xf32, #tpu.memory_space<hbm>>) target(%arg14 : memref<120x128xf32, #tpu.memory_space<vmem>>) offsets(%arg8 : memref<120xi32, #tpu.memory_space<vmem>>) semaphore(%arg21 : memref<!tpu.dma_semaphore, #tpu.memory_space<semaphore_mem>>)
    } else {
    }
    %eq3A_63 = arith.constant 1 : i32
    %eq3A_64 = arith.cmpi eq, %arg0, %eq3A_63 : i32
    %convert_element_type3A_65 = arith.extui %eq3A_64 : i1 to i32
    %cond3A_66 = arith.constant 0 : i32
    %cond3A_67 = arith.cmpi ne, %convert_element_type3A_65, %cond3A_66 : i32
    scf.if %cond3A_67 {
      %dma_start3A_88 = arith.constant 0 : i32
      %dma_start3A_89 = arith.constant 0 : i32
      %dma_start3A_90 = tpu.memref_slice %arg3[%dma_start3A_88, %dma_start3A_89] : memref<10000x128xf32, #tpu.memory_space<hbm>> -> memref<10000x128xf32, #tpu.memory_space<hbm>>
      tpu.enqueue_indirect_dma source(%dma_start3A_90 : memref<10000x128xf32, #tpu.memory_space<hbm>>) target(%arg14 : memref<120x128xf32, #tpu.memory_space<vmem>>) offsets(%arg8 : memref<120xi32, #tpu.memory_space<vmem>>) semaphore(%arg21 : memref<!tpu.dma_semaphore, #tpu.memory_space<semaphore_mem>>)
    } else {
    }
    %scan3A_68 = arith.constant 0 : i32
    %scan3A_69 = arith.constant 28 : i32
    %scan3A_70 = arith.addi %scan3A_68, %scan3A_69 : i32
    %scan3A_71 = arith.constant 1 : i32
    scf.for %scan3A_88 = %scan3A_68 to %scan3A_70 step %scan3A_71  : i32 {
      %mul3A_89 = arith.constant 3 : i32
      %mul3A_90 = arith.muli %scan3A_88, %mul3A_89 : i32
      %add3A = arith.constant 0 : i32
      %add3A_91 = arith.addi %add3A, %mul3A_90 : i32
      %add3A_92 = arith.constant 0 : i32
      %add3A_93 = arith.addi %add3A_91, %add3A_92 : i32
      %ge3A = arith.constant 1 : i32
      %ge3A_94 = arith.cmpi sge, %add3A_93, %ge3A : i32
      %convert_element_type3A_95 = arith.extui %ge3A_94 : i1 to i32
      %cond3A_96 = arith.constant 0 : i32
      %cond3A_97 = arith.cmpi ne, %convert_element_type3A_95, %cond3A_96 : i32
      scf.if %cond3A_97 {
        %dma_wait3A_171 = arith.constant 0 : i32
        %dma_wait3A_172 = arith.constant 0 : i32
        %dma_wait3A_173 = tpu.memref_slice %arg17[%dma_wait3A_171, %dma_wait3A_172] : memref<10240x128xf32, #tpu.memory_space<vmem_shared>> -> memref<10240x128xf32, #tpu.memory_space<vmem_shared>>
        tpu.wait_indirect_dma semaphore(%arg26 : memref<!tpu.dma_semaphore, #tpu.memory_space<semaphore_mem>>) src(%arg16 : memref<120x128xf32, #tpu.memory_space<vmem>>) dst(%dma_wait3A_173 : memref<10240x128xf32, #tpu.memory_space<vmem_shared>>)
      } else {
      }
      %add3A_98 = arith.constant 2 : i32
      %add3A_99 = arith.addi %add3A_93, %add3A_98 : i32
      %lt3A = arith.constant 84 : i32
      %lt3A_100 = arith.cmpi slt, %add3A_99, %lt3A : i32
      %convert_element_type3A_101 = arith.extui %lt3A_100 : i1 to i32
      %cond3A_102 = arith.constant 0 : i32
      %cond3A_103 = arith.cmpi ne, %convert_element_type3A_101, %cond3A_102 : i32
      scf.if %cond3A_103 {
        %add3A_171 = arith.constant 2 : i32
        %add3A_172 = arith.addi %add3A_93, %add3A_171 : i32
        %dma_start3A_173 = arith.constant 0 : i32
        %dma_start3A_174 = arith.constant 0 : i32
        %dma_start3A_175 = tpu.memref_slice %arg4[%arg1, %add3A_172, %dma_start3A_173, %dma_start3A_174] : memref<16x84x1x120xi32, #tpu.memory_space<hbm>> -> memref<1x1x1x120xi32, #tpu.memory_space<hbm>>
        %dma_start3A_176 = tpu.memref_squeeze %dma_start3A_175 : memref<1x1x1x120xi32, #tpu.memory_space<hbm>> -> memref<120xi32, #tpu.memory_space<hbm>>
        %dma_start3A_177 = arith.constant 0 : i32
        %dma_start3A_178 = tpu.memref_slice %arg4[%arg1, %add3A_172, %dma_start3A_173, %dma_start3A_177] : memref<16x84x1x120xi32, #tpu.memory_space<hbm>> -> memref<1x1x1x120xi32, #tpu.memory_space<hbm>>
        %dma_start3A_179 = tpu.memref_squeeze %dma_start3A_178 : memref<1x1x1x120xi32, #tpu.memory_space<hbm>> -> memref<120xi32, #tpu.memory_space<hbm>>
        tpu.enqueue_dma source(%dma_start3A_179 : memref<120xi32, #tpu.memory_space<hbm>>) target(%arg10 : memref<120xi32, #tpu.memory_space<vmem>>) target_semaphore(%arg20 : memref<!tpu.dma_semaphore, #tpu.memory_space<semaphore_mem>>)
        %dma_start3A_180 = arith.constant 0 : i32
        %dma_start3A_181 = arith.constant 0 : i32
        %dma_start3A_182 = tpu.memref_slice %arg5[%arg1, %add3A_172, %dma_start3A_180, %dma_start3A_181] : memref<16x84x1x120xi32, #tpu.memory_space<hbm>> -> memref<1x1x1x120xi32, #tpu.memory_space<hbm>>
        %dma_start3A_183 = tpu.memref_squeeze %dma_start3A_182 : memref<1x1x1x120xi32, #tpu.memory_space<hbm>> -> memref<120xi32, #tpu.memory_space<hbm>>
        %dma_start3A_184 = arith.constant 0 : i32
        %dma_start3A_185 = tpu.memref_slice %arg5[%arg1, %add3A_172, %dma_start3A_180, %dma_start3A_184] : memref<16x84x1x120xi32, #tpu.memory_space<hbm>> -> memref<1x1x1x120xi32, #tpu.memory_space<hbm>>
        %dma_start3A_186 = tpu.memref_squeeze %dma_start3A_185 : memref<1x1x1x120xi32, #tpu.memory_space<hbm>> -> memref<120xi32, #tpu.memory_space<hbm>>
        tpu.enqueue_dma source(%dma_start3A_186 : memref<120xi32, #tpu.memory_space<hbm>>) target(%arg13 : memref<120xi32, #tpu.memory_space<vmem>>) target_semaphore(%arg20 : memref<!tpu.dma_semaphore, #tpu.memory_space<semaphore_mem>>)
      } else {
      }
      %add3A_104 = arith.constant 1 : i32
      %add3A_105 = arith.addi %add3A_93, %add3A_104 : i32
      %lt3A_106 = arith.constant 84 : i32
      %lt3A_107 = arith.cmpi slt, %add3A_105, %lt3A_106 : i32
      %convert_element_type3A_108 = arith.extui %lt3A_107 : i1 to i32
      %cond3A_109 = arith.constant 0 : i32
      %cond3A_110 = arith.cmpi ne, %convert_element_type3A_108, %cond3A_109 : i32
      scf.if %cond3A_110 {
        %dma_wait3A_171 = arith.constant 0 : i32
        %dma_wait3A_172 = arith.constant 0 : i32
        %dma_wait3A_173 = arith.constant 0 : i32
        %dma_wait3A_174 = tpu.memref_slice %arg4[%arg1, %dma_wait3A_171, %dma_wait3A_172, %dma_wait3A_173] : memref<16x84x1x120xi32, #tpu.memory_space<hbm>> -> memref<1x1x1x120xi32, #tpu.memory_space<hbm>>
        %dma_wait3A_175 = tpu.memref_squeeze %dma_wait3A_174 : memref<1x1x1x120xi32, #tpu.memory_space<hbm>> -> memref<120xi32, #tpu.memory_space<hbm>>
        %dma_wait3A_176 = arith.constant 0 : i32
        %dma_wait3A_177 = tpu.memref_slice %arg4[%arg1, %dma_wait3A_171, %dma_wait3A_172, %dma_wait3A_176] : memref<16x84x1x120xi32, #tpu.memory_space<hbm>> -> memref<1x1x1x120xi32, #tpu.memory_space<hbm>>
        %dma_wait3A_178 = tpu.memref_squeeze %dma_wait3A_177 : memref<1x1x1x120xi32, #tpu.memory_space<hbm>> -> memref<120xi32, #tpu.memory_space<hbm>>
        tpu.wait_dma2 semaphore(%arg19 : memref<!tpu.dma_semaphore, #tpu.memory_space<semaphore_mem>>) src(%dma_wait3A_178 : memref<120xi32, #tpu.memory_space<hbm>>) dst(%arg9 : memref<120xi32, #tpu.memory_space<vmem>>)
        %dma_wait3A_179 = arith.constant 0 : i32
        %dma_wait3A_180 = arith.constant 0 : i32
        %dma_wait3A_181 = arith.constant 0 : i32
        %dma_wait3A_182 = tpu.memref_slice %arg5[%arg1, %dma_wait3A_179, %dma_wait3A_180, %dma_wait3A_181] : memref<16x84x1x120xi32, #tpu.memory_space<hbm>> -> memref<1x1x1x120xi32, #tpu.memory_space<hbm>>
        %dma_wait3A_183 = tpu.memref_squeeze %dma_wait3A_182 : memref<1x1x1x120xi32, #tpu.memory_space<hbm>> -> memref<120xi32, #tpu.memory_space<hbm>>
        %dma_wait3A_184 = arith.constant 0 : i32
        %dma_wait3A_185 = tpu.memref_slice %arg5[%arg1, %dma_wait3A_179, %dma_wait3A_180, %dma_wait3A_184] : memref<16x84x1x120xi32, #tpu.memory_space<hbm>> -> memref<1x1x1x120xi32, #tpu.memory_space<hbm>>
        %dma_wait3A_186 = tpu.memref_squeeze %dma_wait3A_185 : memref<1x1x1x120xi32, #tpu.memory_space<hbm>> -> memref<120xi32, #tpu.memory_space<hbm>>
        tpu.wait_dma2 semaphore(%arg19 : memref<!tpu.dma_semaphore, #tpu.memory_space<semaphore_mem>>) src(%dma_wait3A_186 : memref<120xi32, #tpu.memory_space<hbm>>) dst(%arg12 : memref<120xi32, #tpu.memory_space<vmem>>)
        %eq3A_187 = arith.constant 0 : i32
        %eq3A_188 = arith.cmpi eq, %arg0, %eq3A_187 : i32
        %convert_element_type3A_189 = arith.extui %eq3A_188 : i1 to i32
        %cond3A_190 = arith.constant 0 : i32
        %cond3A_191 = arith.cmpi ne, %convert_element_type3A_189, %cond3A_190 : i32
        scf.if %cond3A_191 {
          %dma_start3A_197 = arith.constant 0 : i32
          %dma_start3A_198 = arith.constant 0 : i32
          %dma_start3A_199 = tpu.memref_slice %arg2[%dma_start3A_197, %dma_start3A_198] : memref<10000x128xf32, #tpu.memory_space<hbm>> -> memref<10000x128xf32, #tpu.memory_space<hbm>>
          tpu.enqueue_indirect_dma source(%dma_start3A_199 : memref<10000x128xf32, #tpu.memory_space<hbm>>) target(%arg15 : memref<120x128xf32, #tpu.memory_space<vmem>>) offsets(%arg9 : memref<120xi32, #tpu.memory_space<vmem>>) semaphore(%arg22 : memref<!tpu.dma_semaphore, #tpu.memory_space<semaphore_mem>>)
        } else {
        }
        %eq3A_192 = arith.constant 1 : i32
        %eq3A_193 = arith.cmpi eq, %arg0, %eq3A_192 : i32
        %convert_element_type3A_194 = arith.extui %eq3A_193 : i1 to i32
        %cond3A_195 = arith.constant 0 : i32
        %cond3A_196 = arith.cmpi ne, %convert_element_type3A_194, %cond3A_195 : i32
        scf.if %cond3A_196 {
          %dma_start3A_197 = arith.constant 0 : i32
          %dma_start3A_198 = arith.constant 0 : i32
          %dma_start3A_199 = tpu.memref_slice %arg3[%dma_start3A_197, %dma_start3A_198] : memref<10000x128xf32, #tpu.memory_space<hbm>> -> memref<10000x128xf32, #tpu.memory_space<hbm>>
          tpu.enqueue_indirect_dma source(%dma_start3A_199 : memref<10000x128xf32, #tpu.memory_space<hbm>>) target(%arg15 : memref<120x128xf32, #tpu.memory_space<vmem>>) offsets(%arg9 : memref<120xi32, #tpu.memory_space<vmem>>) semaphore(%arg22 : memref<!tpu.dma_semaphore, #tpu.memory_space<semaphore_mem>>)
        } else {
        }
      } else {
      }
      %dma_wait3A_111 = arith.constant 0 : i32
      %dma_wait3A_112 = arith.constant 0 : i32
      %dma_wait3A_113 = tpu.memref_slice %arg2[%dma_wait3A_111, %dma_wait3A_112] : memref<10000x128xf32, #tpu.memory_space<hbm>> -> memref<10000x128xf32, #tpu.memory_space<hbm>>
      tpu.wait_indirect_dma semaphore(%arg21 : memref<!tpu.dma_semaphore, #tpu.memory_space<semaphore_mem>>) src(%dma_wait3A_113 : memref<10000x128xf32, #tpu.memory_space<hbm>>) dst(%arg14 : memref<120x128xf32, #tpu.memory_space<vmem>>)
      %dma_start3A_114 = arith.constant 0 : i32
      %dma_start3A_115 = arith.constant 0 : i32
      %dma_start3A_116 = tpu.memref_slice %arg17[%dma_start3A_114, %dma_start3A_115] : memref<10240x128xf32, #tpu.memory_space<vmem_shared>> -> memref<10240x128xf32, #tpu.memory_space<vmem_shared>>
      tpu.enqueue_indirect_dma source(%arg14 : memref<120x128xf32, #tpu.memory_space<vmem>>) target(%dma_start3A_116 : memref<10240x128xf32, #tpu.memory_space<vmem_shared>>) offsets(%arg11 : memref<120xi32, #tpu.memory_space<vmem>>) semaphore(%arg24 : memref<!tpu.dma_semaphore, #tpu.memory_space<semaphore_mem>>) {add = true}
      %add3A_117 = arith.constant 1 : i32
      %add3A_118 = arith.addi %add3A_91, %add3A_117 : i32
      %ge3A_119 = arith.constant 1 : i32
      %ge3A_120 = arith.cmpi sge, %add3A_118, %ge3A_119 : i32
      %convert_element_type3A_121 = arith.extui %ge3A_120 : i1 to i32
      %cond3A_122 = arith.constant 0 : i32
      %cond3A_123 = arith.cmpi ne, %convert_element_type3A_121, %cond3A_122 : i32
      scf.if %cond3A_123 {
        %dma_wait3A_171 = arith.constant 0 : i32
        %dma_wait3A_172 = arith.constant 0 : i32
        %dma_wait3A_173 = tpu.memref_slice %arg17[%dma_wait3A_171, %dma_wait3A_172] : memref<10240x128xf32, #tpu.memory_space<vmem_shared>> -> memref<10240x128xf32, #tpu.memory_space<vmem_shared>>
        tpu.wait_indirect_dma semaphore(%arg24 : memref<!tpu.dma_semaphore, #tpu.memory_space<semaphore_mem>>) src(%arg14 : memref<120x128xf32, #tpu.memory_space<vmem>>) dst(%dma_wait3A_173 : memref<10240x128xf32, #tpu.memory_space<vmem_shared>>)
      } else {
      }
      %add3A_124 = arith.constant 2 : i32
      %add3A_125 = arith.addi %add3A_118, %add3A_124 : i32
      %lt3A_126 = arith.constant 84 : i32
      %lt3A_127 = arith.cmpi slt, %add3A_125, %lt3A_126 : i32
      %convert_element_type3A_128 = arith.extui %lt3A_127 : i1 to i32
      %cond3A_129 = arith.constant 0 : i32
      %cond3A_130 = arith.cmpi ne, %convert_element_type3A_128, %cond3A_129 : i32
      scf.if %cond3A_130 {
        %add3A_171 = arith.constant 2 : i32
        %add3A_172 = arith.addi %add3A_118, %add3A_171 : i32
        %dma_start3A_173 = arith.constant 0 : i32
        %dma_start3A_174 = arith.constant 0 : i32
        %dma_start3A_175 = tpu.memref_slice %arg4[%arg1, %add3A_172, %dma_start3A_173, %dma_start3A_174] : memref<16x84x1x120xi32, #tpu.memory_space<hbm>> -> memref<1x1x1x120xi32, #tpu.memory_space<hbm>>
        %dma_start3A_176 = tpu.memref_squeeze %dma_start3A_175 : memref<1x1x1x120xi32, #tpu.memory_space<hbm>> -> memref<120xi32, #tpu.memory_space<hbm>>
        %dma_start3A_177 = arith.constant 0 : i32
        %dma_start3A_178 = tpu.memref_slice %arg4[%arg1, %add3A_172, %dma_start3A_173, %dma_start3A_177] : memref<16x84x1x120xi32, #tpu.memory_space<hbm>> -> memref<1x1x1x120xi32, #tpu.memory_space<hbm>>
        %dma_start3A_179 = tpu.memref_squeeze %dma_start3A_178 : memref<1x1x1x120xi32, #tpu.memory_space<hbm>> -> memref<120xi32, #tpu.memory_space<hbm>>
        tpu.enqueue_dma source(%dma_start3A_179 : memref<120xi32, #tpu.memory_space<hbm>>) target(%arg8 : memref<120xi32, #tpu.memory_space<vmem>>) target_semaphore(%arg18 : memref<!tpu.dma_semaphore, #tpu.memory_space<semaphore_mem>>)
        %dma_start3A_180 = arith.constant 0 : i32
        %dma_start3A_181 = arith.constant 0 : i32
        %dma_start3A_182 = tpu.memref_slice %arg5[%arg1, %add3A_172, %dma_start3A_180, %dma_start3A_181] : memref<16x84x1x120xi32, #tpu.memory_space<hbm>> -> memref<1x1x1x120xi32, #tpu.memory_space<hbm>>
        %dma_start3A_183 = tpu.memref_squeeze %dma_start3A_182 : memref<1x1x1x120xi32, #tpu.memory_space<hbm>> -> memref<120xi32, #tpu.memory_space<hbm>>
        %dma_start3A_184 = arith.constant 0 : i32
        %dma_start3A_185 = tpu.memref_slice %arg5[%arg1, %add3A_172, %dma_start3A_180, %dma_start3A_184] : memref<16x84x1x120xi32, #tpu.memory_space<hbm>> -> memref<1x1x1x120xi32, #tpu.memory_space<hbm>>
        %dma_start3A_186 = tpu.memref_squeeze %dma_start3A_185 : memref<1x1x1x120xi32, #tpu.memory_space<hbm>> -> memref<120xi32, #tpu.memory_space<hbm>>
        tpu.enqueue_dma source(%dma_start3A_186 : memref<120xi32, #tpu.memory_space<hbm>>) target(%arg11 : memref<120xi32, #tpu.memory_space<vmem>>) target_semaphore(%arg18 : memref<!tpu.dma_semaphore, #tpu.memory_space<semaphore_mem>>)
      } else {
      }
      %add3A_131 = arith.constant 1 : i32
      %add3A_132 = arith.addi %add3A_118, %add3A_131 : i32
      %lt3A_133 = arith.constant 84 : i32
      %lt3A_134 = arith.cmpi slt, %add3A_132, %lt3A_133 : i32
      %convert_element_type3A_135 = arith.extui %lt3A_134 : i1 to i32
      %cond3A_136 = arith.constant 0 : i32
      %cond3A_137 = arith.cmpi ne, %convert_element_type3A_135, %cond3A_136 : i32
      scf.if %cond3A_137 {
        %dma_wait3A_171 = arith.constant 0 : i32
        %dma_wait3A_172 = arith.constant 0 : i32
        %dma_wait3A_173 = arith.constant 0 : i32
        %dma_wait3A_174 = tpu.memref_slice %arg4[%arg1, %dma_wait3A_171, %dma_wait3A_172, %dma_wait3A_173] : memref<16x84x1x120xi32, #tpu.memory_space<hbm>> -> memref<1x1x1x120xi32, #tpu.memory_space<hbm>>
        %dma_wait3A_175 = tpu.memref_squeeze %dma_wait3A_174 : memref<1x1x1x120xi32, #tpu.memory_space<hbm>> -> memref<120xi32, #tpu.memory_space<hbm>>
        %dma_wait3A_176 = arith.constant 0 : i32
        %dma_wait3A_177 = tpu.memref_slice %arg4[%arg1, %dma_wait3A_171, %dma_wait3A_172, %dma_wait3A_176] : memref<16x84x1x120xi32, #tpu.memory_space<hbm>> -> memref<1x1x1x120xi32, #tpu.memory_space<hbm>>
        %dma_wait3A_178 = tpu.memref_squeeze %dma_wait3A_177 : memref<1x1x1x120xi32, #tpu.memory_space<hbm>> -> memref<120xi32, #tpu.memory_space<hbm>>
        tpu.wait_dma2 semaphore(%arg20 : memref<!tpu.dma_semaphore, #tpu.memory_space<semaphore_mem>>) src(%dma_wait3A_178 : memref<120xi32, #tpu.memory_space<hbm>>) dst(%arg10 : memref<120xi32, #tpu.memory_space<vmem>>)
        %dma_wait3A_179 = arith.constant 0 : i32
        %dma_wait3A_180 = arith.constant 0 : i32
        %dma_wait3A_181 = arith.constant 0 : i32
        %dma_wait3A_182 = tpu.memref_slice %arg5[%arg1, %dma_wait3A_179, %dma_wait3A_180, %dma_wait3A_181] : memref<16x84x1x120xi32, #tpu.memory_space<hbm>> -> memref<1x1x1x120xi32, #tpu.memory_space<hbm>>
        %dma_wait3A_183 = tpu.memref_squeeze %dma_wait3A_182 : memref<1x1x1x120xi32, #tpu.memory_space<hbm>> -> memref<120xi32, #tpu.memory_space<hbm>>
        %dma_wait3A_184 = arith.constant 0 : i32
        %dma_wait3A_185 = tpu.memref_slice %arg5[%arg1, %dma_wait3A_179, %dma_wait3A_180, %dma_wait3A_184] : memref<16x84x1x120xi32, #tpu.memory_space<hbm>> -> memref<1x1x1x120xi32, #tpu.memory_space<hbm>>
        %dma_wait3A_186 = tpu.memref_squeeze %dma_wait3A_185 : memref<1x1x1x120xi32, #tpu.memory_space<hbm>> -> memref<120xi32, #tpu.memory_space<hbm>>
        tpu.wait_dma2 semaphore(%arg20 : memref<!tpu.dma_semaphore, #tpu.memory_space<semaphore_mem>>) src(%dma_wait3A_186 : memref<120xi32, #tpu.memory_space<hbm>>) dst(%arg13 : memref<120xi32, #tpu.memory_space<vmem>>)
        %eq3A_187 = arith.constant 0 : i32
        %eq3A_188 = arith.cmpi eq, %arg0, %eq3A_187 : i32
        %convert_element_type3A_189 = arith.extui %eq3A_188 : i1 to i32
        %cond3A_190 = arith.constant 0 : i32
        %cond3A_191 = arith.cmpi ne, %convert_element_type3A_189, %cond3A_190 : i32
        scf.if %cond3A_191 {
          %dma_start3A_197 = arith.constant 0 : i32
          %dma_start3A_198 = arith.constant 0 : i32
          %dma_start3A_199 = tpu.memref_slice %arg2[%dma_start3A_197, %dma_start3A_198] : memref<10000x128xf32, #tpu.memory_space<hbm>> -> memref<10000x128xf32, #tpu.memory_space<hbm>>
          tpu.enqueue_indirect_dma source(%dma_start3A_199 : memref<10000x128xf32, #tpu.memory_space<hbm>>) target(%arg16 : memref<120x128xf32, #tpu.memory_space<vmem>>) offsets(%arg10 : memref<120xi32, #tpu.memory_space<vmem>>) semaphore(%arg23 : memref<!tpu.dma_semaphore, #tpu.memory_space<semaphore_mem>>)
        } else {
        }
        %eq3A_192 = arith.constant 1 : i32
        %eq3A_193 = arith.cmpi eq, %arg0, %eq3A_192 : i32
        %convert_element_type3A_194 = arith.extui %eq3A_193 : i1 to i32
        %cond3A_195 = arith.constant 0 : i32
        %cond3A_196 = arith.cmpi ne, %convert_element_type3A_194, %cond3A_195 : i32
        scf.if %cond3A_196 {
          %dma_start3A_197 = arith.constant 0 : i32
          %dma_start3A_198 = arith.constant 0 : i32
          %dma_start3A_199 = tpu.memref_slice %arg3[%dma_start3A_197, %dma_start3A_198] : memref<10000x128xf32, #tpu.memory_space<hbm>> -> memref<10000x128xf32, #tpu.memory_space<hbm>>
          tpu.enqueue_indirect_dma source(%dma_start3A_199 : memref<10000x128xf32, #tpu.memory_space<hbm>>) target(%arg16 : memref<120x128xf32, #tpu.memory_space<vmem>>) offsets(%arg10 : memref<120xi32, #tpu.memory_space<vmem>>) semaphore(%arg23 : memref<!tpu.dma_semaphore, #tpu.memory_space<semaphore_mem>>)
        } else {
        }
      } else {
      }
      %dma_wait3A_138 = arith.constant 0 : i32
      %dma_wait3A_139 = arith.constant 0 : i32
      %dma_wait3A_140 = tpu.memref_slice %arg2[%dma_wait3A_138, %dma_wait3A_139] : memref<10000x128xf32, #tpu.memory_space<hbm>> -> memref<10000x128xf32, #tpu.memory_space<hbm>>
      tpu.wait_indirect_dma semaphore(%arg22 : memref<!tpu.dma_semaphore, #tpu.memory_space<semaphore_mem>>) src(%dma_wait3A_140 : memref<10000x128xf32, #tpu.memory_space<hbm>>) dst(%arg15 : memref<120x128xf32, #tpu.memory_space<vmem>>)
      %dma_start3A_141 = arith.constant 0 : i32
      %dma_start3A_142 = arith.constant 0 : i32
      %dma_start3A_143 = tpu.memref_slice %arg17[%dma_start3A_141, %dma_start3A_142] : memref<10240x128xf32, #tpu.memory_space<vmem_shared>> -> memref<10240x128xf32, #tpu.memory_space<vmem_shared>>
      tpu.enqueue_indirect_dma source(%arg15 : memref<120x128xf32, #tpu.memory_space<vmem>>) target(%dma_start3A_143 : memref<10240x128xf32, #tpu.memory_space<vmem_shared>>) offsets(%arg12 : memref<120xi32, #tpu.memory_space<vmem>>) semaphore(%arg25 : memref<!tpu.dma_semaphore, #tpu.memory_space<semaphore_mem>>) {add = true}
      %add3A_144 = arith.constant 2 : i32
      %add3A_145 = arith.addi %add3A_91, %add3A_144 : i32
      %ge3A_146 = arith.constant 1 : i32
      %ge3A_147 = arith.cmpi sge, %add3A_145, %ge3A_146 : i32
      %convert_element_type3A_148 = arith.extui %ge3A_147 : i1 to i32
      %cond3A_149 = arith.constant 0 : i32
      %cond3A_150 = arith.cmpi ne, %convert_element_type3A_148, %cond3A_149 : i32
      scf.if %cond3A_150 {
        %dma_wait3A_171 = arith.constant 0 : i32
        %dma_wait3A_172 = arith.constant 0 : i32
        %dma_wait3A_173 = tpu.memref_slice %arg17[%dma_wait3A_171, %dma_wait3A_172] : memref<10240x128xf32, #tpu.memory_space<vmem_shared>> -> memref<10240x128xf32, #tpu.memory_space<vmem_shared>>
        tpu.wait_indirect_dma semaphore(%arg25 : memref<!tpu.dma_semaphore, #tpu.memory_space<semaphore_mem>>) src(%arg15 : memref<120x128xf32, #tpu.memory_space<vmem>>) dst(%dma_wait3A_173 : memref<10240x128xf32, #tpu.memory_space<vmem_shared>>)
      } else {
      }
      %add3A_151 = arith.constant 2 : i32
      %add3A_152 = arith.addi %add3A_145, %add3A_151 : i32
      %lt3A_153 = arith.constant 84 : i32
      %lt3A_154 = arith.cmpi slt, %add3A_152, %lt3A_153 : i32
      %convert_element_type3A_155 = arith.extui %lt3A_154 : i1 to i32
      %cond3A_156 = arith.constant 0 : i32
      %cond3A_157 = arith.cmpi ne, %convert_element_type3A_155, %cond3A_156 : i32
      scf.if %cond3A_157 {
        %add3A_171 = arith.constant 2 : i32
        %add3A_172 = arith.addi %add3A_145, %add3A_171 : i32
        %dma_start3A_173 = arith.constant 0 : i32
        %dma_start3A_174 = arith.constant 0 : i32
        %dma_start3A_175 = tpu.memref_slice %arg4[%arg1, %add3A_172, %dma_start3A_173, %dma_start3A_174] : memref<16x84x1x120xi32, #tpu.memory_space<hbm>> -> memref<1x1x1x120xi32, #tpu.memory_space<hbm>>
        %dma_start3A_176 = tpu.memref_squeeze %dma_start3A_175 : memref<1x1x1x120xi32, #tpu.memory_space<hbm>> -> memref<120xi32, #tpu.memory_space<hbm>>
        %dma_start3A_177 = arith.constant 0 : i32
        %dma_start3A_178 = tpu.memref_slice %arg4[%arg1, %add3A_172, %dma_start3A_173, %dma_start3A_177] : memref<16x84x1x120xi32, #tpu.memory_space<hbm>> -> memref<1x1x1x120xi32, #tpu.memory_space<hbm>>
        %dma_start3A_179 = tpu.memref_squeeze %dma_start3A_178 : memref<1x1x1x120xi32, #tpu.memory_space<hbm>> -> memref<120xi32, #tpu.memory_space<hbm>>
        tpu.enqueue_dma source(%dma_start3A_179 : memref<120xi32, #tpu.memory_space<hbm>>) target(%arg9 : memref<120xi32, #tpu.memory_space<vmem>>) target_semaphore(%arg19 : memref<!tpu.dma_semaphore, #tpu.memory_space<semaphore_mem>>)
        %dma_start3A_180 = arith.constant 0 : i32
        %dma_start3A_181 = arith.constant 0 : i32
        %dma_start3A_182 = tpu.memref_slice %arg5[%arg1, %add3A_172, %dma_start3A_180, %dma_start3A_181] : memref<16x84x1x120xi32, #tpu.memory_space<hbm>> -> memref<1x1x1x120xi32, #tpu.memory_space<hbm>>
        %dma_start3A_183 = tpu.memref_squeeze %dma_start3A_182 : memref<1x1x1x120xi32, #tpu.memory_space<hbm>> -> memref<120xi32, #tpu.memory_space<hbm>>
        %dma_start3A_184 = arith.constant 0 : i32
        %dma_start3A_185 = tpu.memref_slice %arg5[%arg1, %add3A_172, %dma_start3A_180, %dma_start3A_184] : memref<16x84x1x120xi32, #tpu.memory_space<hbm>> -> memref<1x1x1x120xi32, #tpu.memory_space<hbm>>
        %dma_start3A_186 = tpu.memref_squeeze %dma_start3A_185 : memref<1x1x1x120xi32, #tpu.memory_space<hbm>> -> memref<120xi32, #tpu.memory_space<hbm>>
        tpu.enqueue_dma source(%dma_start3A_186 : memref<120xi32, #tpu.memory_space<hbm>>) target(%arg12 : memref<120xi32, #tpu.memory_space<vmem>>) target_semaphore(%arg19 : memref<!tpu.dma_semaphore, #tpu.memory_space<semaphore_mem>>)
      } else {
      }
      %add3A_158 = arith.constant 1 : i32
      %add3A_159 = arith.addi %add3A_145, %add3A_158 : i32
      %lt3A_160 = arith.constant 84 : i32
      %lt3A_161 = arith.cmpi slt, %add3A_159, %lt3A_160 : i32
      %convert_element_type3A_162 = arith.extui %lt3A_161 : i1 to i32
      %cond3A_163 = arith.constant 0 : i32
      %cond3A_164 = arith.cmpi ne, %convert_element_type3A_162, %cond3A_163 : i32
      scf.if %cond3A_164 {
        %dma_wait3A_171 = arith.constant 0 : i32
        %dma_wait3A_172 = arith.constant 0 : i32
        %dma_wait3A_173 = arith.constant 0 : i32
        %dma_wait3A_174 = tpu.memref_slice %arg4[%arg1, %dma_wait3A_171, %dma_wait3A_172, %dma_wait3A_173] : memref<16x84x1x120xi32, #tpu.memory_space<hbm>> -> memref<1x1x1x120xi32, #tpu.memory_space<hbm>>
        %dma_wait3A_175 = tpu.memref_squeeze %dma_wait3A_174 : memref<1x1x1x120xi32, #tpu.memory_space<hbm>> -> memref<120xi32, #tpu.memory_space<hbm>>
        %dma_wait3A_176 = arith.constant 0 : i32
        %dma_wait3A_177 = tpu.memref_slice %arg4[%arg1, %dma_wait3A_171, %dma_wait3A_172, %dma_wait3A_176] : memref<16x84x1x120xi32, #tpu.memory_space<hbm>> -> memref<1x1x1x120xi32, #tpu.memory_space<hbm>>
        %dma_wait3A_178 = tpu.memref_squeeze %dma_wait3A_177 : memref<1x1x1x120xi32, #tpu.memory_space<hbm>> -> memref<120xi32, #tpu.memory_space<hbm>>
        tpu.wait_dma2 semaphore(%arg18 : memref<!tpu.dma_semaphore, #tpu.memory_space<semaphore_mem>>) src(%dma_wait3A_178 : memref<120xi32, #tpu.memory_space<hbm>>) dst(%arg8 : memref<120xi32, #tpu.memory_space<vmem>>)
        %dma_wait3A_179 = arith.constant 0 : i32
        %dma_wait3A_180 = arith.constant 0 : i32
        %dma_wait3A_181 = arith.constant 0 : i32
        %dma_wait3A_182 = tpu.memref_slice %arg5[%arg1, %dma_wait3A_179, %dma_wait3A_180, %dma_wait3A_181] : memref<16x84x1x120xi32, #tpu.memory_space<hbm>> -> memref<1x1x1x120xi32, #tpu.memory_space<hbm>>
        %dma_wait3A_183 = tpu.memref_squeeze %dma_wait3A_182 : memref<1x1x1x120xi32, #tpu.memory_space<hbm>> -> memref<120xi32, #tpu.memory_space<hbm>>
        %dma_wait3A_184 = arith.constant 0 : i32
        %dma_wait3A_185 = tpu.memref_slice %arg5[%arg1, %dma_wait3A_179, %dma_wait3A_180, %dma_wait3A_184] : memref<16x84x1x120xi32, #tpu.memory_space<hbm>> -> memref<1x1x1x120xi32, #tpu.memory_space<hbm>>
        %dma_wait3A_186 = tpu.memref_squeeze %dma_wait3A_185 : memref<1x1x1x120xi32, #tpu.memory_space<hbm>> -> memref<120xi32, #tpu.memory_space<hbm>>
        tpu.wait_dma2 semaphore(%arg18 : memref<!tpu.dma_semaphore, #tpu.memory_space<semaphore_mem>>) src(%dma_wait3A_186 : memref<120xi32, #tpu.memory_space<hbm>>) dst(%arg11 : memref<120xi32, #tpu.memory_space<vmem>>)
        %eq3A_187 = arith.constant 0 : i32
        %eq3A_188 = arith.cmpi eq, %arg0, %eq3A_187 : i32
        %convert_element_type3A_189 = arith.extui %eq3A_188 : i1 to i32
        %cond3A_190 = arith.constant 0 : i32
        %cond3A_191 = arith.cmpi ne, %convert_element_type3A_189, %cond3A_190 : i32
        scf.if %cond3A_191 {
          %dma_start3A_197 = arith.constant 0 : i32
          %dma_start3A_198 = arith.constant 0 : i32
          %dma_start3A_199 = tpu.memref_slice %arg2[%dma_start3A_197, %dma_start3A_198] : memref<10000x128xf32, #tpu.memory_space<hbm>> -> memref<10000x128xf32, #tpu.memory_space<hbm>>
          tpu.enqueue_indirect_dma source(%dma_start3A_199 : memref<10000x128xf32, #tpu.memory_space<hbm>>) target(%arg14 : memref<120x128xf32, #tpu.memory_space<vmem>>) offsets(%arg8 : memref<120xi32, #tpu.memory_space<vmem>>) semaphore(%arg21 : memref<!tpu.dma_semaphore, #tpu.memory_space<semaphore_mem>>)
        } else {
        }
        %eq3A_192 = arith.constant 1 : i32
        %eq3A_193 = arith.cmpi eq, %arg0, %eq3A_192 : i32
        %convert_element_type3A_194 = arith.extui %eq3A_193 : i1 to i32
        %cond3A_195 = arith.constant 0 : i32
        %cond3A_196 = arith.cmpi ne, %convert_element_type3A_194, %cond3A_195 : i32
        scf.if %cond3A_196 {
          %dma_start3A_197 = arith.constant 0 : i32
          %dma_start3A_198 = arith.constant 0 : i32
          %dma_start3A_199 = tpu.memref_slice %arg3[%dma_start3A_197, %dma_start3A_198] : memref<10000x128xf32, #tpu.memory_space<hbm>> -> memref<10000x128xf32, #tpu.memory_space<hbm>>
          tpu.enqueue_indirect_dma source(%dma_start3A_199 : memref<10000x128xf32, #tpu.memory_space<hbm>>) target(%arg14 : memref<120x128xf32, #tpu.memory_space<vmem>>) offsets(%arg8 : memref<120xi32, #tpu.memory_space<vmem>>) semaphore(%arg21 : memref<!tpu.dma_semaphore, #tpu.memory_space<semaphore_mem>>)
        } else {
        }
      } else {
      }
      %dma_wait3A_165 = arith.constant 0 : i32
      %dma_wait3A_166 = arith.constant 0 : i32
      %dma_wait3A_167 = tpu.memref_slice %arg2[%dma_wait3A_165, %dma_wait3A_166] : memref<10000x128xf32, #tpu.memory_space<hbm>> -> memref<10000x128xf32, #tpu.memory_space<hbm>>
      tpu.wait_indirect_dma semaphore(%arg23 : memref<!tpu.dma_semaphore, #tpu.memory_space<semaphore_mem>>) src(%dma_wait3A_167 : memref<10000x128xf32, #tpu.memory_space<hbm>>) dst(%arg16 : memref<120x128xf32, #tpu.memory_space<vmem>>)
      %dma_start3A_168 = arith.constant 0 : i32
      %dma_start3A_169 = arith.constant 0 : i32
      %dma_start3A_170 = tpu.memref_slice %arg17[%dma_start3A_168, %dma_start3A_169] : memref<10240x128xf32, #tpu.memory_space<vmem_shared>> -> memref<10240x128xf32, #tpu.memory_space<vmem_shared>>
      tpu.enqueue_indirect_dma source(%arg16 : memref<120x128xf32, #tpu.memory_space<vmem>>) target(%dma_start3A_170 : memref<10240x128xf32, #tpu.memory_space<vmem_shared>>) offsets(%arg13 : memref<120xi32, #tpu.memory_space<vmem>>) semaphore(%arg26 : memref<!tpu.dma_semaphore, #tpu.memory_space<semaphore_mem>>) {add = true}
    }
    %scan3A_72 = arith.constant 28 : i32
    %dma_wait3A_73 = arith.constant 0 : i32
    %dma_wait3A_74 = arith.constant 0 : i32
    %dma_wait3A_75 = tpu.memref_slice %arg17[%dma_wait3A_73, %dma_wait3A_74] : memref<10240x128xf32, #tpu.memory_space<vmem_shared>> -> memref<10240x128xf32, #tpu.memory_space<vmem_shared>>
    tpu.wait_indirect_dma semaphore(%arg26 : memref<!tpu.dma_semaphore, #tpu.memory_space<semaphore_mem>>) src(%arg16 : memref<120x128xf32, #tpu.memory_space<vmem>>) dst(%dma_wait3A_75 : memref<10240x128xf32, #tpu.memory_space<vmem_shared>>)
    %barrier3A_76 = arith.constant 0 : index
    tpu.barrier barrier_id(%barrier3A_76)
    %mul3A = arith.constant 640 : i32
    %mul3A_77 = arith.muli %arg1, %mul3A : i32
    %scan3A_78 = arith.constant 0 : i32
    %scan3A_79 = arith.constant 8 : i32
    %scan3A_80 = arith.addi %scan3A_78, %scan3A_79 : i32
    %scan3A_81 = arith.constant 1 : i32
    scf.for %scan3A_88 = %scan3A_78 to %scan3A_80 step %scan3A_81  : i32 {
      %mul3A_89 = arith.constant 80 : i32
      %mul3A_90 = arith.muli %scan3A_88, %mul3A_89 : i32
      %add3A = arith.constant 0 : i32
      %add3A_91 = arith.addi %add3A, %mul3A_90 : i32
      %eq3A_92 = arith.constant 0 : i32
      %eq3A_93 = arith.cmpi eq, %arg0, %eq3A_92 : i32
      %convert_element_type3A_94 = arith.extui %eq3A_93 : i1 to i32
      %cond3A_95 = arith.constant 0 : i32
      %cond3A_96 = arith.cmpi ne, %convert_element_type3A_94, %cond3A_95 : i32
      scf.if %cond3A_96 {
        %add3A_102 = arith.addi %mul3A_77, %add3A_91 : i32
        %add3A_103 = arith.addi %mul3A_77, %add3A_91 : i32
        %dma_start3A_104 = arith.constant 0 : i32
        %dma_start3A_105 = tpu.memref_slice %arg6[%add3A_103, %dma_start3A_104] : memref<10240x128xf32, #tpu.memory_space<hbm>> -> memref<80x128xf32, #tpu.memory_space<hbm>>
        %dma_start3A_106 = arith.constant 0 : i32
        %dma_start3A_107 = tpu.memref_slice %arg17[%add3A_102, %dma_start3A_106] : memref<10240x128xf32, #tpu.memory_space<vmem_shared>> -> memref<80x128xf32, #tpu.memory_space<vmem_shared>>
        tpu.enqueue_dma source(%dma_start3A_107 : memref<80x128xf32, #tpu.memory_space<vmem_shared>>) target(%dma_start3A_105 : memref<80x128xf32, #tpu.memory_space<hbm>>) target_semaphore(%arg21 : memref<!tpu.dma_semaphore, #tpu.memory_space<semaphore_mem>>)
      } else {
      }
      %eq3A_97 = arith.constant 1 : i32
      %eq3A_98 = arith.cmpi eq, %arg0, %eq3A_97 : i32
      %convert_element_type3A_99 = arith.extui %eq3A_98 : i1 to i32
      %cond3A_100 = arith.constant 0 : i32
      %cond3A_101 = arith.cmpi ne, %convert_element_type3A_99, %cond3A_100 : i32
      scf.if %cond3A_101 {
        %add3A_102 = arith.addi %mul3A_77, %add3A_91 : i32
        %add3A_103 = arith.addi %mul3A_77, %add3A_91 : i32
        %dma_start3A_104 = arith.constant 0 : i32
        %dma_start3A_105 = tpu.memref_slice %arg7[%add3A_103, %dma_start3A_104] : memref<10240x128xf32, #tpu.memory_space<hbm>> -> memref<80x128xf32, #tpu.memory_space<hbm>>
        %dma_start3A_106 = arith.constant 0 : i32
        %dma_start3A_107 = tpu.memref_slice %arg17[%add3A_102, %dma_start3A_106] : memref<10240x128xf32, #tpu.memory_space<vmem_shared>> -> memref<80x128xf32, #tpu.memory_space<vmem_shared>>
        tpu.enqueue_dma source(%dma_start3A_107 : memref<80x128xf32, #tpu.memory_space<vmem_shared>>) target(%dma_start3A_105 : memref<80x128xf32, #tpu.memory_space<hbm>>) target_semaphore(%arg21 : memref<!tpu.dma_semaphore, #tpu.memory_space<semaphore_mem>>)
      } else {
      }
    }
    %scan3A_82 = arith.constant 8 : i32
    %scan3A_83 = arith.constant 0 : i32
    %scan3A_84 = arith.constant 8 : i32
    %scan3A_85 = arith.addi %scan3A_83, %scan3A_84 : i32
    %scan3A_86 = arith.constant 1 : i32
    scf.for %scan3A_88 = %scan3A_83 to %scan3A_85 step %scan3A_86  : i32 {
      %mul3A_89 = arith.constant 80 : i32
      %mul3A_90 = arith.muli %scan3A_88, %mul3A_89 : i32
      %add3A = arith.constant 0 : i32
      %add3A_91 = arith.addi %add3A, %mul3A_90 : i32
      %dma_wait3A_92 = arith.constant 0 : i32
      %dma_wait3A_93 = arith.constant 0 : i32
      %dma_wait3A_94 = tpu.memref_slice %arg6[%dma_wait3A_92, %dma_wait3A_93] : memref<10240x128xf32, #tpu.memory_space<hbm>> -> memref<80x128xf32, #tpu.memory_space<hbm>>
      %dma_wait3A_95 = arith.constant 0 : i32
      %dma_wait3A_96 = arith.constant 0 : i32
      %dma_wait3A_97 = tpu.memref_slice %arg17[%dma_wait3A_95, %dma_wait3A_96] : memref<10240x128xf32, #tpu.memory_space<vmem_shared>> -> memref<80x128xf32, #tpu.memory_space<vmem_shared>>
      tpu.wait_dma2 semaphore(%arg21 : memref<!tpu.dma_semaphore, #tpu.memory_space<semaphore_mem>>) src(%dma_wait3A_97 : memref<80x128xf32, #tpu.memory_space<vmem_shared>>) dst(%dma_wait3A_94 : memref<80x128xf32, #tpu.memory_space<hbm>>)
    }
    %scan3A_87 = arith.constant 8 : i32
    return
  }
}

#map = affine_map<(d0, d1) -> (0, 0)>
#map1 = affine_map<(d0, d1) -> (0, 0, 0, 0)>
module attributes {stable_mosaic.version = 14 : i64} {
  func.func @k(%arg0: i32, %arg1: i32, %arg2: memref<10000x128xf32, #tpu.memory_space<hbm>>, %arg3: memref<10000x128xf32, #tpu.memory_space<hbm>>, %arg4: memref<16x84x1x120xi32, #tpu.memory_space<hbm>>, %arg5: memref<16x84x1x120xi32, #tpu.memory_space<hbm>>, %arg6: memref<10240x128xf32, #tpu.memory_space<hbm>>, %arg7: memref<10240x128xf32, #tpu.memory_space<hbm>>, %arg8: memref<120xi32, #tpu.memory_space<vmem>>, %arg9: memref<120xi32, #tpu.memory_space<vmem>>, %arg10: memref<120xi32, #tpu.memory_space<vmem>>, %arg11: memref<120xi32, #tpu.memory_space<vmem>>, %arg12: memref<120xi32, #tpu.memory_space<vmem>>, %arg13: memref<120xi32, #tpu.memory_space<vmem>>, %arg14: memref<120x128xf32, #tpu.memory_space<vmem>>, %arg15: memref<120x128xf32, #tpu.memory_space<vmem>>, %arg16: memref<120x128xf32, #tpu.memory_space<vmem>>, %arg17: memref<10240x128xf32, #tpu.memory_space<vmem_shared>>, %arg18: memref<!tpu.dma_semaphore, #tpu.memory_space<semaphore_mem>>, %arg19: memref<!tpu.dma_semaphore, #tpu.memory_space<semaphore_mem>>, %arg20: memref<!tpu.dma_semaphore, #tpu.memory_space<semaphore_mem>>, %arg21: memref<!tpu.dma_semaphore, #tpu.memory_space<semaphore_mem>>, %arg22: memref<!tpu.dma_semaphore, #tpu.memory_space<semaphore_mem>>, %arg23: memref<!tpu.dma_semaphore, #tpu.memory_space<semaphore_mem>>, %arg24: memref<!tpu.dma_semaphore, #tpu.memory_space<semaphore_mem>>, %arg25: memref<!tpu.dma_semaphore, #tpu.memory_space<semaphore_mem>>, %arg26: memref<!tpu.dma_semaphore, #tpu.memory_space<semaphore_mem>>) attributes {dimension_semantics = [#tpu.dimension_semantics<core_parallel>, #tpu.dimension_semantics<subcore_parallel>], iteration_bounds = array<i64: 2, 16>, scalar_prefetch = 0 : i64, scratch_operands = 19 : i64, tpu.core_type = #tpu.core_type<sc_vector_subcore>, window_params = [{transform_indices = #map}, {transform_indices = #map}, {transform_indices = #map1}, {transform_indices = #map1}, {transform_indices = #map}, {transform_indices = #map}]} {
    %broadcast_in_dim3A = arith.constant 0.000000e+00 : f32
    %broadcast_in_dim3A_0 = vector.broadcast %broadcast_in_dim3A : f32 to vector<16xf32>
    %scan3A = arith.constant 0 : i32
    %scan3A_1 = arith.constant 80 : i32
    %scan3A_2 = arith.addi %scan3A, %scan3A_1 : i32
    %scan3A_3 = arith.constant 1 : i32
    scf.for %scan3A_88 = %scan3A to %scan3A_2 step %scan3A_3  : i32 {
      %mul3A_89 = arith.constant 1 : i32
      %mul3A_90 = arith.muli %scan3A_88, %mul3A_89 : i32
      %add3A = arith.constant 0 : i32
      %add3A_91 = arith.addi %add3A, %mul3A_90 : i32
      %scan3A_92 = arith.constant 0 : i32
      %scan3A_93 = arith.constant 8 : i32
      %scan3A_94 = arith.addi %scan3A_92, %scan3A_93 : i32
      %scan3A_95 = arith.constant 1 : i32
      scf.for %scan3A_97 = %scan3A_92 to %scan3A_94 step %scan3A_95  : i32 {
        %mul3A_98 = arith.constant 16 : i32
        %mul3A_99 = arith.muli %scan3A_97, %mul3A_98 : i32
        %add3A_100 = arith.constant 0 : i32
        %add3A_101 = arith.addi %add3A_100, %mul3A_99 : i32
        %swap3A = arith.index_cast %add3A_91 : i32 to index
        %swap3A_102 = arith.index_cast %add3A_101 : i32 to index
        %swap3A_103 = tpu.vector_load %arg14[%swap3A, %swap3A_102] {strides = array<i32>} : memref<120x128xf32, #tpu.memory_space<vmem>>, vector<1x16xf32>,
        %swap3A_104 = vector.shape_cast %swap3A_103 : vector<1x16xf32> to vector<16xf32>
        %swap3A_105 = vector.shape_cast %broadcast_in_dim3A_0 : vector<16xf32> to vector<1x16xf32>
        tpu.vector_store %arg14[%swap3A, %swap3A_102], %swap3A_105 {strides = array<i32>} : memref<120x128xf32, #tpu.memory_space<vmem>>, vector<1x16xf32>,
      }
      %scan3A_96 = arith.constant 8 : i32
    }
    %scan3A_4 = arith.constant 80 : i32
    %scan3A_5 = arith.constant 0 : i32
    %scan3A_6 = arith.constant 8 : i32
    %scan3A_7 = arith.addi %scan3A_5, %scan3A_6 : i32
    %scan3A_8 = arith.constant 1 : i32
    scf.for %scan3A_88 = %scan3A_5 to %scan3A_7 step %scan3A_8  : i32 {
      %mul3A_89 = arith.constant 80 : i32
      %mul3A_90 = arith.muli %scan3A_88, %mul3A_89 : i32
      %add3A = arith.constant 0 : i32
      %add3A_91 = arith.addi %add3A, %mul3A_90 : i32
      %mul3A_92 = arith.constant 640 : i32
      %mul3A_93 = arith.muli %arg1, %mul3A_92 : i32
      %add3A_94 = arith.addi %mul3A_93, %add3A_91 : i32
      %dma_start3A_95 = arith.constant 0 : i32
      %dma_start3A_96 = arith.constant 0 : i32
      %dma_start3A_97 = tpu.memref_slice %arg14[%dma_start3A_95, %dma_start3A_96] : memref<120x128xf32, #tpu.memory_space<vmem>> -> memref<80x128xf32, #tpu.memory_space<vmem>>
      %dma_start3A_98 = arith.constant 0 : i32
      %dma_start3A_99 = tpu.memref_slice %arg17[%add3A_94, %dma_start3A_98] : memref<10240x128xf32, #tpu.memory_space<vmem_shared>> -> memref<80x128xf32, #tpu.memory_space<vmem_shared>>
      %dma_start3A_100 = arith.constant 0 : i32
      %dma_start3A_101 = tpu.memref_slice %arg17[%add3A_94, %dma_start3A_100] : memref<10240x128xf32, #tpu.memory_space<vmem_shared>> -> memref<80x128xf32, #tpu.memory_space<vmem_shared>>
      %dma_start3A_102 = arith.constant 0 : i32
      %dma_start3A_103 = arith.constant 0 : i32
      %dma_start3A_104 = tpu.memref_slice %arg14[%dma_start3A_102, %dma_start3A_103] : memref<120x128xf32, #tpu.memory_space<vmem>> -> memref<80x128xf32, #tpu.memory_space<vmem>>
      tpu.enqueue_dma source(%dma_start3A_104 : memref<80x128xf32, #tpu.memory_space<vmem>>) target(%dma_start3A_101 : memref<80x128xf32, #tpu.memory_space<vmem_shared>>) target_semaphore(%arg21 : memref<!tpu.dma_semaphore, #tpu.memory_space<semaphore_mem>>)
    }
    %scan3A_9 = arith.constant 8 : i32
    %scan3A_10 = arith.constant 0 : i32
    %scan3A_11 = arith.constant 8 : i32
    %scan3A_12 = arith.addi %scan3A_10, %scan3A_11 : i32
    %scan3A_13 = arith.constant 1 : i32
    scf.for %scan3A_88 = %scan3A_10 to %scan3A_12 step %scan3A_13  : i32 {
      %mul3A_89 = arith.constant 80 : i32
      %mul3A_90 = arith.muli %scan3A_88, %mul3A_89 : i32
      %add3A = arith.constant 0 : i32
      %add3A_91 = arith.addi %add3A, %mul3A_90 : i32
      %dma_wait3A_92 = arith.constant 0 : i32
      %dma_wait3A_93 = arith.constant 0 : i32
      %dma_wait3A_94 = tpu.memref_slice %arg14[%dma_wait3A_92, %dma_wait3A_93] : memref<120x128xf32, #tpu.memory_space<vmem>> -> memref<80x128xf32, #tpu.memory_space<vmem>>
      %dma_wait3A_95 = arith.constant 0 : i32
      %dma_wait3A_96 = arith.constant 0 : i32
      %dma_wait3A_97 = tpu.memref_slice %arg17[%dma_wait3A_95, %dma_wait3A_96] : memref<10240x128xf32, #tpu.memory_space<vmem_shared>> -> memref<80x128xf32, #tpu.memory_space<vmem_shared>>
      %dma_wait3A_98 = arith.constant 0 : i32
      %dma_wait3A_99 = arith.constant 0 : i32
      %dma_wait3A_100 = tpu.memref_slice %arg17[%dma_wait3A_98, %dma_wait3A_99] : memref<10240x128xf32, #tpu.memory_space<vmem_shared>> -> memref<80x128xf32, #tpu.memory_space<vmem_shared>>
      %dma_wait3A_101 = arith.constant 0 : i32
      %dma_wait3A_102 = arith.constant 0 : i32
      %dma_wait3A_103 = tpu.memref_slice %arg14[%dma_wait3A_101, %dma_wait3A_102] : memref<120x128xf32, #tpu.memory_space<vmem>> -> memref<80x128xf32, #tpu.memory_space<vmem>>
      tpu.wait_dma2 semaphore(%arg21 : memref<!tpu.dma_semaphore, #tpu.memory_space<semaphore_mem>>) src(%dma_wait3A_103 : memref<80x128xf32, #tpu.memory_space<vmem>>) dst(%dma_wait3A_100 : memref<80x128xf32, #tpu.memory_space<vmem_shared>>)
    }
    %scan3A_14 = arith.constant 8 : i32
    %barrier3A = arith.constant 0 : index
    tpu.barrier barrier_id(%barrier3A)
    %dma_start3A = arith.constant 0 : i32
    %dma_start3A_15 = arith.constant 0 : i32
    %dma_start3A_16 = arith.constant 0 : i32
    %dma_start3A_17 = tpu.memref_slice %arg4[%arg1, %dma_start3A, %dma_start3A_15, %dma_start3A_16] : memref<16x84x1x120xi32, #tpu.memory_space<hbm>> -> memref<1x1x1x120xi32, #tpu.memory_space<hbm>>
    %dma_start3A_18 = tpu.memref_squeeze %dma_start3A_17 : memref<1x1x1x120xi32, #tpu.memory_space<hbm>> -> memref<120xi32, #tpu.memory_space<hbm>>
    %dma_start3A_19 = arith.constant 0 : i32
    %dma_start3A_20 = tpu.memref_slice %arg4[%arg1, %dma_start3A, %dma_start3A_15, %dma_start3A_19] : memref<16x84x1x120xi32, #tpu.memory_space<hbm>> -> memref<1x1x1x120xi32, #tpu.memory_space<hbm>>
    %dma_start3A_21 = tpu.memref_squeeze %dma_start3A_20 : memref<1x1x1x120xi32, #tpu.memory_space<hbm>> -> memref<120xi32, #tpu.memory_space<hbm>>
    tpu.enqueue_dma source(%dma_start3A_21 : memref<120xi32, #tpu.memory_space<hbm>>) target(%arg8 : memref<120xi32, #tpu.memory_space<vmem>>) target_semaphore(%arg18 : memref<!tpu.dma_semaphore, #tpu.memory_space<semaphore_mem>>)
    %dma_start3A_22 = arith.constant 0 : i32
    %dma_start3A_23 = arith.constant 0 : i32
    %dma_start3A_24 = arith.constant 0 : i32
    %dma_start3A_25 = tpu.memref_slice %arg5[%arg1, %dma_start3A_22, %dma_start3A_23, %dma_start3A_24] : memref<16x84x1x120xi32, #tpu.memory_space<hbm>> -> memref<1x1x1x120xi32, #tpu.memory_space<hbm>>
    %dma_start3A_26 = tpu.memref_squeeze %dma_start3A_25 : memref<1x1x1x120xi32, #tpu.memory_space<hbm>> -> memref<120xi32, #tpu.memory_space<hbm>>
    %dma_start3A_27 = arith.constant 0 : i32
    %dma_start3A_28 = tpu.memref_slice %arg5[%arg1, %dma_start3A_22, %dma_start3A_23, %dma_start3A_27] : memref<16x84x1x120xi32, #tpu.memory_space<hbm>> -> memref<1x1x1x120xi32, #tpu.memory_space<hbm>>
    %dma_start3A_29 = tpu.memref_squeeze %dma_start3A_28 : memref<1x1x1x120xi32, #tpu.memory_space<hbm>> -> memref<120xi32, #tpu.memory_space<hbm>>
    tpu.enqueue_dma source(%dma_start3A_29 : memref<120xi32, #tpu.memory_space<hbm>>) target(%arg11 : memref<120xi32, #tpu.memory_space<vmem>>) target_semaphore(%arg18 : memref<!tpu.dma_semaphore, #tpu.memory_space<semaphore_mem>>)
    %dma_start3A_30 = arith.constant 1 : i32
    %dma_start3A_31 = arith.constant 0 : i32
    %dma_start3A_32 = arith.constant 0 : i32
    %dma_start3A_33 = tpu.memref_slice %arg4[%arg1, %dma_start3A_30, %dma_start3A_31, %dma_start3A_32] : memref<16x84x1x120xi32, #tpu.memory_space<hbm>> -> memref<1x1x1x120xi32, #tpu.memory_space<hbm>>
    %dma_start3A_34 = tpu.memref_squeeze %dma_start3A_33 : memref<1x1x1x120xi32, #tpu.memory_space<hbm>> -> memref<120xi32, #tpu.memory_space<hbm>>
    %dma_start3A_35 = arith.constant 0 : i32
    %dma_start3A_36 = tpu.memref_slice %arg4[%arg1, %dma_start3A_30, %dma_start3A_31, %dma_start3A_35] : memref<16x84x1x120xi32, #tpu.memory_space<hbm>> -> memref<1x1x1x120xi32, #tpu.memory_space<hbm>>
    %dma_start3A_37 = tpu.memref_squeeze %dma_start3A_36 : memref<1x1x1x120xi32, #tpu.memory_space<hbm>> -> memref<120xi32, #tpu.memory_space<hbm>>
    tpu.enqueue_dma source(%dma_start3A_37 : memref<120xi32, #tpu.memory_space<hbm>>) target(%arg9 : memref<120xi32, #tpu.memory_space<vmem>>) target_semaphore(%arg19 : memref<!tpu.dma_semaphore, #tpu.memory_space<semaphore_mem>>)
    %dma_start3A_38 = arith.constant 1 : i32
    %dma_start3A_39 = arith.constant 0 : i32
    %dma_start3A_40 = arith.constant 0 : i32
    %dma_start3A_41 = tpu.memref_slice %arg5[%arg1, %dma_start3A_38, %dma_start3A_39, %dma_start3A_40] : memref<16x84x1x120xi32, #tpu.memory_space<hbm>> -> memref<1x1x1x120xi32, #tpu.memory_space<hbm>>
    %dma_start3A_42 = tpu.memref_squeeze %dma_start3A_41 : memref<1x1x1x120xi32, #tpu.memory_space<hbm>> -> memref<120xi32, #tpu.memory_space<hbm>>
    %dma_start3A_43 = arith.constant 0 : i32
    %dma_start3A_44 = tpu.memref_slice %arg5[%arg1, %dma_start3A_38, %dma_start3A_39, %dma_start3A_43] : memref<16x84x1x120xi32, #tpu.memory_space<hbm>> -> memref<1x1x1x120xi32, #tpu.memory_space<hbm>>
    %dma_start3A_45 = tpu.memref_squeeze %dma_start3A_44 : memref<1x1x1x120xi32, #tpu.memory_space<hbm>> -> memref<120xi32, #tpu.memory_space<hbm>>
    tpu.enqueue_dma source(%dma_start3A_45 : memref<120xi32, #tpu.memory_space<hbm>>) target(%arg12 : memref<120xi32, #tpu.memory_space<vmem>>) target_semaphore(%arg19 : memref<!tpu.dma_semaphore, #tpu.memory_space<semaphore_mem>>)
    %dma_wait3A = arith.constant 0 : i32
    %dma_wait3A_46 = arith.constant 0 : i32
    %dma_wait3A_47 = arith.constant 0 : i32
    %dma_wait3A_48 = tpu.memref_slice %arg4[%arg1, %dma_wait3A, %dma_wait3A_46, %dma_wait3A_47] : memref<16x84x1x120xi32, #tpu.memory_space<hbm>> -> memref<1x1x1x120xi32, #tpu.memory_space<hbm>>
    %dma_wait3A_49 = tpu.memref_squeeze %dma_wait3A_48 : memref<1x1x1x120xi32, #tpu.memory_space<hbm>> -> memref<120xi32, #tpu.memory_space<hbm>>
    %dma_wait3A_50 = arith.constant 0 : i32
    %dma_wait3A_51 = tpu.memref_slice %arg4[%arg1, %dma_wait3A, %dma_wait3A_46, %dma_wait3A_50] : memref<16x84x1x120xi32, #tpu.memory_space<hbm>> -> memref<1x1x1x120xi32, #tpu.memory_space<hbm>>
    %dma_wait3A_52 = tpu.memref_squeeze %dma_wait3A_51 : memref<1x1x1x120xi32, #tpu.memory_space<hbm>> -> memref<120xi32, #tpu.memory_space<hbm>>
    tpu.wait_dma2 semaphore(%arg18 : memref<!tpu.dma_semaphore, #tpu.memory_space<semaphore_mem>>) src(%dma_wait3A_52 : memref<120xi32, #tpu.memory_space<hbm>>) dst(%arg8 : memref<120xi32, #tpu.memory_space<vmem>>)
    %dma_wait3A_53 = arith.constant 0 : i32
    %dma_wait3A_54 = arith.constant 0 : i32
    %dma_wait3A_55 = arith.constant 0 : i32
    %dma_wait3A_56 = tpu.memref_slice %arg5[%arg1, %dma_wait3A_53, %dma_wait3A_54, %dma_wait3A_55] : memref<16x84x1x120xi32, #tpu.memory_space<hbm>> -> memref<1x1x1x120xi32, #tpu.memory_space<hbm>>
    %dma_wait3A_57 = tpu.memref_squeeze %dma_wait3A_56 : memref<1x1x1x120xi32, #tpu.memory_space<hbm>> -> memref<120xi32, #tpu.memory_space<hbm>>
    %dma_wait3A_58 = arith.constant 0 : i32
    %dma_wait3A_59 = tpu.memref_slice %arg5[%arg1, %dma_wait3A_53, %dma_wait3A_54, %dma_wait3A_58] : memref<16x84x1x120xi32, #tpu.memory_space<hbm>> -> memref<1x1x1x120xi32, #tpu.memory_space<hbm>>
    %dma_wait3A_60 = tpu.memref_squeeze %dma_wait3A_59 : memref<1x1x1x120xi32, #tpu.memory_space<hbm>> -> memref<120xi32, #tpu.memory_space<hbm>>
    tpu.wait_dma2 semaphore(%arg18 : memref<!tpu.dma_semaphore, #tpu.memory_space<semaphore_mem>>) src(%dma_wait3A_60 : memref<120xi32, #tpu.memory_space<hbm>>) dst(%arg11 : memref<120xi32, #tpu.memory_space<vmem>>)
    %eq3A = arith.constant 0 : i32
    %eq3A_61 = arith.cmpi eq, %arg0, %eq3A : i32
    %convert_element_type3A = arith.extui %eq3A_61 : i1 to i32
    %cond3A = arith.constant 0 : i32
    %cond3A_62 = arith.cmpi ne, %convert_element_type3A, %cond3A : i32
    scf.if %cond3A_62 {
      %dma_start3A_88 = arith.constant 0 : i32
      %dma_start3A_89 = arith.constant 0 : i32
      %dma_start3A_90 = tpu.memref_slice %arg2[%dma_start3A_88, %dma_start3A_89] : memref<10000x128xf32, #tpu.memory_space<hbm>> -> memref<10000x128xf32, #tpu.memory_space<hbm>>
      tpu.enqueue_indirect_dma source(%dma_start3A_90 : memref<10000x128xf32, #tpu.memory_space<hbm>>) target(%arg14 : memref<120x128xf32, #tpu.memory_space<vmem>>) offsets(%arg8 : memref<120xi32, #tpu.memory_space<vmem>>) semaphore(%arg21 : memref<!tpu.dma_semaphore, #tpu.memory_space<semaphore_mem>>)
    } else {
    }
    %eq3A_63 = arith.constant 1 : i32
    %eq3A_64 = arith.cmpi eq, %arg0, %eq3A_63 : i32
    %convert_element_type3A_65 = arith.extui %eq3A_64 : i1 to i32
    %cond3A_66 = arith.constant 0 : i32
    %cond3A_67 = arith.cmpi ne, %convert_element_type3A_65, %cond3A_66 : i32
    scf.if %cond3A_67 {
      %dma_start3A_88 = arith.constant 0 : i32
      %dma_start3A_89 = arith.constant 0 : i32
      %dma_start3A_90 = tpu.memref_slice %arg3[%dma_start3A_88, %dma_start3A_89] : memref<10000x128xf32, #tpu.memory_space<hbm>> -> memref<10000x128xf32, #tpu.memory_space<hbm>>
      tpu.enqueue_indirect_dma source(%dma_start3A_90 : memref<10000x128xf32, #tpu.memory_space<hbm>>) target(%arg14 : memref<120x128xf32, #tpu.memory_space<vmem>>) offsets(%arg8 : memref<120xi32, #tpu.memory_space<vmem>>) semaphore(%arg21 : memref<!tpu.dma_semaphore, #tpu.memory_space<semaphore_mem>>)
    } else {
    }
    %scan3A_68 = arith.constant 0 : i32
    %scan3A_69 = arith.constant 28 : i32
    %scan3A_70 = arith.addi %scan3A_68, %scan3A_69 : i32
    %scan3A_71 = arith.constant 1 : i32
    scf.for %scan3A_88 = %scan3A_68 to %scan3A_70 step %scan3A_71  : i32 {
      %mul3A_89 = arith.constant 3 : i32
      %mul3A_90 = arith.muli %scan3A_88, %mul3A_89 : i32
      %add3A = arith.constant 0 : i32
      %add3A_91 = arith.addi %add3A, %mul3A_90 : i32
      %add3A_92 = arith.constant 0 : i32
      %add3A_93 = arith.addi %add3A_91, %add3A_92 : i32
      %ge3A = arith.constant 1 : i32
      %ge3A_94 = arith.cmpi sge, %add3A_93, %ge3A : i32
      %convert_element_type3A_95 = arith.extui %ge3A_94 : i1 to i32
      %cond3A_96 = arith.constant 0 : i32
      %cond3A_97 = arith.cmpi ne, %convert_element_type3A_95, %cond3A_96 : i32
      scf.if %cond3A_97 {
        %dma_wait3A_171 = arith.constant 0 : i32
        %dma_wait3A_172 = arith.constant 0 : i32
        %dma_wait3A_173 = tpu.memref_slice %arg17[%dma_wait3A_171, %dma_wait3A_172] : memref<10240x128xf32, #tpu.memory_space<vmem_shared>> -> memref<10240x128xf32, #tpu.memory_space<vmem_shared>>
        tpu.wait_indirect_dma semaphore(%arg26 : memref<!tpu.dma_semaphore, #tpu.memory_space<semaphore_mem>>) src(%arg16 : memref<120x128xf32, #tpu.memory_space<vmem>>) dst(%dma_wait3A_173 : memref<10240x128xf32, #tpu.memory_space<vmem_shared>>)
      } else {
      }
      %add3A_98 = arith.constant 2 : i32
      %add3A_99 = arith.addi %add3A_93, %add3A_98 : i32
      %lt3A = arith.constant 84 : i32
      %lt3A_100 = arith.cmpi slt, %add3A_99, %lt3A : i32
      %convert_element_type3A_101 = arith.extui %lt3A_100 : i1 to i32
      %cond3A_102 = arith.constant 0 : i32
      %cond3A_103 = arith.cmpi ne, %convert_element_type3A_101, %cond3A_102 : i32
      scf.if %cond3A_103 {
        %add3A_171 = arith.constant 2 : i32
        %add3A_172 = arith.addi %add3A_93, %add3A_171 : i32
        %dma_start3A_173 = arith.constant 0 : i32
        %dma_start3A_174 = arith.constant 0 : i32
        %dma_start3A_175 = tpu.memref_slice %arg4[%arg1, %add3A_172, %dma_start3A_173, %dma_start3A_174] : memref<16x84x1x120xi32, #tpu.memory_space<hbm>> -> memref<1x1x1x120xi32, #tpu.memory_space<hbm>>
        %dma_start3A_176 = tpu.memref_squeeze %dma_start3A_175 : memref<1x1x1x120xi32, #tpu.memory_space<hbm>> -> memref<120xi32, #tpu.memory_space<hbm>>
        %dma_start3A_177 = arith.constant 0 : i32
        %dma_start3A_178 = tpu.memref_slice %arg4[%arg1, %add3A_172, %dma_start3A_173, %dma_start3A_177] : memref<16x84x1x120xi32, #tpu.memory_space<hbm>> -> memref<1x1x1x120xi32, #tpu.memory_space<hbm>>
        %dma_start3A_179 = tpu.memref_squeeze %dma_start3A_178 : memref<1x1x1x120xi32, #tpu.memory_space<hbm>> -> memref<120xi32, #tpu.memory_space<hbm>>
        tpu.enqueue_dma source(%dma_start3A_179 : memref<120xi32, #tpu.memory_space<hbm>>) target(%arg10 : memref<120xi32, #tpu.memory_space<vmem>>) target_semaphore(%arg20 : memref<!tpu.dma_semaphore, #tpu.memory_space<semaphore_mem>>)
        %dma_start3A_180 = arith.constant 0 : i32
        %dma_start3A_181 = arith.constant 0 : i32
        %dma_start3A_182 = tpu.memref_slice %arg5[%arg1, %add3A_172, %dma_start3A_180, %dma_start3A_181] : memref<16x84x1x120xi32, #tpu.memory_space<hbm>> -> memref<1x1x1x120xi32, #tpu.memory_space<hbm>>
        %dma_start3A_183 = tpu.memref_squeeze %dma_start3A_182 : memref<1x1x1x120xi32, #tpu.memory_space<hbm>> -> memref<120xi32, #tpu.memory_space<hbm>>
        %dma_start3A_184 = arith.constant 0 : i32
        %dma_start3A_185 = tpu.memref_slice %arg5[%arg1, %add3A_172, %dma_start3A_180, %dma_start3A_184] : memref<16x84x1x120xi32, #tpu.memory_space<hbm>> -> memref<1x1x1x120xi32, #tpu.memory_space<hbm>>
        %dma_start3A_186 = tpu.memref_squeeze %dma_start3A_185 : memref<1x1x1x120xi32, #tpu.memory_space<hbm>> -> memref<120xi32, #tpu.memory_space<hbm>>
        tpu.enqueue_dma source(%dma_start3A_186 : memref<120xi32, #tpu.memory_space<hbm>>) target(%arg13 : memref<120xi32, #tpu.memory_space<vmem>>) target_semaphore(%arg20 : memref<!tpu.dma_semaphore, #tpu.memory_space<semaphore_mem>>)
      } else {
      }
      %add3A_104 = arith.constant 1 : i32
      %add3A_105 = arith.addi %add3A_93, %add3A_104 : i32
      %lt3A_106 = arith.constant 84 : i32
      %lt3A_107 = arith.cmpi slt, %add3A_105, %lt3A_106 : i32
      %convert_element_type3A_108 = arith.extui %lt3A_107 : i1 to i32
      %cond3A_109 = arith.constant 0 : i32
      %cond3A_110 = arith.cmpi ne, %convert_element_type3A_108, %cond3A_109 : i32
      scf.if %cond3A_110 {
        %dma_wait3A_171 = arith.constant 0 : i32
        %dma_wait3A_172 = arith.constant 0 : i32
        %dma_wait3A_173 = arith.constant 0 : i32
        %dma_wait3A_174 = tpu.memref_slice %arg4[%arg1, %dma_wait3A_171, %dma_wait3A_172, %dma_wait3A_173] : memref<16x84x1x120xi32, #tpu.memory_space<hbm>> -> memref<1x1x1x120xi32, #tpu.memory_space<hbm>>
        %dma_wait3A_175 = tpu.memref_squeeze %dma_wait3A_174 : memref<1x1x1x120xi32, #tpu.memory_space<hbm>> -> memref<120xi32, #tpu.memory_space<hbm>>
        %dma_wait3A_176 = arith.constant 0 : i32
        %dma_wait3A_177 = tpu.memref_slice %arg4[%arg1, %dma_wait3A_171, %dma_wait3A_172, %dma_wait3A_176] : memref<16x84x1x120xi32, #tpu.memory_space<hbm>> -> memref<1x1x1x120xi32, #tpu.memory_space<hbm>>
        %dma_wait3A_178 = tpu.memref_squeeze %dma_wait3A_177 : memref<1x1x1x120xi32, #tpu.memory_space<hbm>> -> memref<120xi32, #tpu.memory_space<hbm>>
        tpu.wait_dma2 semaphore(%arg19 : memref<!tpu.dma_semaphore, #tpu.memory_space<semaphore_mem>>) src(%dma_wait3A_178 : memref<120xi32, #tpu.memory_space<hbm>>) dst(%arg9 : memref<120xi32, #tpu.memory_space<vmem>>)
        %dma_wait3A_179 = arith.constant 0 : i32
        %dma_wait3A_180 = arith.constant 0 : i32
        %dma_wait3A_181 = arith.constant 0 : i32
        %dma_wait3A_182 = tpu.memref_slice %arg5[%arg1, %dma_wait3A_179, %dma_wait3A_180, %dma_wait3A_181] : memref<16x84x1x120xi32, #tpu.memory_space<hbm>> -> memref<1x1x1x120xi32, #tpu.memory_space<hbm>>
        %dma_wait3A_183 = tpu.memref_squeeze %dma_wait3A_182 : memref<1x1x1x120xi32, #tpu.memory_space<hbm>> -> memref<120xi32, #tpu.memory_space<hbm>>
        %dma_wait3A_184 = arith.constant 0 : i32
        %dma_wait3A_185 = tpu.memref_slice %arg5[%arg1, %dma_wait3A_179, %dma_wait3A_180, %dma_wait3A_184] : memref<16x84x1x120xi32, #tpu.memory_space<hbm>> -> memref<1x1x1x120xi32, #tpu.memory_space<hbm>>
        %dma_wait3A_186 = tpu.memref_squeeze %dma_wait3A_185 : memref<1x1x1x120xi32, #tpu.memory_space<hbm>> -> memref<120xi32, #tpu.memory_space<hbm>>
        tpu.wait_dma2 semaphore(%arg19 : memref<!tpu.dma_semaphore, #tpu.memory_space<semaphore_mem>>) src(%dma_wait3A_186 : memref<120xi32, #tpu.memory_space<hbm>>) dst(%arg12 : memref<120xi32, #tpu.memory_space<vmem>>)
        %eq3A_187 = arith.constant 0 : i32
        %eq3A_188 = arith.cmpi eq, %arg0, %eq3A_187 : i32
        %convert_element_type3A_189 = arith.extui %eq3A_188 : i1 to i32
        %cond3A_190 = arith.constant 0 : i32
        %cond3A_191 = arith.cmpi ne, %convert_element_type3A_189, %cond3A_190 : i32
        scf.if %cond3A_191 {
          %dma_start3A_197 = arith.constant 0 : i32
          %dma_start3A_198 = arith.constant 0 : i32
          %dma_start3A_199 = tpu.memref_slice %arg2[%dma_start3A_197, %dma_start3A_198] : memref<10000x128xf32, #tpu.memory_space<hbm>> -> memref<10000x128xf32, #tpu.memory_space<hbm>>
          tpu.enqueue_indirect_dma source(%dma_start3A_199 : memref<10000x128xf32, #tpu.memory_space<hbm>>) target(%arg15 : memref<120x128xf32, #tpu.memory_space<vmem>>) offsets(%arg9 : memref<120xi32, #tpu.memory_space<vmem>>) semaphore(%arg22 : memref<!tpu.dma_semaphore, #tpu.memory_space<semaphore_mem>>)
        } else {
        }
        %eq3A_192 = arith.constant 1 : i32
        %eq3A_193 = arith.cmpi eq, %arg0, %eq3A_192 : i32
        %convert_element_type3A_194 = arith.extui %eq3A_193 : i1 to i32
        %cond3A_195 = arith.constant 0 : i32
        %cond3A_196 = arith.cmpi ne, %convert_element_type3A_194, %cond3A_195 : i32
        scf.if %cond3A_196 {
          %dma_start3A_197 = arith.constant 0 : i32
          %dma_start3A_198 = arith.constant 0 : i32
          %dma_start3A_199 = tpu.memref_slice %arg3[%dma_start3A_197, %dma_start3A_198] : memref<10000x128xf32, #tpu.memory_space<hbm>> -> memref<10000x128xf32, #tpu.memory_space<hbm>>
          tpu.enqueue_indirect_dma source(%dma_start3A_199 : memref<10000x128xf32, #tpu.memory_space<hbm>>) target(%arg15 : memref<120x128xf32, #tpu.memory_space<vmem>>) offsets(%arg9 : memref<120xi32, #tpu.memory_space<vmem>>) semaphore(%arg22 : memref<!tpu.dma_semaphore, #tpu.memory_space<semaphore_mem>>)
        } else {
        }
      } else {
      }
      %dma_wait3A_111 = arith.constant 0 : i32
      %dma_wait3A_112 = arith.constant 0 : i32
      %dma_wait3A_113 = tpu.memref_slice %arg2[%dma_wait3A_111, %dma_wait3A_112] : memref<10000x128xf32, #tpu.memory_space<hbm>> -> memref<10000x128xf32, #tpu.memory_space<hbm>>
      tpu.wait_indirect_dma semaphore(%arg21 : memref<!tpu.dma_semaphore, #tpu.memory_space<semaphore_mem>>) src(%dma_wait3A_113 : memref<10000x128xf32, #tpu.memory_space<hbm>>) dst(%arg14 : memref<120x128xf32, #tpu.memory_space<vmem>>)
      %dma_start3A_114 = arith.constant 0 : i32
      %dma_start3A_115 = arith.constant 0 : i32
      %dma_start3A_116 = tpu.memref_slice %arg17[%dma_start3A_114, %dma_start3A_115] : memref<10240x128xf32, #tpu.memory_space<vmem_shared>> -> memref<10240x128xf32, #tpu.memory_space<vmem_shared>>
      tpu.enqueue_indirect_dma source(%arg14 : memref<120x128xf32, #tpu.memory_space<vmem>>) target(%dma_start3A_116 : memref<10240x128xf32, #tpu.memory_space<vmem_shared>>) offsets(%arg11 : memref<120xi32, #tpu.memory_space<vmem>>) semaphore(%arg24 : memref<!tpu.dma_semaphore, #tpu.memory_space<semaphore_mem>>) {add = true}
      %add3A_117 = arith.constant 1 : i32
      %add3A_118 = arith.addi %add3A_91, %add3A_117 : i32
      %ge3A_119 = arith.constant 1 : i32
      %ge3A_120 = arith.cmpi sge, %add3A_118, %ge3A_119 : i32
      %convert_element_type3A_121 = arith.extui %ge3A_120 : i1 to i32
      %cond3A_122 = arith.constant 0 : i32
      %cond3A_123 = arith.cmpi ne, %convert_element_type3A_121, %cond3A_122 : i32
      scf.if %cond3A_123 {
        %dma_wait3A_171 = arith.constant 0 : i32
        %dma_wait3A_172 = arith.constant 0 : i32
        %dma_wait3A_173 = tpu.memref_slice %arg17[%dma_wait3A_171, %dma_wait3A_172] : memref<10240x128xf32, #tpu.memory_space<vmem_shared>> -> memref<10240x128xf32, #tpu.memory_space<vmem_shared>>
        tpu.wait_indirect_dma semaphore(%arg24 : memref<!tpu.dma_semaphore, #tpu.memory_space<semaphore_mem>>) src(%arg14 : memref<120x128xf32, #tpu.memory_space<vmem>>) dst(%dma_wait3A_173 : memref<10240x128xf32, #tpu.memory_space<vmem_shared>>)
      } else {
      }
      %add3A_124 = arith.constant 2 : i32
      %add3A_125 = arith.addi %add3A_118, %add3A_124 : i32
      %lt3A_126 = arith.constant 84 : i32
      %lt3A_127 = arith.cmpi slt, %add3A_125, %lt3A_126 : i32
      %convert_element_type3A_128 = arith.extui %lt3A_127 : i1 to i32
      %cond3A_129 = arith.constant 0 : i32
      %cond3A_130 = arith.cmpi ne, %convert_element_type3A_128, %cond3A_129 : i32
      scf.if %cond3A_130 {
        %add3A_171 = arith.constant 2 : i32
        %add3A_172 = arith.addi %add3A_118, %add3A_171 : i32
        %dma_start3A_173 = arith.constant 0 : i32
        %dma_start3A_174 = arith.constant 0 : i32
        %dma_start3A_175 = tpu.memref_slice %arg4[%arg1, %add3A_172, %dma_start3A_173, %dma_start3A_174] : memref<16x84x1x120xi32, #tpu.memory_space<hbm>> -> memref<1x1x1x120xi32, #tpu.memory_space<hbm>>
        %dma_start3A_176 = tpu.memref_squeeze %dma_start3A_175 : memref<1x1x1x120xi32, #tpu.memory_space<hbm>> -> memref<120xi32, #tpu.memory_space<hbm>>
        %dma_start3A_177 = arith.constant 0 : i32
        %dma_start3A_178 = tpu.memref_slice %arg4[%arg1, %add3A_172, %dma_start3A_173, %dma_start3A_177] : memref<16x84x1x120xi32, #tpu.memory_space<hbm>> -> memref<1x1x1x120xi32, #tpu.memory_space<hbm>>
        %dma_start3A_179 = tpu.memref_squeeze %dma_start3A_178 : memref<1x1x1x120xi32, #tpu.memory_space<hbm>> -> memref<120xi32, #tpu.memory_space<hbm>>
        tpu.enqueue_dma source(%dma_start3A_179 : memref<120xi32, #tpu.memory_space<hbm>>) target(%arg8 : memref<120xi32, #tpu.memory_space<vmem>>) target_semaphore(%arg18 : memref<!tpu.dma_semaphore, #tpu.memory_space<semaphore_mem>>)
        %dma_start3A_180 = arith.constant 0 : i32
        %dma_start3A_181 = arith.constant 0 : i32
        %dma_start3A_182 = tpu.memref_slice %arg5[%arg1, %add3A_172, %dma_start3A_180, %dma_start3A_181] : memref<16x84x1x120xi32, #tpu.memory_space<hbm>> -> memref<1x1x1x120xi32, #tpu.memory_space<hbm>>
        %dma_start3A_183 = tpu.memref_squeeze %dma_start3A_182 : memref<1x1x1x120xi32, #tpu.memory_space<hbm>> -> memref<120xi32, #tpu.memory_space<hbm>>
        %dma_start3A_184 = arith.constant 0 : i32
        %dma_start3A_185 = tpu.memref_slice %arg5[%arg1, %add3A_172, %dma_start3A_180, %dma_start3A_184] : memref<16x84x1x120xi32, #tpu.memory_space<hbm>> -> memref<1x1x1x120xi32, #tpu.memory_space<hbm>>
        %dma_start3A_186 = tpu.memref_squeeze %dma_start3A_185 : memref<1x1x1x120xi32, #tpu.memory_space<hbm>> -> memref<120xi32, #tpu.memory_space<hbm>>
        tpu.enqueue_dma source(%dma_start3A_186 : memref<120xi32, #tpu.memory_space<hbm>>) target(%arg11 : memref<120xi32, #tpu.memory_space<vmem>>) target_semaphore(%arg18 : memref<!tpu.dma_semaphore, #tpu.memory_space<semaphore_mem>>)
      } else {
      }
      %add3A_131 = arith.constant 1 : i32
      %add3A_132 = arith.addi %add3A_118, %add3A_131 : i32
      %lt3A_133 = arith.constant 84 : i32
      %lt3A_134 = arith.cmpi slt, %add3A_132, %lt3A_133 : i32
      %convert_element_type3A_135 = arith.extui %lt3A_134 : i1 to i32
      %cond3A_136 = arith.constant 0 : i32
      %cond3A_137 = arith.cmpi ne, %convert_element_type3A_135, %cond3A_136 : i32
      scf.if %cond3A_137 {
        %dma_wait3A_171 = arith.constant 0 : i32
        %dma_wait3A_172 = arith.constant 0 : i32
        %dma_wait3A_173 = arith.constant 0 : i32
        %dma_wait3A_174 = tpu.memref_slice %arg4[%arg1, %dma_wait3A_171, %dma_wait3A_172, %dma_wait3A_173] : memref<16x84x1x120xi32, #tpu.memory_space<hbm>> -> memref<1x1x1x120xi32, #tpu.memory_space<hbm>>
        %dma_wait3A_175 = tpu.memref_squeeze %dma_wait3A_174 : memref<1x1x1x120xi32, #tpu.memory_space<hbm>> -> memref<120xi32, #tpu.memory_space<hbm>>
        %dma_wait3A_176 = arith.constant 0 : i32
        %dma_wait3A_177 = tpu.memref_slice %arg4[%arg1, %dma_wait3A_171, %dma_wait3A_172, %dma_wait3A_176] : memref<16x84x1x120xi32, #tpu.memory_space<hbm>> -> memref<1x1x1x120xi32, #tpu.memory_space<hbm>>
        %dma_wait3A_178 = tpu.memref_squeeze %dma_wait3A_177 : memref<1x1x1x120xi32, #tpu.memory_space<hbm>> -> memref<120xi32, #tpu.memory_space<hbm>>
        tpu.wait_dma2 semaphore(%arg20 : memref<!tpu.dma_semaphore, #tpu.memory_space<semaphore_mem>>) src(%dma_wait3A_178 : memref<120xi32, #tpu.memory_space<hbm>>) dst(%arg10 : memref<120xi32, #tpu.memory_space<vmem>>)
        %dma_wait3A_179 = arith.constant 0 : i32
        %dma_wait3A_180 = arith.constant 0 : i32
        %dma_wait3A_181 = arith.constant 0 : i32
        %dma_wait3A_182 = tpu.memref_slice %arg5[%arg1, %dma_wait3A_179, %dma_wait3A_180, %dma_wait3A_181] : memref<16x84x1x120xi32, #tpu.memory_space<hbm>> -> memref<1x1x1x120xi32, #tpu.memory_space<hbm>>
        %dma_wait3A_183 = tpu.memref_squeeze %dma_wait3A_182 : memref<1x1x1x120xi32, #tpu.memory_space<hbm>> -> memref<120xi32, #tpu.memory_space<hbm>>
        %dma_wait3A_184 = arith.constant 0 : i32
        %dma_wait3A_185 = tpu.memref_slice %arg5[%arg1, %dma_wait3A_179, %dma_wait3A_180, %dma_wait3A_184] : memref<16x84x1x120xi32, #tpu.memory_space<hbm>> -> memref<1x1x1x120xi32, #tpu.memory_space<hbm>>
        %dma_wait3A_186 = tpu.memref_squeeze %dma_wait3A_185 : memref<1x1x1x120xi32, #tpu.memory_space<hbm>> -> memref<120xi32, #tpu.memory_space<hbm>>
        tpu.wait_dma2 semaphore(%arg20 : memref<!tpu.dma_semaphore, #tpu.memory_space<semaphore_mem>>) src(%dma_wait3A_186 : memref<120xi32, #tpu.memory_space<hbm>>) dst(%arg13 : memref<120xi32, #tpu.memory_space<vmem>>)
        %eq3A_187 = arith.constant 0 : i32
        %eq3A_188 = arith.cmpi eq, %arg0, %eq3A_187 : i32
        %convert_element_type3A_189 = arith.extui %eq3A_188 : i1 to i32
        %cond3A_190 = arith.constant 0 : i32
        %cond3A_191 = arith.cmpi ne, %convert_element_type3A_189, %cond3A_190 : i32
        scf.if %cond3A_191 {
          %dma_start3A_197 = arith.constant 0 : i32
          %dma_start3A_198 = arith.constant 0 : i32
          %dma_start3A_199 = tpu.memref_slice %arg2[%dma_start3A_197, %dma_start3A_198] : memref<10000x128xf32, #tpu.memory_space<hbm>> -> memref<10000x128xf32, #tpu.memory_space<hbm>>
          tpu.enqueue_indirect_dma source(%dma_start3A_199 : memref<10000x128xf32, #tpu.memory_space<hbm>>) target(%arg16 : memref<120x128xf32, #tpu.memory_space<vmem>>) offsets(%arg10 : memref<120xi32, #tpu.memory_space<vmem>>) semaphore(%arg23 : memref<!tpu.dma_semaphore, #tpu.memory_space<semaphore_mem>>)
        } else {
        }
        %eq3A_192 = arith.constant 1 : i32
        %eq3A_193 = arith.cmpi eq, %arg0, %eq3A_192 : i32
        %convert_element_type3A_194 = arith.extui %eq3A_193 : i1 to i32
        %cond3A_195 = arith.constant 0 : i32
        %cond3A_196 = arith.cmpi ne, %convert_element_type3A_194, %cond3A_195 : i32
        scf.if %cond3A_196 {
          %dma_start3A_197 = arith.constant 0 : i32
          %dma_start3A_198 = arith.constant 0 : i32
          %dma_start3A_199 = tpu.memref_slice %arg3[%dma_start3A_197, %dma_start3A_198] : memref<10000x128xf32, #tpu.memory_space<hbm>> -> memref<10000x128xf32, #tpu.memory_space<hbm>>
          tpu.enqueue_indirect_dma source(%dma_start3A_199 : memref<10000x128xf32, #tpu.memory_space<hbm>>) target(%arg16 : memref<120x128xf32, #tpu.memory_space<vmem>>) offsets(%arg10 : memref<120xi32, #tpu.memory_space<vmem>>) semaphore(%arg23 : memref<!tpu.dma_semaphore, #tpu.memory_space<semaphore_mem>>)
        } else {
        }
      } else {
      }
      %dma_wait3A_138 = arith.constant 0 : i32
      %dma_wait3A_139 = arith.constant 0 : i32
      %dma_wait3A_140 = tpu.memref_slice %arg2[%dma_wait3A_138, %dma_wait3A_139] : memref<10000x128xf32, #tpu.memory_space<hbm>> -> memref<10000x128xf32, #tpu.memory_space<hbm>>
      tpu.wait_indirect_dma semaphore(%arg22 : memref<!tpu.dma_semaphore, #tpu.memory_space<semaphore_mem>>) src(%dma_wait3A_140 : memref<10000x128xf32, #tpu.memory_space<hbm>>) dst(%arg15 : memref<120x128xf32, #tpu.memory_space<vmem>>)
      %dma_start3A_141 = arith.constant 0 : i32
      %dma_start3A_142 = arith.constant 0 : i32
      %dma_start3A_143 = tpu.memref_slice %arg17[%dma_start3A_141, %dma_start3A_142] : memref<10240x128xf32, #tpu.memory_space<vmem_shared>> -> memref<10240x128xf32, #tpu.memory_space<vmem_shared>>
      tpu.enqueue_indirect_dma source(%arg15 : memref<120x128xf32, #tpu.memory_space<vmem>>) target(%dma_start3A_143 : memref<10240x128xf32, #tpu.memory_space<vmem_shared>>) offsets(%arg12 : memref<120xi32, #tpu.memory_space<vmem>>) semaphore(%arg25 : memref<!tpu.dma_semaphore, #tpu.memory_space<semaphore_mem>>) {add = true}
      %add3A_144 = arith.constant 2 : i32
      %add3A_145 = arith.addi %add3A_91, %add3A_144 : i32
      %ge3A_146 = arith.constant 1 : i32
      %ge3A_147 = arith.cmpi sge, %add3A_145, %ge3A_146 : i32
      %convert_element_type3A_148 = arith.extui %ge3A_147 : i1 to i32
      %cond3A_149 = arith.constant 0 : i32
      %cond3A_150 = arith.cmpi ne, %convert_element_type3A_148, %cond3A_149 : i32
      scf.if %cond3A_150 {
        %dma_wait3A_171 = arith.constant 0 : i32
        %dma_wait3A_172 = arith.constant 0 : i32
        %dma_wait3A_173 = tpu.memref_slice %arg17[%dma_wait3A_171, %dma_wait3A_172] : memref<10240x128xf32, #tpu.memory_space<vmem_shared>> -> memref<10240x128xf32, #tpu.memory_space<vmem_shared>>
        tpu.wait_indirect_dma semaphore(%arg25 : memref<!tpu.dma_semaphore, #tpu.memory_space<semaphore_mem>>) src(%arg15 : memref<120x128xf32, #tpu.memory_space<vmem>>) dst(%dma_wait3A_173 : memref<10240x128xf32, #tpu.memory_space<vmem_shared>>)
      } else {
      }
      %add3A_151 = arith.constant 2 : i32
      %add3A_152 = arith.addi %add3A_145, %add3A_151 : i32
      %lt3A_153 = arith.constant 84 : i32
      %lt3A_154 = arith.cmpi slt, %add3A_152, %lt3A_153 : i32
      %convert_element_type3A_155 = arith.extui %lt3A_154 : i1 to i32
      %cond3A_156 = arith.constant 0 : i32
      %cond3A_157 = arith.cmpi ne, %convert_element_type3A_155, %cond3A_156 : i32
      scf.if %cond3A_157 {
        %add3A_171 = arith.constant 2 : i32
        %add3A_172 = arith.addi %add3A_145, %add3A_171 : i32
        %dma_start3A_173 = arith.constant 0 : i32
        %dma_start3A_174 = arith.constant 0 : i32
        %dma_start3A_175 = tpu.memref_slice %arg4[%arg1, %add3A_172, %dma_start3A_173, %dma_start3A_174] : memref<16x84x1x120xi32, #tpu.memory_space<hbm>> -> memref<1x1x1x120xi32, #tpu.memory_space<hbm>>
        %dma_start3A_176 = tpu.memref_squeeze %dma_start3A_175 : memref<1x1x1x120xi32, #tpu.memory_space<hbm>> -> memref<120xi32, #tpu.memory_space<hbm>>
        %dma_start3A_177 = arith.constant 0 : i32
        %dma_start3A_178 = tpu.memref_slice %arg4[%arg1, %add3A_172, %dma_start3A_173, %dma_start3A_177] : memref<16x84x1x120xi32, #tpu.memory_space<hbm>> -> memref<1x1x1x120xi32, #tpu.memory_space<hbm>>
        %dma_start3A_179 = tpu.memref_squeeze %dma_start3A_178 : memref<1x1x1x120xi32, #tpu.memory_space<hbm>> -> memref<120xi32, #tpu.memory_space<hbm>>
        tpu.enqueue_dma source(%dma_start3A_179 : memref<120xi32, #tpu.memory_space<hbm>>) target(%arg9 : memref<120xi32, #tpu.memory_space<vmem>>) target_semaphore(%arg19 : memref<!tpu.dma_semaphore, #tpu.memory_space<semaphore_mem>>)
        %dma_start3A_180 = arith.constant 0 : i32
        %dma_start3A_181 = arith.constant 0 : i32
        %dma_start3A_182 = tpu.memref_slice %arg5[%arg1, %add3A_172, %dma_start3A_180, %dma_start3A_181] : memref<16x84x1x120xi32, #tpu.memory_space<hbm>> -> memref<1x1x1x120xi32, #tpu.memory_space<hbm>>
        %dma_start3A_183 = tpu.memref_squeeze %dma_start3A_182 : memref<1x1x1x120xi32, #tpu.memory_space<hbm>> -> memref<120xi32, #tpu.memory_space<hbm>>
        %dma_start3A_184 = arith.constant 0 : i32
        %dma_start3A_185 = tpu.memref_slice %arg5[%arg1, %add3A_172, %dma_start3A_180, %dma_start3A_184] : memref<16x84x1x120xi32, #tpu.memory_space<hbm>> -> memref<1x1x1x120xi32, #tpu.memory_space<hbm>>
        %dma_start3A_186 = tpu.memref_squeeze %dma_start3A_185 : memref<1x1x1x120xi32, #tpu.memory_space<hbm>> -> memref<120xi32, #tpu.memory_space<hbm>>
        tpu.enqueue_dma source(%dma_start3A_186 : memref<120xi32, #tpu.memory_space<hbm>>) target(%arg12 : memref<120xi32, #tpu.memory_space<vmem>>) target_semaphore(%arg19 : memref<!tpu.dma_semaphore, #tpu.memory_space<semaphore_mem>>)
      } else {
      }
      %add3A_158 = arith.constant 1 : i32
      %add3A_159 = arith.addi %add3A_145, %add3A_158 : i32
      %lt3A_160 = arith.constant 84 : i32
      %lt3A_161 = arith.cmpi slt, %add3A_159, %lt3A_160 : i32
      %convert_element_type3A_162 = arith.extui %lt3A_161 : i1 to i32
      %cond3A_163 = arith.constant 0 : i32
      %cond3A_164 = arith.cmpi ne, %convert_element_type3A_162, %cond3A_163 : i32
      scf.if %cond3A_164 {
        %dma_wait3A_171 = arith.constant 0 : i32
        %dma_wait3A_172 = arith.constant 0 : i32
        %dma_wait3A_173 = arith.constant 0 : i32
        %dma_wait3A_174 = tpu.memref_slice %arg4[%arg1, %dma_wait3A_171, %dma_wait3A_172, %dma_wait3A_173] : memref<16x84x1x120xi32, #tpu.memory_space<hbm>> -> memref<1x1x1x120xi32, #tpu.memory_space<hbm>>
        %dma_wait3A_175 = tpu.memref_squeeze %dma_wait3A_174 : memref<1x1x1x120xi32, #tpu.memory_space<hbm>> -> memref<120xi32, #tpu.memory_space<hbm>>
        %dma_wait3A_176 = arith.constant 0 : i32
        %dma_wait3A_177 = tpu.memref_slice %arg4[%arg1, %dma_wait3A_171, %dma_wait3A_172, %dma_wait3A_176] : memref<16x84x1x120xi32, #tpu.memory_space<hbm>> -> memref<1x1x1x120xi32, #tpu.memory_space<hbm>>
        %dma_wait3A_178 = tpu.memref_squeeze %dma_wait3A_177 : memref<1x1x1x120xi32, #tpu.memory_space<hbm>> -> memref<120xi32, #tpu.memory_space<hbm>>
        tpu.wait_dma2 semaphore(%arg18 : memref<!tpu.dma_semaphore, #tpu.memory_space<semaphore_mem>>) src(%dma_wait3A_178 : memref<120xi32, #tpu.memory_space<hbm>>) dst(%arg8 : memref<120xi32, #tpu.memory_space<vmem>>)
        %dma_wait3A_179 = arith.constant 0 : i32
        %dma_wait3A_180 = arith.constant 0 : i32
        %dma_wait3A_181 = arith.constant 0 : i32
        %dma_wait3A_182 = tpu.memref_slice %arg5[%arg1, %dma_wait3A_179, %dma_wait3A_180, %dma_wait3A_181] : memref<16x84x1x120xi32, #tpu.memory_space<hbm>> -> memref<1x1x1x120xi32, #tpu.memory_space<hbm>>
        %dma_wait3A_183 = tpu.memref_squeeze %dma_wait3A_182 : memref<1x1x1x120xi32, #tpu.memory_space<hbm>> -> memref<120xi32, #tpu.memory_space<hbm>>
        %dma_wait3A_184 = arith.constant 0 : i32
        %dma_wait3A_185 = tpu.memref_slice %arg5[%arg1, %dma_wait3A_179, %dma_wait3A_180, %dma_wait3A_184] : memref<16x84x1x120xi32, #tpu.memory_space<hbm>> -> memref<1x1x1x120xi32, #tpu.memory_space<hbm>>
        %dma_wait3A_186 = tpu.memref_squeeze %dma_wait3A_185 : memref<1x1x1x120xi32, #tpu.memory_space<hbm>> -> memref<120xi32, #tpu.memory_space<hbm>>
        tpu.wait_dma2 semaphore(%arg18 : memref<!tpu.dma_semaphore, #tpu.memory_space<semaphore_mem>>) src(%dma_wait3A_186 : memref<120xi32, #tpu.memory_space<hbm>>) dst(%arg11 : memref<120xi32, #tpu.memory_space<vmem>>)
        %eq3A_187 = arith.constant 0 : i32
        %eq3A_188 = arith.cmpi eq, %arg0, %eq3A_187 : i32
        %convert_element_type3A_189 = arith.extui %eq3A_188 : i1 to i32
        %cond3A_190 = arith.constant 0 : i32
        %cond3A_191 = arith.cmpi ne, %convert_element_type3A_189, %cond3A_190 : i32
        scf.if %cond3A_191 {
          %dma_start3A_197 = arith.constant 0 : i32
          %dma_start3A_198 = arith.constant 0 : i32
          %dma_start3A_199 = tpu.memref_slice %arg2[%dma_start3A_197, %dma_start3A_198] : memref<10000x128xf32, #tpu.memory_space<hbm>> -> memref<10000x128xf32, #tpu.memory_space<hbm>>
          tpu.enqueue_indirect_dma source(%dma_start3A_199 : memref<10000x128xf32, #tpu.memory_space<hbm>>) target(%arg14 : memref<120x128xf32, #tpu.memory_space<vmem>>) offsets(%arg8 : memref<120xi32, #tpu.memory_space<vmem>>) semaphore(%arg21 : memref<!tpu.dma_semaphore, #tpu.memory_space<semaphore_mem>>)
        } else {
        }
        %eq3A_192 = arith.constant 1 : i32
        %eq3A_193 = arith.cmpi eq, %arg0, %eq3A_192 : i32
        %convert_element_type3A_194 = arith.extui %eq3A_193 : i1 to i32
        %cond3A_195 = arith.constant 0 : i32
        %cond3A_196 = arith.cmpi ne, %convert_element_type3A_194, %cond3A_195 : i32
        scf.if %cond3A_196 {
          %dma_start3A_197 = arith.constant 0 : i32
          %dma_start3A_198 = arith.constant 0 : i32
          %dma_start3A_199 = tpu.memref_slice %arg3[%dma_start3A_197, %dma_start3A_198] : memref<10000x128xf32, #tpu.memory_space<hbm>> -> memref<10000x128xf32, #tpu.memory_space<hbm>>
          tpu.enqueue_indirect_dma source(%dma_start3A_199 : memref<10000x128xf32, #tpu.memory_space<hbm>>) target(%arg14 : memref<120x128xf32, #tpu.memory_space<vmem>>) offsets(%arg8 : memref<120xi32, #tpu.memory_space<vmem>>) semaphore(%arg21 : memref<!tpu.dma_semaphore, #tpu.memory_space<semaphore_mem>>)
        } else {
        }
      } else {
      }
      %dma_wait3A_165 = arith.constant 0 : i32
      %dma_wait3A_166 = arith.constant 0 : i32
      %dma_wait3A_167 = tpu.memref_slice %arg2[%dma_wait3A_165, %dma_wait3A_166] : memref<10000x128xf32, #tpu.memory_space<hbm>> -> memref<10000x128xf32, #tpu.memory_space<hbm>>
      tpu.wait_indirect_dma semaphore(%arg23 : memref<!tpu.dma_semaphore, #tpu.memory_space<semaphore_mem>>) src(%dma_wait3A_167 : memref<10000x128xf32, #tpu.memory_space<hbm>>) dst(%arg16 : memref<120x128xf32, #tpu.memory_space<vmem>>)
      %dma_start3A_168 = arith.constant 0 : i32
      %dma_start3A_169 = arith.constant 0 : i32
      %dma_start3A_170 = tpu.memref_slice %arg17[%dma_start3A_168, %dma_start3A_169] : memref<10240x128xf32, #tpu.memory_space<vmem_shared>> -> memref<10240x128xf32, #tpu.memory_space<vmem_shared>>
      tpu.enqueue_indirect_dma source(%arg16 : memref<120x128xf32, #tpu.memory_space<vmem>>) target(%dma_start3A_170 : memref<10240x128xf32, #tpu.memory_space<vmem_shared>>) offsets(%arg13 : memref<120xi32, #tpu.memory_space<vmem>>) semaphore(%arg26 : memref<!tpu.dma_semaphore, #tpu.memory_space<semaphore_mem>>) {add = true}
    }
    %scan3A_72 = arith.constant 28 : i32
    %dma_wait3A_73 = arith.constant 0 : i32
    %dma_wait3A_74 = arith.constant 0 : i32
    %dma_wait3A_75 = tpu.memref_slice %arg17[%dma_wait3A_73, %dma_wait3A_74] : memref<10240x128xf32, #tpu.memory_space<vmem_shared>> -> memref<10240x128xf32, #tpu.memory_space<vmem_shared>>
    tpu.wait_indirect_dma semaphore(%arg26 : memref<!tpu.dma_semaphore, #tpu.memory_space<semaphore_mem>>) src(%arg16 : memref<120x128xf32, #tpu.memory_space<vmem>>) dst(%dma_wait3A_75 : memref<10240x128xf32, #tpu.memory_space<vmem_shared>>)
    %barrier3A_76 = arith.constant 0 : index
    tpu.barrier barrier_id(%barrier3A_76)
    %mul3A = arith.constant 640 : i32
    %mul3A_77 = arith.muli %arg1, %mul3A : i32
    %scan3A_78 = arith.constant 0 : i32
    %scan3A_79 = arith.constant 8 : i32
    %scan3A_80 = arith.addi %scan3A_78, %scan3A_79 : i32
    %scan3A_81 = arith.constant 1 : i32
    scf.for %scan3A_88 = %scan3A_78 to %scan3A_80 step %scan3A_81  : i32 {
      %mul3A_89 = arith.constant 80 : i32
      %mul3A_90 = arith.muli %scan3A_88, %mul3A_89 : i32
      %add3A = arith.constant 0 : i32
      %add3A_91 = arith.addi %add3A, %mul3A_90 : i32
      %eq3A_92 = arith.constant 0 : i32
      %eq3A_93 = arith.cmpi eq, %arg0, %eq3A_92 : i32
      %convert_element_type3A_94 = arith.extui %eq3A_93 : i1 to i32
      %cond3A_95 = arith.constant 0 : i32
      %cond3A_96 = arith.cmpi ne, %convert_element_type3A_94, %cond3A_95 : i32
      scf.if %cond3A_96 {
        %add3A_102 = arith.addi %mul3A_77, %add3A_91 : i32
        %add3A_103 = arith.addi %mul3A_77, %add3A_91 : i32
        %dma_start3A_104 = arith.constant 0 : i32
        %dma_start3A_105 = tpu.memref_slice %arg6[%add3A_103, %dma_start3A_104] : memref<10240x128xf32, #tpu.memory_space<hbm>> -> memref<80x128xf32, #tpu.memory_space<hbm>>
        %dma_start3A_106 = arith.constant 0 : i32
        %dma_start3A_107 = tpu.memref_slice %arg17[%add3A_102, %dma_start3A_106] : memref<10240x128xf32, #tpu.memory_space<vmem_shared>> -> memref<80x128xf32, #tpu.memory_space<vmem_shared>>
        tpu.enqueue_dma source(%dma_start3A_107 : memref<80x128xf32, #tpu.memory_space<vmem_shared>>) target(%dma_start3A_105 : memref<80x128xf32, #tpu.memory_space<hbm>>) target_semaphore(%arg21 : memref<!tpu.dma_semaphore, #tpu.memory_space<semaphore_mem>>)
      } else {
      }
      %eq3A_97 = arith.constant 1 : i32
      %eq3A_98 = arith.cmpi eq, %arg0, %eq3A_97 : i32
      %convert_element_type3A_99 = arith.extui %eq3A_98 : i1 to i32
      %cond3A_100 = arith.constant 0 : i32
      %cond3A_101 = arith.cmpi ne, %convert_element_type3A_99, %cond3A_100 : i32
      scf.if %cond3A_101 {
        %add3A_102 = arith.addi %mul3A_77, %add3A_91 : i32
        %add3A_103 = arith.addi %mul3A_77, %add3A_91 : i32
        %dma_start3A_104 = arith.constant 0 : i32
        %dma_start3A_105 = tpu.memref_slice %arg7[%add3A_103, %dma_start3A_104] : memref<10240x128xf32, #tpu.memory_space<hbm>> -> memref<80x128xf32, #tpu.memory_space<hbm>>
        %dma_start3A_106 = arith.constant 0 : i32
        %dma_start3A_107 = tpu.memref_slice %arg17[%add3A_102, %dma_start3A_106] : memref<10240x128xf32, #tpu.memory_space<vmem_shared>> -> memref<80x128xf32, #tpu.memory_space<vmem_shared>>
        tpu.enqueue_dma source(%dma_start3A_107 : memref<80x128xf32, #tpu.memory_space<vmem_shared>>) target(%dma_start3A_105 : memref<80x128xf32, #tpu.memory_space<hbm>>) target_semaphore(%arg21 : memref<!tpu.dma_semaphore, #tpu.memory_space<semaphore_mem>>)
      } else {
      }
    }
    %scan3A_82 = arith.constant 8 : i32
    %scan3A_83 = arith.constant 0 : i32
    %scan3A_84 = arith.constant 8 : i32
    %scan3A_85 = arith.addi %scan3A_83, %scan3A_84 : i32
    %scan3A_86 = arith.constant 1 : i32
    scf.for %scan3A_88 = %scan3A_83 to %scan3A_85 step %scan3A_86  : i32 {
      %mul3A_89 = arith.constant 80 : i32
      %mul3A_90 = arith.muli %scan3A_88, %mul3A_89 : i32
      %add3A = arith.constant 0 : i32
      %add3A_91 = arith.addi %add3A, %mul3A_90 : i32
      %dma_wait3A_92 = arith.constant 0 : i32
      %dma_wait3A_93 = arith.constant 0 : i32
      %dma_wait3A_94 = tpu.memref_slice %arg6[%dma_wait3A_92, %dma_wait3A_93] : memref<10240x128xf32, #tpu.memory_space<hbm>> -> memref<80x128xf32, #tpu.memory_space<hbm>>
      %dma_wait3A_95 = arith.constant 0 : i32
      %dma_wait3A_96 = arith.constant 0 : i32
      %dma_wait3A_97 = tpu.memref_slice %arg17[%dma_wait3A_95, %dma_wait3A_96] : memref<10240x128xf32, #tpu.memory_space<vmem_shared>> -> memref<80x128xf32, #tpu.memory_space<vmem_shared>>
      tpu.wait_dma2 semaphore(%arg21 : memref<!tpu.dma_semaphore, #tpu.memory_space<semaphore_mem>>) src(%dma_wait3A_97 : memref<80x128xf32, #tpu.memory_space<vmem_shared>>) dst(%dma_wait3A_94 : memref<80x128xf32, #tpu.memory_space<hbm>>)
    }
    %scan3A_87 = arith.constant 8 : i32
    return
  }
}

#map = affine_map<(d0, d1) -> (0, 0)>
#map1 = affine_map<(d0, d1) -> (0, 0, 0, 0)>
module attributes {stable_mosaic.version = 14 : i64} {
  func.func @k(%arg0: i32, %arg1: i32, %arg2: memref<10000x128xf32, #tpu.memory_space<hbm>>, %arg3: memref<10000x128xf32, #tpu.memory_space<hbm>>, %arg4: memref<16x84x1x120xi32, #tpu.memory_space<hbm>>, %arg5: memref<16x84x1x120xi32, #tpu.memory_space<hbm>>, %arg6: memref<10240x128xf32, #tpu.memory_space<hbm>>, %arg7: memref<10240x128xf32, #tpu.memory_space<hbm>>, %arg8: memref<120xi32, #tpu.memory_space<vmem>>, %arg9: memref<120xi32, #tpu.memory_space<vmem>>, %arg10: memref<120xi32, #tpu.memory_space<vmem>>, %arg11: memref<120xi32, #tpu.memory_space<vmem>>, %arg12: memref<120xi32, #tpu.memory_space<vmem>>, %arg13: memref<120xi32, #tpu.memory_space<vmem>>, %arg14: memref<120x128xf32, #tpu.memory_space<vmem>>, %arg15: memref<120x128xf32, #tpu.memory_space<vmem>>, %arg16: memref<120x128xf32, #tpu.memory_space<vmem>>, %arg17: memref<10240x128xf32, #tpu.memory_space<vmem_shared>>, %arg18: memref<!tpu.dma_semaphore, #tpu.memory_space<semaphore_mem>>, %arg19: memref<!tpu.dma_semaphore, #tpu.memory_space<semaphore_mem>>, %arg20: memref<!tpu.dma_semaphore, #tpu.memory_space<semaphore_mem>>, %arg21: memref<!tpu.dma_semaphore, #tpu.memory_space<semaphore_mem>>, %arg22: memref<!tpu.dma_semaphore, #tpu.memory_space<semaphore_mem>>, %arg23: memref<!tpu.dma_semaphore, #tpu.memory_space<semaphore_mem>>, %arg24: memref<!tpu.dma_semaphore, #tpu.memory_space<semaphore_mem>>, %arg25: memref<!tpu.dma_semaphore, #tpu.memory_space<semaphore_mem>>, %arg26: memref<!tpu.dma_semaphore, #tpu.memory_space<semaphore_mem>>) attributes {dimension_semantics = [#tpu.dimension_semantics<core_parallel>, #tpu.dimension_semantics<subcore_parallel>], iteration_bounds = array<i64: 2, 16>, scalar_prefetch = 0 : i64, scratch_operands = 19 : i64, tpu.core_type = #tpu.core_type<sc_vector_subcore>, window_params = [{transform_indices = #map}, {transform_indices = #map}, {transform_indices = #map1}, {transform_indices = #map1}, {transform_indices = #map}, {transform_indices = #map}]} {
    %broadcast_in_dim3A = arith.constant 0.000000e+00 : f32
    %broadcast_in_dim3A_0 = vector.broadcast %broadcast_in_dim3A : f32 to vector<16xf32>
    %scan3A = arith.constant 0 : i32
    %scan3A_1 = arith.constant 80 : i32
    %scan3A_2 = arith.addi %scan3A, %scan3A_1 : i32
    %scan3A_3 = arith.constant 1 : i32
    scf.for %scan3A_88 = %scan3A to %scan3A_2 step %scan3A_3  : i32 {
      %mul3A_89 = arith.constant 1 : i32
      %mul3A_90 = arith.muli %scan3A_88, %mul3A_89 : i32
      %add3A = arith.constant 0 : i32
      %add3A_91 = arith.addi %add3A, %mul3A_90 : i32
      %scan3A_92 = arith.constant 0 : i32
      %scan3A_93 = arith.constant 8 : i32
      %scan3A_94 = arith.addi %scan3A_92, %scan3A_93 : i32
      %scan3A_95 = arith.constant 1 : i32
      scf.for %scan3A_97 = %scan3A_92 to %scan3A_94 step %scan3A_95  : i32 {
        %mul3A_98 = arith.constant 16 : i32
        %mul3A_99 = arith.muli %scan3A_97, %mul3A_98 : i32
        %add3A_100 = arith.constant 0 : i32
        %add3A_101 = arith.addi %add3A_100, %mul3A_99 : i32
        %swap3A = arith.index_cast %add3A_91 : i32 to index
        %swap3A_102 = arith.index_cast %add3A_101 : i32 to index
        %swap3A_103 = tpu.vector_load %arg14[%swap3A, %swap3A_102] {strides = array<i32>} : memref<120x128xf32, #tpu.memory_space<vmem>>, vector<1x16xf32>,
        %swap3A_104 = vector.shape_cast %swap3A_103 : vector<1x16xf32> to vector<16xf32>
        %swap3A_105 = vector.shape_cast %broadcast_in_dim3A_0 : vector<16xf32> to vector<1x16xf32>
        tpu.vector_store %arg14[%swap3A, %swap3A_102], %swap3A_105 {strides = array<i32>} : memref<120x128xf32, #tpu.memory_space<vmem>>, vector<1x16xf32>,
      }
      %scan3A_96 = arith.constant 8 : i32
    }
    %scan3A_4 = arith.constant 80 : i32
    %scan3A_5 = arith.constant 0 : i32
    %scan3A_6 = arith.constant 8 : i32
    %scan3A_7 = arith.addi %scan3A_5, %scan3A_6 : i32
    %scan3A_8 = arith.constant 1 : i32
    scf.for %scan3A_88 = %scan3A_5 to %scan3A_7 step %scan3A_8  : i32 {
      %mul3A_89 = arith.constant 80 : i32
      %mul3A_90 = arith.muli %scan3A_88, %mul3A_89 : i32
      %add3A = arith.constant 0 : i32
      %add3A_91 = arith.addi %add3A, %mul3A_90 : i32
      %mul3A_92 = arith.constant 640 : i32
      %mul3A_93 = arith.muli %arg1, %mul3A_92 : i32
      %add3A_94 = arith.addi %mul3A_93, %add3A_91 : i32
      %dma_start3A_95 = arith.constant 0 : i32
      %dma_start3A_96 = arith.constant 0 : i32
      %dma_start3A_97 = tpu.memref_slice %arg14[%dma_start3A_95, %dma_start3A_96] : memref<120x128xf32, #tpu.memory_space<vmem>> -> memref<80x128xf32, #tpu.memory_space<vmem>>
      %dma_start3A_98 = arith.constant 0 : i32
      %dma_start3A_99 = tpu.memref_slice %arg17[%add3A_94, %dma_start3A_98] : memref<10240x128xf32, #tpu.memory_space<vmem_shared>> -> memref<80x128xf32, #tpu.memory_space<vmem_shared>>
      %dma_start3A_100 = arith.constant 0 : i32
      %dma_start3A_101 = tpu.memref_slice %arg17[%add3A_94, %dma_start3A_100] : memref<10240x128xf32, #tpu.memory_space<vmem_shared>> -> memref<80x128xf32, #tpu.memory_space<vmem_shared>>
      %dma_start3A_102 = arith.constant 0 : i32
      %dma_start3A_103 = arith.constant 0 : i32
      %dma_start3A_104 = tpu.memref_slice %arg14[%dma_start3A_102, %dma_start3A_103] : memref<120x128xf32, #tpu.memory_space<vmem>> -> memref<80x128xf32, #tpu.memory_space<vmem>>
      tpu.enqueue_dma source(%dma_start3A_104 : memref<80x128xf32, #tpu.memory_space<vmem>>) target(%dma_start3A_101 : memref<80x128xf32, #tpu.memory_space<vmem_shared>>) target_semaphore(%arg21 : memref<!tpu.dma_semaphore, #tpu.memory_space<semaphore_mem>>)
    }
    %scan3A_9 = arith.constant 8 : i32
    %scan3A_10 = arith.constant 0 : i32
    %scan3A_11 = arith.constant 8 : i32
    %scan3A_12 = arith.addi %scan3A_10, %scan3A_11 : i32
    %scan3A_13 = arith.constant 1 : i32
    scf.for %scan3A_88 = %scan3A_10 to %scan3A_12 step %scan3A_13  : i32 {
      %mul3A_89 = arith.constant 80 : i32
      %mul3A_90 = arith.muli %scan3A_88, %mul3A_89 : i32
      %add3A = arith.constant 0 : i32
      %add3A_91 = arith.addi %add3A, %mul3A_90 : i32
      %dma_wait3A_92 = arith.constant 0 : i32
      %dma_wait3A_93 = arith.constant 0 : i32
      %dma_wait3A_94 = tpu.memref_slice %arg14[%dma_wait3A_92, %dma_wait3A_93] : memref<120x128xf32, #tpu.memory_space<vmem>> -> memref<80x128xf32, #tpu.memory_space<vmem>>
      %dma_wait3A_95 = arith.constant 0 : i32
      %dma_wait3A_96 = arith.constant 0 : i32
      %dma_wait3A_97 = tpu.memref_slice %arg17[%dma_wait3A_95, %dma_wait3A_96] : memref<10240x128xf32, #tpu.memory_space<vmem_shared>> -> memref<80x128xf32, #tpu.memory_space<vmem_shared>>
      %dma_wait3A_98 = arith.constant 0 : i32
      %dma_wait3A_99 = arith.constant 0 : i32
      %dma_wait3A_100 = tpu.memref_slice %arg17[%dma_wait3A_98, %dma_wait3A_99] : memref<10240x128xf32, #tpu.memory_space<vmem_shared>> -> memref<80x128xf32, #tpu.memory_space<vmem_shared>>
      %dma_wait3A_101 = arith.constant 0 : i32
      %dma_wait3A_102 = arith.constant 0 : i32
      %dma_wait3A_103 = tpu.memref_slice %arg14[%dma_wait3A_101, %dma_wait3A_102] : memref<120x128xf32, #tpu.memory_space<vmem>> -> memref<80x128xf32, #tpu.memory_space<vmem>>
      tpu.wait_dma2 semaphore(%arg21 : memref<!tpu.dma_semaphore, #tpu.memory_space<semaphore_mem>>) src(%dma_wait3A_103 : memref<80x128xf32, #tpu.memory_space<vmem>>) dst(%dma_wait3A_100 : memref<80x128xf32, #tpu.memory_space<vmem_shared>>)
    }
    %scan3A_14 = arith.constant 8 : i32
    %barrier3A = arith.constant 0 : index
    tpu.barrier barrier_id(%barrier3A)
    %dma_start3A = arith.constant 0 : i32
    %dma_start3A_15 = arith.constant 0 : i32
    %dma_start3A_16 = arith.constant 0 : i32
    %dma_start3A_17 = tpu.memref_slice %arg4[%arg1, %dma_start3A, %dma_start3A_15, %dma_start3A_16] : memref<16x84x1x120xi32, #tpu.memory_space<hbm>> -> memref<1x1x1x120xi32, #tpu.memory_space<hbm>>
    %dma_start3A_18 = tpu.memref_squeeze %dma_start3A_17 : memref<1x1x1x120xi32, #tpu.memory_space<hbm>> -> memref<120xi32, #tpu.memory_space<hbm>>
    %dma_start3A_19 = arith.constant 0 : i32
    %dma_start3A_20 = tpu.memref_slice %arg4[%arg1, %dma_start3A, %dma_start3A_15, %dma_start3A_19] : memref<16x84x1x120xi32, #tpu.memory_space<hbm>> -> memref<1x1x1x120xi32, #tpu.memory_space<hbm>>
    %dma_start3A_21 = tpu.memref_squeeze %dma_start3A_20 : memref<1x1x1x120xi32, #tpu.memory_space<hbm>> -> memref<120xi32, #tpu.memory_space<hbm>>
    tpu.enqueue_dma source(%dma_start3A_21 : memref<120xi32, #tpu.memory_space<hbm>>) target(%arg8 : memref<120xi32, #tpu.memory_space<vmem>>) target_semaphore(%arg18 : memref<!tpu.dma_semaphore, #tpu.memory_space<semaphore_mem>>)
    %dma_start3A_22 = arith.constant 0 : i32
    %dma_start3A_23 = arith.constant 0 : i32
    %dma_start3A_24 = arith.constant 0 : i32
    %dma_start3A_25 = tpu.memref_slice %arg5[%arg1, %dma_start3A_22, %dma_start3A_23, %dma_start3A_24] : memref<16x84x1x120xi32, #tpu.memory_space<hbm>> -> memref<1x1x1x120xi32, #tpu.memory_space<hbm>>
    %dma_start3A_26 = tpu.memref_squeeze %dma_start3A_25 : memref<1x1x1x120xi32, #tpu.memory_space<hbm>> -> memref<120xi32, #tpu.memory_space<hbm>>
    %dma_start3A_27 = arith.constant 0 : i32
    %dma_start3A_28 = tpu.memref_slice %arg5[%arg1, %dma_start3A_22, %dma_start3A_23, %dma_start3A_27] : memref<16x84x1x120xi32, #tpu.memory_space<hbm>> -> memref<1x1x1x120xi32, #tpu.memory_space<hbm>>
    %dma_start3A_29 = tpu.memref_squeeze %dma_start3A_28 : memref<1x1x1x120xi32, #tpu.memory_space<hbm>> -> memref<120xi32, #tpu.memory_space<hbm>>
    tpu.enqueue_dma source(%dma_start3A_29 : memref<120xi32, #tpu.memory_space<hbm>>) target(%arg11 : memref<120xi32, #tpu.memory_space<vmem>>) target_semaphore(%arg18 : memref<!tpu.dma_semaphore, #tpu.memory_space<semaphore_mem>>)
    %dma_start3A_30 = arith.constant 1 : i32
    %dma_start3A_31 = arith.constant 0 : i32
    %dma_start3A_32 = arith.constant 0 : i32
    %dma_start3A_33 = tpu.memref_slice %arg4[%arg1, %dma_start3A_30, %dma_start3A_31, %dma_start3A_32] : memref<16x84x1x120xi32, #tpu.memory_space<hbm>> -> memref<1x1x1x120xi32, #tpu.memory_space<hbm>>
    %dma_start3A_34 = tpu.memref_squeeze %dma_start3A_33 : memref<1x1x1x120xi32, #tpu.memory_space<hbm>> -> memref<120xi32, #tpu.memory_space<hbm>>
    %dma_start3A_35 = arith.constant 0 : i32
    %dma_start3A_36 = tpu.memref_slice %arg4[%arg1, %dma_start3A_30, %dma_start3A_31, %dma_start3A_35] : memref<16x84x1x120xi32, #tpu.memory_space<hbm>> -> memref<1x1x1x120xi32, #tpu.memory_space<hbm>>
    %dma_start3A_37 = tpu.memref_squeeze %dma_start3A_36 : memref<1x1x1x120xi32, #tpu.memory_space<hbm>> -> memref<120xi32, #tpu.memory_space<hbm>>
    tpu.enqueue_dma source(%dma_start3A_37 : memref<120xi32, #tpu.memory_space<hbm>>) target(%arg9 : memref<120xi32, #tpu.memory_space<vmem>>) target_semaphore(%arg19 : memref<!tpu.dma_semaphore, #tpu.memory_space<semaphore_mem>>)
    %dma_start3A_38 = arith.constant 1 : i32
    %dma_start3A_39 = arith.constant 0 : i32
    %dma_start3A_40 = arith.constant 0 : i32
    %dma_start3A_41 = tpu.memref_slice %arg5[%arg1, %dma_start3A_38, %dma_start3A_39, %dma_start3A_40] : memref<16x84x1x120xi32, #tpu.memory_space<hbm>> -> memref<1x1x1x120xi32, #tpu.memory_space<hbm>>
    %dma_start3A_42 = tpu.memref_squeeze %dma_start3A_41 : memref<1x1x1x120xi32, #tpu.memory_space<hbm>> -> memref<120xi32, #tpu.memory_space<hbm>>
    %dma_start3A_43 = arith.constant 0 : i32
    %dma_start3A_44 = tpu.memref_slice %arg5[%arg1, %dma_start3A_38, %dma_start3A_39, %dma_start3A_43] : memref<16x84x1x120xi32, #tpu.memory_space<hbm>> -> memref<1x1x1x120xi32, #tpu.memory_space<hbm>>
    %dma_start3A_45 = tpu.memref_squeeze %dma_start3A_44 : memref<1x1x1x120xi32, #tpu.memory_space<hbm>> -> memref<120xi32, #tpu.memory_space<hbm>>
    tpu.enqueue_dma source(%dma_start3A_45 : memref<120xi32, #tpu.memory_space<hbm>>) target(%arg12 : memref<120xi32, #tpu.memory_space<vmem>>) target_semaphore(%arg19 : memref<!tpu.dma_semaphore, #tpu.memory_space<semaphore_mem>>)
    %dma_wait3A = arith.constant 0 : i32
    %dma_wait3A_46 = arith.constant 0 : i32
    %dma_wait3A_47 = arith.constant 0 : i32
    %dma_wait3A_48 = tpu.memref_slice %arg4[%arg1, %dma_wait3A, %dma_wait3A_46, %dma_wait3A_47] : memref<16x84x1x120xi32, #tpu.memory_space<hbm>> -> memref<1x1x1x120xi32, #tpu.memory_space<hbm>>
    %dma_wait3A_49 = tpu.memref_squeeze %dma_wait3A_48 : memref<1x1x1x120xi32, #tpu.memory_space<hbm>> -> memref<120xi32, #tpu.memory_space<hbm>>
    %dma_wait3A_50 = arith.constant 0 : i32
    %dma_wait3A_51 = tpu.memref_slice %arg4[%arg1, %dma_wait3A, %dma_wait3A_46, %dma_wait3A_50] : memref<16x84x1x120xi32, #tpu.memory_space<hbm>> -> memref<1x1x1x120xi32, #tpu.memory_space<hbm>>
    %dma_wait3A_52 = tpu.memref_squeeze %dma_wait3A_51 : memref<1x1x1x120xi32, #tpu.memory_space<hbm>> -> memref<120xi32, #tpu.memory_space<hbm>>
    tpu.wait_dma2 semaphore(%arg18 : memref<!tpu.dma_semaphore, #tpu.memory_space<semaphore_mem>>) src(%dma_wait3A_52 : memref<120xi32, #tpu.memory_space<hbm>>) dst(%arg8 : memref<120xi32, #tpu.memory_space<vmem>>)
    %dma_wait3A_53 = arith.constant 0 : i32
    %dma_wait3A_54 = arith.constant 0 : i32
    %dma_wait3A_55 = arith.constant 0 : i32
    %dma_wait3A_56 = tpu.memref_slice %arg5[%arg1, %dma_wait3A_53, %dma_wait3A_54, %dma_wait3A_55] : memref<16x84x1x120xi32, #tpu.memory_space<hbm>> -> memref<1x1x1x120xi32, #tpu.memory_space<hbm>>
    %dma_wait3A_57 = tpu.memref_squeeze %dma_wait3A_56 : memref<1x1x1x120xi32, #tpu.memory_space<hbm>> -> memref<120xi32, #tpu.memory_space<hbm>>
    %dma_wait3A_58 = arith.constant 0 : i32
    %dma_wait3A_59 = tpu.memref_slice %arg5[%arg1, %dma_wait3A_53, %dma_wait3A_54, %dma_wait3A_58] : memref<16x84x1x120xi32, #tpu.memory_space<hbm>> -> memref<1x1x1x120xi32, #tpu.memory_space<hbm>>
    %dma_wait3A_60 = tpu.memref_squeeze %dma_wait3A_59 : memref<1x1x1x120xi32, #tpu.memory_space<hbm>> -> memref<120xi32, #tpu.memory_space<hbm>>
    tpu.wait_dma2 semaphore(%arg18 : memref<!tpu.dma_semaphore, #tpu.memory_space<semaphore_mem>>) src(%dma_wait3A_60 : memref<120xi32, #tpu.memory_space<hbm>>) dst(%arg11 : memref<120xi32, #tpu.memory_space<vmem>>)
    %eq3A = arith.constant 0 : i32
    %eq3A_61 = arith.cmpi eq, %arg0, %eq3A : i32
    %convert_element_type3A = arith.extui %eq3A_61 : i1 to i32
    %cond3A = arith.constant 0 : i32
    %cond3A_62 = arith.cmpi ne, %convert_element_type3A, %cond3A : i32
    scf.if %cond3A_62 {
      %dma_start3A_88 = arith.constant 0 : i32
      %dma_start3A_89 = arith.constant 0 : i32
      %dma_start3A_90 = tpu.memref_slice %arg2[%dma_start3A_88, %dma_start3A_89] : memref<10000x128xf32, #tpu.memory_space<hbm>> -> memref<10000x128xf32, #tpu.memory_space<hbm>>
      tpu.enqueue_indirect_dma source(%dma_start3A_90 : memref<10000x128xf32, #tpu.memory_space<hbm>>) target(%arg14 : memref<120x128xf32, #tpu.memory_space<vmem>>) offsets(%arg8 : memref<120xi32, #tpu.memory_space<vmem>>) semaphore(%arg21 : memref<!tpu.dma_semaphore, #tpu.memory_space<semaphore_mem>>)
    } else {
    }
    %eq3A_63 = arith.constant 1 : i32
    %eq3A_64 = arith.cmpi eq, %arg0, %eq3A_63 : i32
    %convert_element_type3A_65 = arith.extui %eq3A_64 : i1 to i32
    %cond3A_66 = arith.constant 0 : i32
    %cond3A_67 = arith.cmpi ne, %convert_element_type3A_65, %cond3A_66 : i32
    scf.if %cond3A_67 {
      %dma_start3A_88 = arith.constant 0 : i32
      %dma_start3A_89 = arith.constant 0 : i32
      %dma_start3A_90 = tpu.memref_slice %arg3[%dma_start3A_88, %dma_start3A_89] : memref<10000x128xf32, #tpu.memory_space<hbm>> -> memref<10000x128xf32, #tpu.memory_space<hbm>>
      tpu.enqueue_indirect_dma source(%dma_start3A_90 : memref<10000x128xf32, #tpu.memory_space<hbm>>) target(%arg14 : memref<120x128xf32, #tpu.memory_space<vmem>>) offsets(%arg8 : memref<120xi32, #tpu.memory_space<vmem>>) semaphore(%arg21 : memref<!tpu.dma_semaphore, #tpu.memory_space<semaphore_mem>>)
    } else {
    }
    %scan3A_68 = arith.constant 0 : i32
    %scan3A_69 = arith.constant 28 : i32
    %scan3A_70 = arith.addi %scan3A_68, %scan3A_69 : i32
    %scan3A_71 = arith.constant 1 : i32
    scf.for %scan3A_88 = %scan3A_68 to %scan3A_70 step %scan3A_71  : i32 {
      %mul3A_89 = arith.constant 3 : i32
      %mul3A_90 = arith.muli %scan3A_88, %mul3A_89 : i32
      %add3A = arith.constant 0 : i32
      %add3A_91 = arith.addi %add3A, %mul3A_90 : i32
      %add3A_92 = arith.constant 0 : i32
      %add3A_93 = arith.addi %add3A_91, %add3A_92 : i32
      %ge3A = arith.constant 1 : i32
      %ge3A_94 = arith.cmpi sge, %add3A_93, %ge3A : i32
      %convert_element_type3A_95 = arith.extui %ge3A_94 : i1 to i32
      %cond3A_96 = arith.constant 0 : i32
      %cond3A_97 = arith.cmpi ne, %convert_element_type3A_95, %cond3A_96 : i32
      scf.if %cond3A_97 {
        %dma_wait3A_171 = arith.constant 0 : i32
        %dma_wait3A_172 = arith.constant 0 : i32
        %dma_wait3A_173 = tpu.memref_slice %arg17[%dma_wait3A_171, %dma_wait3A_172] : memref<10240x128xf32, #tpu.memory_space<vmem_shared>> -> memref<10240x128xf32, #tpu.memory_space<vmem_shared>>
        tpu.wait_indirect_dma semaphore(%arg26 : memref<!tpu.dma_semaphore, #tpu.memory_space<semaphore_mem>>) src(%arg16 : memref<120x128xf32, #tpu.memory_space<vmem>>) dst(%dma_wait3A_173 : memref<10240x128xf32, #tpu.memory_space<vmem_shared>>)
      } else {
      }
      %add3A_98 = arith.constant 2 : i32
      %add3A_99 = arith.addi %add3A_93, %add3A_98 : i32
      %lt3A = arith.constant 84 : i32
      %lt3A_100 = arith.cmpi slt, %add3A_99, %lt3A : i32
      %convert_element_type3A_101 = arith.extui %lt3A_100 : i1 to i32
      %cond3A_102 = arith.constant 0 : i32
      %cond3A_103 = arith.cmpi ne, %convert_element_type3A_101, %cond3A_102 : i32
      scf.if %cond3A_103 {
        %add3A_171 = arith.constant 2 : i32
        %add3A_172 = arith.addi %add3A_93, %add3A_171 : i32
        %dma_start3A_173 = arith.constant 0 : i32
        %dma_start3A_174 = arith.constant 0 : i32
        %dma_start3A_175 = tpu.memref_slice %arg4[%arg1, %add3A_172, %dma_start3A_173, %dma_start3A_174] : memref<16x84x1x120xi32, #tpu.memory_space<hbm>> -> memref<1x1x1x120xi32, #tpu.memory_space<hbm>>
        %dma_start3A_176 = tpu.memref_squeeze %dma_start3A_175 : memref<1x1x1x120xi32, #tpu.memory_space<hbm>> -> memref<120xi32, #tpu.memory_space<hbm>>
        %dma_start3A_177 = arith.constant 0 : i32
        %dma_start3A_178 = tpu.memref_slice %arg4[%arg1, %add3A_172, %dma_start3A_173, %dma_start3A_177] : memref<16x84x1x120xi32, #tpu.memory_space<hbm>> -> memref<1x1x1x120xi32, #tpu.memory_space<hbm>>
        %dma_start3A_179 = tpu.memref_squeeze %dma_start3A_178 : memref<1x1x1x120xi32, #tpu.memory_space<hbm>> -> memref<120xi32, #tpu.memory_space<hbm>>
        tpu.enqueue_dma source(%dma_start3A_179 : memref<120xi32, #tpu.memory_space<hbm>>) target(%arg10 : memref<120xi32, #tpu.memory_space<vmem>>) target_semaphore(%arg20 : memref<!tpu.dma_semaphore, #tpu.memory_space<semaphore_mem>>)
        %dma_start3A_180 = arith.constant 0 : i32
        %dma_start3A_181 = arith.constant 0 : i32
        %dma_start3A_182 = tpu.memref_slice %arg5[%arg1, %add3A_172, %dma_start3A_180, %dma_start3A_181] : memref<16x84x1x120xi32, #tpu.memory_space<hbm>> -> memref<1x1x1x120xi32, #tpu.memory_space<hbm>>
        %dma_start3A_183 = tpu.memref_squeeze %dma_start3A_182 : memref<1x1x1x120xi32, #tpu.memory_space<hbm>> -> memref<120xi32, #tpu.memory_space<hbm>>
        %dma_start3A_184 = arith.constant 0 : i32
        %dma_start3A_185 = tpu.memref_slice %arg5[%arg1, %add3A_172, %dma_start3A_180, %dma_start3A_184] : memref<16x84x1x120xi32, #tpu.memory_space<hbm>> -> memref<1x1x1x120xi32, #tpu.memory_space<hbm>>
        %dma_start3A_186 = tpu.memref_squeeze %dma_start3A_185 : memref<1x1x1x120xi32, #tpu.memory_space<hbm>> -> memref<120xi32, #tpu.memory_space<hbm>>
        tpu.enqueue_dma source(%dma_start3A_186 : memref<120xi32, #tpu.memory_space<hbm>>) target(%arg13 : memref<120xi32, #tpu.memory_space<vmem>>) target_semaphore(%arg20 : memref<!tpu.dma_semaphore, #tpu.memory_space<semaphore_mem>>)
      } else {
      }
      %add3A_104 = arith.constant 1 : i32
      %add3A_105 = arith.addi %add3A_93, %add3A_104 : i32
      %lt3A_106 = arith.constant 84 : i32
      %lt3A_107 = arith.cmpi slt, %add3A_105, %lt3A_106 : i32
      %convert_element_type3A_108 = arith.extui %lt3A_107 : i1 to i32
      %cond3A_109 = arith.constant 0 : i32
      %cond3A_110 = arith.cmpi ne, %convert_element_type3A_108, %cond3A_109 : i32
      scf.if %cond3A_110 {
        %dma_wait3A_171 = arith.constant 0 : i32
        %dma_wait3A_172 = arith.constant 0 : i32
        %dma_wait3A_173 = arith.constant 0 : i32
        %dma_wait3A_174 = tpu.memref_slice %arg4[%arg1, %dma_wait3A_171, %dma_wait3A_172, %dma_wait3A_173] : memref<16x84x1x120xi32, #tpu.memory_space<hbm>> -> memref<1x1x1x120xi32, #tpu.memory_space<hbm>>
        %dma_wait3A_175 = tpu.memref_squeeze %dma_wait3A_174 : memref<1x1x1x120xi32, #tpu.memory_space<hbm>> -> memref<120xi32, #tpu.memory_space<hbm>>
        %dma_wait3A_176 = arith.constant 0 : i32
        %dma_wait3A_177 = tpu.memref_slice %arg4[%arg1, %dma_wait3A_171, %dma_wait3A_172, %dma_wait3A_176] : memref<16x84x1x120xi32, #tpu.memory_space<hbm>> -> memref<1x1x1x120xi32, #tpu.memory_space<hbm>>
        %dma_wait3A_178 = tpu.memref_squeeze %dma_wait3A_177 : memref<1x1x1x120xi32, #tpu.memory_space<hbm>> -> memref<120xi32, #tpu.memory_space<hbm>>
        tpu.wait_dma2 semaphore(%arg19 : memref<!tpu.dma_semaphore, #tpu.memory_space<semaphore_mem>>) src(%dma_wait3A_178 : memref<120xi32, #tpu.memory_space<hbm>>) dst(%arg9 : memref<120xi32, #tpu.memory_space<vmem>>)
        %dma_wait3A_179 = arith.constant 0 : i32
        %dma_wait3A_180 = arith.constant 0 : i32
        %dma_wait3A_181 = arith.constant 0 : i32
        %dma_wait3A_182 = tpu.memref_slice %arg5[%arg1, %dma_wait3A_179, %dma_wait3A_180, %dma_wait3A_181] : memref<16x84x1x120xi32, #tpu.memory_space<hbm>> -> memref<1x1x1x120xi32, #tpu.memory_space<hbm>>
        %dma_wait3A_183 = tpu.memref_squeeze %dma_wait3A_182 : memref<1x1x1x120xi32, #tpu.memory_space<hbm>> -> memref<120xi32, #tpu.memory_space<hbm>>
        %dma_wait3A_184 = arith.constant 0 : i32
        %dma_wait3A_185 = tpu.memref_slice %arg5[%arg1, %dma_wait3A_179, %dma_wait3A_180, %dma_wait3A_184] : memref<16x84x1x120xi32, #tpu.memory_space<hbm>> -> memref<1x1x1x120xi32, #tpu.memory_space<hbm>>
        %dma_wait3A_186 = tpu.memref_squeeze %dma_wait3A_185 : memref<1x1x1x120xi32, #tpu.memory_space<hbm>> -> memref<120xi32, #tpu.memory_space<hbm>>
        tpu.wait_dma2 semaphore(%arg19 : memref<!tpu.dma_semaphore, #tpu.memory_space<semaphore_mem>>) src(%dma_wait3A_186 : memref<120xi32, #tpu.memory_space<hbm>>) dst(%arg12 : memref<120xi32, #tpu.memory_space<vmem>>)
        %eq3A_187 = arith.constant 0 : i32
        %eq3A_188 = arith.cmpi eq, %arg0, %eq3A_187 : i32
        %convert_element_type3A_189 = arith.extui %eq3A_188 : i1 to i32
        %cond3A_190 = arith.constant 0 : i32
        %cond3A_191 = arith.cmpi ne, %convert_element_type3A_189, %cond3A_190 : i32
        scf.if %cond3A_191 {
          %dma_start3A_197 = arith.constant 0 : i32
          %dma_start3A_198 = arith.constant 0 : i32
          %dma_start3A_199 = tpu.memref_slice %arg2[%dma_start3A_197, %dma_start3A_198] : memref<10000x128xf32, #tpu.memory_space<hbm>> -> memref<10000x128xf32, #tpu.memory_space<hbm>>
          tpu.enqueue_indirect_dma source(%dma_start3A_199 : memref<10000x128xf32, #tpu.memory_space<hbm>>) target(%arg15 : memref<120x128xf32, #tpu.memory_space<vmem>>) offsets(%arg9 : memref<120xi32, #tpu.memory_space<vmem>>) semaphore(%arg22 : memref<!tpu.dma_semaphore, #tpu.memory_space<semaphore_mem>>)
        } else {
        }
        %eq3A_192 = arith.constant 1 : i32
        %eq3A_193 = arith.cmpi eq, %arg0, %eq3A_192 : i32
        %convert_element_type3A_194 = arith.extui %eq3A_193 : i1 to i32
        %cond3A_195 = arith.constant 0 : i32
        %cond3A_196 = arith.cmpi ne, %convert_element_type3A_194, %cond3A_195 : i32
        scf.if %cond3A_196 {
          %dma_start3A_197 = arith.constant 0 : i32
          %dma_start3A_198 = arith.constant 0 : i32
          %dma_start3A_199 = tpu.memref_slice %arg3[%dma_start3A_197, %dma_start3A_198] : memref<10000x128xf32, #tpu.memory_space<hbm>> -> memref<10000x128xf32, #tpu.memory_space<hbm>>
          tpu.enqueue_indirect_dma source(%dma_start3A_199 : memref<10000x128xf32, #tpu.memory_space<hbm>>) target(%arg15 : memref<120x128xf32, #tpu.memory_space<vmem>>) offsets(%arg9 : memref<120xi32, #tpu.memory_space<vmem>>) semaphore(%arg22 : memref<!tpu.dma_semaphore, #tpu.memory_space<semaphore_mem>>)
        } else {
        }
      } else {
      }
      %dma_wait3A_111 = arith.constant 0 : i32
      %dma_wait3A_112 = arith.constant 0 : i32
      %dma_wait3A_113 = tpu.memref_slice %arg2[%dma_wait3A_111, %dma_wait3A_112] : memref<10000x128xf32, #tpu.memory_space<hbm>> -> memref<10000x128xf32, #tpu.memory_space<hbm>>
      tpu.wait_indirect_dma semaphore(%arg21 : memref<!tpu.dma_semaphore, #tpu.memory_space<semaphore_mem>>) src(%dma_wait3A_113 : memref<10000x128xf32, #tpu.memory_space<hbm>>) dst(%arg14 : memref<120x128xf32, #tpu.memory_space<vmem>>)
      %dma_start3A_114 = arith.constant 0 : i32
      %dma_start3A_115 = arith.constant 0 : i32
      %dma_start3A_116 = tpu.memref_slice %arg17[%dma_start3A_114, %dma_start3A_115] : memref<10240x128xf32, #tpu.memory_space<vmem_shared>> -> memref<10240x128xf32, #tpu.memory_space<vmem_shared>>
      tpu.enqueue_indirect_dma source(%arg14 : memref<120x128xf32, #tpu.memory_space<vmem>>) target(%dma_start3A_116 : memref<10240x128xf32, #tpu.memory_space<vmem_shared>>) offsets(%arg11 : memref<120xi32, #tpu.memory_space<vmem>>) semaphore(%arg24 : memref<!tpu.dma_semaphore, #tpu.memory_space<semaphore_mem>>) {add = true}
      %add3A_117 = arith.constant 1 : i32
      %add3A_118 = arith.addi %add3A_91, %add3A_117 : i32
      %ge3A_119 = arith.constant 1 : i32
      %ge3A_120 = arith.cmpi sge, %add3A_118, %ge3A_119 : i32
      %convert_element_type3A_121 = arith.extui %ge3A_120 : i1 to i32
      %cond3A_122 = arith.constant 0 : i32
      %cond3A_123 = arith.cmpi ne, %convert_element_type3A_121, %cond3A_122 : i32
      scf.if %cond3A_123 {
        %dma_wait3A_171 = arith.constant 0 : i32
        %dma_wait3A_172 = arith.constant 0 : i32
        %dma_wait3A_173 = tpu.memref_slice %arg17[%dma_wait3A_171, %dma_wait3A_172] : memref<10240x128xf32, #tpu.memory_space<vmem_shared>> -> memref<10240x128xf32, #tpu.memory_space<vmem_shared>>
        tpu.wait_indirect_dma semaphore(%arg24 : memref<!tpu.dma_semaphore, #tpu.memory_space<semaphore_mem>>) src(%arg14 : memref<120x128xf32, #tpu.memory_space<vmem>>) dst(%dma_wait3A_173 : memref<10240x128xf32, #tpu.memory_space<vmem_shared>>)
      } else {
      }
      %add3A_124 = arith.constant 2 : i32
      %add3A_125 = arith.addi %add3A_118, %add3A_124 : i32
      %lt3A_126 = arith.constant 84 : i32
      %lt3A_127 = arith.cmpi slt, %add3A_125, %lt3A_126 : i32
      %convert_element_type3A_128 = arith.extui %lt3A_127 : i1 to i32
      %cond3A_129 = arith.constant 0 : i32
      %cond3A_130 = arith.cmpi ne, %convert_element_type3A_128, %cond3A_129 : i32
      scf.if %cond3A_130 {
        %add3A_171 = arith.constant 2 : i32
        %add3A_172 = arith.addi %add3A_118, %add3A_171 : i32
        %dma_start3A_173 = arith.constant 0 : i32
        %dma_start3A_174 = arith.constant 0 : i32
        %dma_start3A_175 = tpu.memref_slice %arg4[%arg1, %add3A_172, %dma_start3A_173, %dma_start3A_174] : memref<16x84x1x120xi32, #tpu.memory_space<hbm>> -> memref<1x1x1x120xi32, #tpu.memory_space<hbm>>
        %dma_start3A_176 = tpu.memref_squeeze %dma_start3A_175 : memref<1x1x1x120xi32, #tpu.memory_space<hbm>> -> memref<120xi32, #tpu.memory_space<hbm>>
        %dma_start3A_177 = arith.constant 0 : i32
        %dma_start3A_178 = tpu.memref_slice %arg4[%arg1, %add3A_172, %dma_start3A_173, %dma_start3A_177] : memref<16x84x1x120xi32, #tpu.memory_space<hbm>> -> memref<1x1x1x120xi32, #tpu.memory_space<hbm>>
        %dma_start3A_179 = tpu.memref_squeeze %dma_start3A_178 : memref<1x1x1x120xi32, #tpu.memory_space<hbm>> -> memref<120xi32, #tpu.memory_space<hbm>>
        tpu.enqueue_dma source(%dma_start3A_179 : memref<120xi32, #tpu.memory_space<hbm>>) target(%arg8 : memref<120xi32, #tpu.memory_space<vmem>>) target_semaphore(%arg18 : memref<!tpu.dma_semaphore, #tpu.memory_space<semaphore_mem>>)
        %dma_start3A_180 = arith.constant 0 : i32
        %dma_start3A_181 = arith.constant 0 : i32
        %dma_start3A_182 = tpu.memref_slice %arg5[%arg1, %add3A_172, %dma_start3A_180, %dma_start3A_181] : memref<16x84x1x120xi32, #tpu.memory_space<hbm>> -> memref<1x1x1x120xi32, #tpu.memory_space<hbm>>
        %dma_start3A_183 = tpu.memref_squeeze %dma_start3A_182 : memref<1x1x1x120xi32, #tpu.memory_space<hbm>> -> memref<120xi32, #tpu.memory_space<hbm>>
        %dma_start3A_184 = arith.constant 0 : i32
        %dma_start3A_185 = tpu.memref_slice %arg5[%arg1, %add3A_172, %dma_start3A_180, %dma_start3A_184] : memref<16x84x1x120xi32, #tpu.memory_space<hbm>> -> memref<1x1x1x120xi32, #tpu.memory_space<hbm>>
        %dma_start3A_186 = tpu.memref_squeeze %dma_start3A_185 : memref<1x1x1x120xi32, #tpu.memory_space<hbm>> -> memref<120xi32, #tpu.memory_space<hbm>>
        tpu.enqueue_dma source(%dma_start3A_186 : memref<120xi32, #tpu.memory_space<hbm>>) target(%arg11 : memref<120xi32, #tpu.memory_space<vmem>>) target_semaphore(%arg18 : memref<!tpu.dma_semaphore, #tpu.memory_space<semaphore_mem>>)
      } else {
      }
      %add3A_131 = arith.constant 1 : i32
      %add3A_132 = arith.addi %add3A_118, %add3A_131 : i32
      %lt3A_133 = arith.constant 84 : i32
      %lt3A_134 = arith.cmpi slt, %add3A_132, %lt3A_133 : i32
      %convert_element_type3A_135 = arith.extui %lt3A_134 : i1 to i32
      %cond3A_136 = arith.constant 0 : i32
      %cond3A_137 = arith.cmpi ne, %convert_element_type3A_135, %cond3A_136 : i32
      scf.if %cond3A_137 {
        %dma_wait3A_171 = arith.constant 0 : i32
        %dma_wait3A_172 = arith.constant 0 : i32
        %dma_wait3A_173 = arith.constant 0 : i32
        %dma_wait3A_174 = tpu.memref_slice %arg4[%arg1, %dma_wait3A_171, %dma_wait3A_172, %dma_wait3A_173] : memref<16x84x1x120xi32, #tpu.memory_space<hbm>> -> memref<1x1x1x120xi32, #tpu.memory_space<hbm>>
        %dma_wait3A_175 = tpu.memref_squeeze %dma_wait3A_174 : memref<1x1x1x120xi32, #tpu.memory_space<hbm>> -> memref<120xi32, #tpu.memory_space<hbm>>
        %dma_wait3A_176 = arith.constant 0 : i32
        %dma_wait3A_177 = tpu.memref_slice %arg4[%arg1, %dma_wait3A_171, %dma_wait3A_172, %dma_wait3A_176] : memref<16x84x1x120xi32, #tpu.memory_space<hbm>> -> memref<1x1x1x120xi32, #tpu.memory_space<hbm>>
        %dma_wait3A_178 = tpu.memref_squeeze %dma_wait3A_177 : memref<1x1x1x120xi32, #tpu.memory_space<hbm>> -> memref<120xi32, #tpu.memory_space<hbm>>
        tpu.wait_dma2 semaphore(%arg20 : memref<!tpu.dma_semaphore, #tpu.memory_space<semaphore_mem>>) src(%dma_wait3A_178 : memref<120xi32, #tpu.memory_space<hbm>>) dst(%arg10 : memref<120xi32, #tpu.memory_space<vmem>>)
        %dma_wait3A_179 = arith.constant 0 : i32
        %dma_wait3A_180 = arith.constant 0 : i32
        %dma_wait3A_181 = arith.constant 0 : i32
        %dma_wait3A_182 = tpu.memref_slice %arg5[%arg1, %dma_wait3A_179, %dma_wait3A_180, %dma_wait3A_181] : memref<16x84x1x120xi32, #tpu.memory_space<hbm>> -> memref<1x1x1x120xi32, #tpu.memory_space<hbm>>
        %dma_wait3A_183 = tpu.memref_squeeze %dma_wait3A_182 : memref<1x1x1x120xi32, #tpu.memory_space<hbm>> -> memref<120xi32, #tpu.memory_space<hbm>>
        %dma_wait3A_184 = arith.constant 0 : i32
        %dma_wait3A_185 = tpu.memref_slice %arg5[%arg1, %dma_wait3A_179, %dma_wait3A_180, %dma_wait3A_184] : memref<16x84x1x120xi32, #tpu.memory_space<hbm>> -> memref<1x1x1x120xi32, #tpu.memory_space<hbm>>
        %dma_wait3A_186 = tpu.memref_squeeze %dma_wait3A_185 : memref<1x1x1x120xi32, #tpu.memory_space<hbm>> -> memref<120xi32, #tpu.memory_space<hbm>>
        tpu.wait_dma2 semaphore(%arg20 : memref<!tpu.dma_semaphore, #tpu.memory_space<semaphore_mem>>) src(%dma_wait3A_186 : memref<120xi32, #tpu.memory_space<hbm>>) dst(%arg13 : memref<120xi32, #tpu.memory_space<vmem>>)
        %eq3A_187 = arith.constant 0 : i32
        %eq3A_188 = arith.cmpi eq, %arg0, %eq3A_187 : i32
        %convert_element_type3A_189 = arith.extui %eq3A_188 : i1 to i32
        %cond3A_190 = arith.constant 0 : i32
        %cond3A_191 = arith.cmpi ne, %convert_element_type3A_189, %cond3A_190 : i32
        scf.if %cond3A_191 {
          %dma_start3A_197 = arith.constant 0 : i32
          %dma_start3A_198 = arith.constant 0 : i32
          %dma_start3A_199 = tpu.memref_slice %arg2[%dma_start3A_197, %dma_start3A_198] : memref<10000x128xf32, #tpu.memory_space<hbm>> -> memref<10000x128xf32, #tpu.memory_space<hbm>>
          tpu.enqueue_indirect_dma source(%dma_start3A_199 : memref<10000x128xf32, #tpu.memory_space<hbm>>) target(%arg16 : memref<120x128xf32, #tpu.memory_space<vmem>>) offsets(%arg10 : memref<120xi32, #tpu.memory_space<vmem>>) semaphore(%arg23 : memref<!tpu.dma_semaphore, #tpu.memory_space<semaphore_mem>>)
        } else {
        }
        %eq3A_192 = arith.constant 1 : i32
        %eq3A_193 = arith.cmpi eq, %arg0, %eq3A_192 : i32
        %convert_element_type3A_194 = arith.extui %eq3A_193 : i1 to i32
        %cond3A_195 = arith.constant 0 : i32
        %cond3A_196 = arith.cmpi ne, %convert_element_type3A_194, %cond3A_195 : i32
        scf.if %cond3A_196 {
          %dma_start3A_197 = arith.constant 0 : i32
          %dma_start3A_198 = arith.constant 0 : i32
          %dma_start3A_199 = tpu.memref_slice %arg3[%dma_start3A_197, %dma_start3A_198] : memref<10000x128xf32, #tpu.memory_space<hbm>> -> memref<10000x128xf32, #tpu.memory_space<hbm>>
          tpu.enqueue_indirect_dma source(%dma_start3A_199 : memref<10000x128xf32, #tpu.memory_space<hbm>>) target(%arg16 : memref<120x128xf32, #tpu.memory_space<vmem>>) offsets(%arg10 : memref<120xi32, #tpu.memory_space<vmem>>) semaphore(%arg23 : memref<!tpu.dma_semaphore, #tpu.memory_space<semaphore_mem>>)
        } else {
        }
      } else {
      }
      %dma_wait3A_138 = arith.constant 0 : i32
      %dma_wait3A_139 = arith.constant 0 : i32
      %dma_wait3A_140 = tpu.memref_slice %arg2[%dma_wait3A_138, %dma_wait3A_139] : memref<10000x128xf32, #tpu.memory_space<hbm>> -> memref<10000x128xf32, #tpu.memory_space<hbm>>
      tpu.wait_indirect_dma semaphore(%arg22 : memref<!tpu.dma_semaphore, #tpu.memory_space<semaphore_mem>>) src(%dma_wait3A_140 : memref<10000x128xf32, #tpu.memory_space<hbm>>) dst(%arg15 : memref<120x128xf32, #tpu.memory_space<vmem>>)
      %dma_start3A_141 = arith.constant 0 : i32
      %dma_start3A_142 = arith.constant 0 : i32
      %dma_start3A_143 = tpu.memref_slice %arg17[%dma_start3A_141, %dma_start3A_142] : memref<10240x128xf32, #tpu.memory_space<vmem_shared>> -> memref<10240x128xf32, #tpu.memory_space<vmem_shared>>
      tpu.enqueue_indirect_dma source(%arg15 : memref<120x128xf32, #tpu.memory_space<vmem>>) target(%dma_start3A_143 : memref<10240x128xf32, #tpu.memory_space<vmem_shared>>) offsets(%arg12 : memref<120xi32, #tpu.memory_space<vmem>>) semaphore(%arg25 : memref<!tpu.dma_semaphore, #tpu.memory_space<semaphore_mem>>) {add = true}
      %add3A_144 = arith.constant 2 : i32
      %add3A_145 = arith.addi %add3A_91, %add3A_144 : i32
      %ge3A_146 = arith.constant 1 : i32
      %ge3A_147 = arith.cmpi sge, %add3A_145, %ge3A_146 : i32
      %convert_element_type3A_148 = arith.extui %ge3A_147 : i1 to i32
      %cond3A_149 = arith.constant 0 : i32
      %cond3A_150 = arith.cmpi ne, %convert_element_type3A_148, %cond3A_149 : i32
      scf.if %cond3A_150 {
        %dma_wait3A_171 = arith.constant 0 : i32
        %dma_wait3A_172 = arith.constant 0 : i32
        %dma_wait3A_173 = tpu.memref_slice %arg17[%dma_wait3A_171, %dma_wait3A_172] : memref<10240x128xf32, #tpu.memory_space<vmem_shared>> -> memref<10240x128xf32, #tpu.memory_space<vmem_shared>>
        tpu.wait_indirect_dma semaphore(%arg25 : memref<!tpu.dma_semaphore, #tpu.memory_space<semaphore_mem>>) src(%arg15 : memref<120x128xf32, #tpu.memory_space<vmem>>) dst(%dma_wait3A_173 : memref<10240x128xf32, #tpu.memory_space<vmem_shared>>)
      } else {
      }
      %add3A_151 = arith.constant 2 : i32
      %add3A_152 = arith.addi %add3A_145, %add3A_151 : i32
      %lt3A_153 = arith.constant 84 : i32
      %lt3A_154 = arith.cmpi slt, %add3A_152, %lt3A_153 : i32
      %convert_element_type3A_155 = arith.extui %lt3A_154 : i1 to i32
      %cond3A_156 = arith.constant 0 : i32
      %cond3A_157 = arith.cmpi ne, %convert_element_type3A_155, %cond3A_156 : i32
      scf.if %cond3A_157 {
        %add3A_171 = arith.constant 2 : i32
        %add3A_172 = arith.addi %add3A_145, %add3A_171 : i32
        %dma_start3A_173 = arith.constant 0 : i32
        %dma_start3A_174 = arith.constant 0 : i32
        %dma_start3A_175 = tpu.memref_slice %arg4[%arg1, %add3A_172, %dma_start3A_173, %dma_start3A_174] : memref<16x84x1x120xi32, #tpu.memory_space<hbm>> -> memref<1x1x1x120xi32, #tpu.memory_space<hbm>>
        %dma_start3A_176 = tpu.memref_squeeze %dma_start3A_175 : memref<1x1x1x120xi32, #tpu.memory_space<hbm>> -> memref<120xi32, #tpu.memory_space<hbm>>
        %dma_start3A_177 = arith.constant 0 : i32
        %dma_start3A_178 = tpu.memref_slice %arg4[%arg1, %add3A_172, %dma_start3A_173, %dma_start3A_177] : memref<16x84x1x120xi32, #tpu.memory_space<hbm>> -> memref<1x1x1x120xi32, #tpu.memory_space<hbm>>
        %dma_start3A_179 = tpu.memref_squeeze %dma_start3A_178 : memref<1x1x1x120xi32, #tpu.memory_space<hbm>> -> memref<120xi32, #tpu.memory_space<hbm>>
        tpu.enqueue_dma source(%dma_start3A_179 : memref<120xi32, #tpu.memory_space<hbm>>) target(%arg9 : memref<120xi32, #tpu.memory_space<vmem>>) target_semaphore(%arg19 : memref<!tpu.dma_semaphore, #tpu.memory_space<semaphore_mem>>)
        %dma_start3A_180 = arith.constant 0 : i32
        %dma_start3A_181 = arith.constant 0 : i32
        %dma_start3A_182 = tpu.memref_slice %arg5[%arg1, %add3A_172, %dma_start3A_180, %dma_start3A_181] : memref<16x84x1x120xi32, #tpu.memory_space<hbm>> -> memref<1x1x1x120xi32, #tpu.memory_space<hbm>>
        %dma_start3A_183 = tpu.memref_squeeze %dma_start3A_182 : memref<1x1x1x120xi32, #tpu.memory_space<hbm>> -> memref<120xi32, #tpu.memory_space<hbm>>
        %dma_start3A_184 = arith.constant 0 : i32
        %dma_start3A_185 = tpu.memref_slice %arg5[%arg1, %add3A_172, %dma_start3A_180, %dma_start3A_184] : memref<16x84x1x120xi32, #tpu.memory_space<hbm>> -> memref<1x1x1x120xi32, #tpu.memory_space<hbm>>
        %dma_start3A_186 = tpu.memref_squeeze %dma_start3A_185 : memref<1x1x1x120xi32, #tpu.memory_space<hbm>> -> memref<120xi32, #tpu.memory_space<hbm>>
        tpu.enqueue_dma source(%dma_start3A_186 : memref<120xi32, #tpu.memory_space<hbm>>) target(%arg12 : memref<120xi32, #tpu.memory_space<vmem>>) target_semaphore(%arg19 : memref<!tpu.dma_semaphore, #tpu.memory_space<semaphore_mem>>)
      } else {
      }
      %add3A_158 = arith.constant 1 : i32
      %add3A_159 = arith.addi %add3A_145, %add3A_158 : i32
      %lt3A_160 = arith.constant 84 : i32
      %lt3A_161 = arith.cmpi slt, %add3A_159, %lt3A_160 : i32
      %convert_element_type3A_162 = arith.extui %lt3A_161 : i1 to i32
      %cond3A_163 = arith.constant 0 : i32
      %cond3A_164 = arith.cmpi ne, %convert_element_type3A_162, %cond3A_163 : i32
      scf.if %cond3A_164 {
        %dma_wait3A_171 = arith.constant 0 : i32
        %dma_wait3A_172 = arith.constant 0 : i32
        %dma_wait3A_173 = arith.constant 0 : i32
        %dma_wait3A_174 = tpu.memref_slice %arg4[%arg1, %dma_wait3A_171, %dma_wait3A_172, %dma_wait3A_173] : memref<16x84x1x120xi32, #tpu.memory_space<hbm>> -> memref<1x1x1x120xi32, #tpu.memory_space<hbm>>
        %dma_wait3A_175 = tpu.memref_squeeze %dma_wait3A_174 : memref<1x1x1x120xi32, #tpu.memory_space<hbm>> -> memref<120xi32, #tpu.memory_space<hbm>>
        %dma_wait3A_176 = arith.constant 0 : i32
        %dma_wait3A_177 = tpu.memref_slice %arg4[%arg1, %dma_wait3A_171, %dma_wait3A_172, %dma_wait3A_176] : memref<16x84x1x120xi32, #tpu.memory_space<hbm>> -> memref<1x1x1x120xi32, #tpu.memory_space<hbm>>
        %dma_wait3A_178 = tpu.memref_squeeze %dma_wait3A_177 : memref<1x1x1x120xi32, #tpu.memory_space<hbm>> -> memref<120xi32, #tpu.memory_space<hbm>>
        tpu.wait_dma2 semaphore(%arg18 : memref<!tpu.dma_semaphore, #tpu.memory_space<semaphore_mem>>) src(%dma_wait3A_178 : memref<120xi32, #tpu.memory_space<hbm>>) dst(%arg8 : memref<120xi32, #tpu.memory_space<vmem>>)
        %dma_wait3A_179 = arith.constant 0 : i32
        %dma_wait3A_180 = arith.constant 0 : i32
        %dma_wait3A_181 = arith.constant 0 : i32
        %dma_wait3A_182 = tpu.memref_slice %arg5[%arg1, %dma_wait3A_179, %dma_wait3A_180, %dma_wait3A_181] : memref<16x84x1x120xi32, #tpu.memory_space<hbm>> -> memref<1x1x1x120xi32, #tpu.memory_space<hbm>>
        %dma_wait3A_183 = tpu.memref_squeeze %dma_wait3A_182 : memref<1x1x1x120xi32, #tpu.memory_space<hbm>> -> memref<120xi32, #tpu.memory_space<hbm>>
        %dma_wait3A_184 = arith.constant 0 : i32
        %dma_wait3A_185 = tpu.memref_slice %arg5[%arg1, %dma_wait3A_179, %dma_wait3A_180, %dma_wait3A_184] : memref<16x84x1x120xi32, #tpu.memory_space<hbm>> -> memref<1x1x1x120xi32, #tpu.memory_space<hbm>>
        %dma_wait3A_186 = tpu.memref_squeeze %dma_wait3A_185 : memref<1x1x1x120xi32, #tpu.memory_space<hbm>> -> memref<120xi32, #tpu.memory_space<hbm>>
        tpu.wait_dma2 semaphore(%arg18 : memref<!tpu.dma_semaphore, #tpu.memory_space<semaphore_mem>>) src(%dma_wait3A_186 : memref<120xi32, #tpu.memory_space<hbm>>) dst(%arg11 : memref<120xi32, #tpu.memory_space<vmem>>)
        %eq3A_187 = arith.constant 0 : i32
        %eq3A_188 = arith.cmpi eq, %arg0, %eq3A_187 : i32
        %convert_element_type3A_189 = arith.extui %eq3A_188 : i1 to i32
        %cond3A_190 = arith.constant 0 : i32
        %cond3A_191 = arith.cmpi ne, %convert_element_type3A_189, %cond3A_190 : i32
        scf.if %cond3A_191 {
          %dma_start3A_197 = arith.constant 0 : i32
          %dma_start3A_198 = arith.constant 0 : i32
          %dma_start3A_199 = tpu.memref_slice %arg2[%dma_start3A_197, %dma_start3A_198] : memref<10000x128xf32, #tpu.memory_space<hbm>> -> memref<10000x128xf32, #tpu.memory_space<hbm>>
          tpu.enqueue_indirect_dma source(%dma_start3A_199 : memref<10000x128xf32, #tpu.memory_space<hbm>>) target(%arg14 : memref<120x128xf32, #tpu.memory_space<vmem>>) offsets(%arg8 : memref<120xi32, #tpu.memory_space<vmem>>) semaphore(%arg21 : memref<!tpu.dma_semaphore, #tpu.memory_space<semaphore_mem>>)
        } else {
        }
        %eq3A_192 = arith.constant 1 : i32
        %eq3A_193 = arith.cmpi eq, %arg0, %eq3A_192 : i32
        %convert_element_type3A_194 = arith.extui %eq3A_193 : i1 to i32
        %cond3A_195 = arith.constant 0 : i32
        %cond3A_196 = arith.cmpi ne, %convert_element_type3A_194, %cond3A_195 : i32
        scf.if %cond3A_196 {
          %dma_start3A_197 = arith.constant 0 : i32
          %dma_start3A_198 = arith.constant 0 : i32
          %dma_start3A_199 = tpu.memref_slice %arg3[%dma_start3A_197, %dma_start3A_198] : memref<10000x128xf32, #tpu.memory_space<hbm>> -> memref<10000x128xf32, #tpu.memory_space<hbm>>
          tpu.enqueue_indirect_dma source(%dma_start3A_199 : memref<10000x128xf32, #tpu.memory_space<hbm>>) target(%arg14 : memref<120x128xf32, #tpu.memory_space<vmem>>) offsets(%arg8 : memref<120xi32, #tpu.memory_space<vmem>>) semaphore(%arg21 : memref<!tpu.dma_semaphore, #tpu.memory_space<semaphore_mem>>)
        } else {
        }
      } else {
      }
      %dma_wait3A_165 = arith.constant 0 : i32
      %dma_wait3A_166 = arith.constant 0 : i32
      %dma_wait3A_167 = tpu.memref_slice %arg2[%dma_wait3A_165, %dma_wait3A_166] : memref<10000x128xf32, #tpu.memory_space<hbm>> -> memref<10000x128xf32, #tpu.memory_space<hbm>>
      tpu.wait_indirect_dma semaphore(%arg23 : memref<!tpu.dma_semaphore, #tpu.memory_space<semaphore_mem>>) src(%dma_wait3A_167 : memref<10000x128xf32, #tpu.memory_space<hbm>>) dst(%arg16 : memref<120x128xf32, #tpu.memory_space<vmem>>)
      %dma_start3A_168 = arith.constant 0 : i32
      %dma_start3A_169 = arith.constant 0 : i32
      %dma_start3A_170 = tpu.memref_slice %arg17[%dma_start3A_168, %dma_start3A_169] : memref<10240x128xf32, #tpu.memory_space<vmem_shared>> -> memref<10240x128xf32, #tpu.memory_space<vmem_shared>>
      tpu.enqueue_indirect_dma source(%arg16 : memref<120x128xf32, #tpu.memory_space<vmem>>) target(%dma_start3A_170 : memref<10240x128xf32, #tpu.memory_space<vmem_shared>>) offsets(%arg13 : memref<120xi32, #tpu.memory_space<vmem>>) semaphore(%arg26 : memref<!tpu.dma_semaphore, #tpu.memory_space<semaphore_mem>>) {add = true}
    }
    %scan3A_72 = arith.constant 28 : i32
    %dma_wait3A_73 = arith.constant 0 : i32
    %dma_wait3A_74 = arith.constant 0 : i32
    %dma_wait3A_75 = tpu.memref_slice %arg17[%dma_wait3A_73, %dma_wait3A_74] : memref<10240x128xf32, #tpu.memory_space<vmem_shared>> -> memref<10240x128xf32, #tpu.memory_space<vmem_shared>>
    tpu.wait_indirect_dma semaphore(%arg26 : memref<!tpu.dma_semaphore, #tpu.memory_space<semaphore_mem>>) src(%arg16 : memref<120x128xf32, #tpu.memory_space<vmem>>) dst(%dma_wait3A_75 : memref<10240x128xf32, #tpu.memory_space<vmem_shared>>)
    %barrier3A_76 = arith.constant 0 : index
    tpu.barrier barrier_id(%barrier3A_76)
    %mul3A = arith.constant 640 : i32
    %mul3A_77 = arith.muli %arg1, %mul3A : i32
    %scan3A_78 = arith.constant 0 : i32
    %scan3A_79 = arith.constant 8 : i32
    %scan3A_80 = arith.addi %scan3A_78, %scan3A_79 : i32
    %scan3A_81 = arith.constant 1 : i32
    scf.for %scan3A_88 = %scan3A_78 to %scan3A_80 step %scan3A_81  : i32 {
      %mul3A_89 = arith.constant 80 : i32
      %mul3A_90 = arith.muli %scan3A_88, %mul3A_89 : i32
      %add3A = arith.constant 0 : i32
      %add3A_91 = arith.addi %add3A, %mul3A_90 : i32
      %eq3A_92 = arith.constant 0 : i32
      %eq3A_93 = arith.cmpi eq, %arg0, %eq3A_92 : i32
      %convert_element_type3A_94 = arith.extui %eq3A_93 : i1 to i32
      %cond3A_95 = arith.constant 0 : i32
      %cond3A_96 = arith.cmpi ne, %convert_element_type3A_94, %cond3A_95 : i32
      scf.if %cond3A_96 {
        %add3A_102 = arith.addi %mul3A_77, %add3A_91 : i32
        %add3A_103 = arith.addi %mul3A_77, %add3A_91 : i32
        %dma_start3A_104 = arith.constant 0 : i32
        %dma_start3A_105 = tpu.memref_slice %arg6[%add3A_103, %dma_start3A_104] : memref<10240x128xf32, #tpu.memory_space<hbm>> -> memref<80x128xf32, #tpu.memory_space<hbm>>
        %dma_start3A_106 = arith.constant 0 : i32
        %dma_start3A_107 = tpu.memref_slice %arg17[%add3A_102, %dma_start3A_106] : memref<10240x128xf32, #tpu.memory_space<vmem_shared>> -> memref<80x128xf32, #tpu.memory_space<vmem_shared>>
        tpu.enqueue_dma source(%dma_start3A_107 : memref<80x128xf32, #tpu.memory_space<vmem_shared>>) target(%dma_start3A_105 : memref<80x128xf32, #tpu.memory_space<hbm>>) target_semaphore(%arg21 : memref<!tpu.dma_semaphore, #tpu.memory_space<semaphore_mem>>)
      } else {
      }
      %eq3A_97 = arith.constant 1 : i32
      %eq3A_98 = arith.cmpi eq, %arg0, %eq3A_97 : i32
      %convert_element_type3A_99 = arith.extui %eq3A_98 : i1 to i32
      %cond3A_100 = arith.constant 0 : i32
      %cond3A_101 = arith.cmpi ne, %convert_element_type3A_99, %cond3A_100 : i32
      scf.if %cond3A_101 {
        %add3A_102 = arith.addi %mul3A_77, %add3A_91 : i32
        %add3A_103 = arith.addi %mul3A_77, %add3A_91 : i32
        %dma_start3A_104 = arith.constant 0 : i32
        %dma_start3A_105 = tpu.memref_slice %arg7[%add3A_103, %dma_start3A_104] : memref<10240x128xf32, #tpu.memory_space<hbm>> -> memref<80x128xf32, #tpu.memory_space<hbm>>
        %dma_start3A_106 = arith.constant 0 : i32
        %dma_start3A_107 = tpu.memref_slice %arg17[%add3A_102, %dma_start3A_106] : memref<10240x128xf32, #tpu.memory_space<vmem_shared>> -> memref<80x128xf32, #tpu.memory_space<vmem_shared>>
        tpu.enqueue_dma source(%dma_start3A_107 : memref<80x128xf32, #tpu.memory_space<vmem_shared>>) target(%dma_start3A_105 : memref<80x128xf32, #tpu.memory_space<hbm>>) target_semaphore(%arg21 : memref<!tpu.dma_semaphore, #tpu.memory_space<semaphore_mem>>)
      } else {
      }
    }
    %scan3A_82 = arith.constant 8 : i32
    %scan3A_83 = arith.constant 0 : i32
    %scan3A_84 = arith.constant 8 : i32
    %scan3A_85 = arith.addi %scan3A_83, %scan3A_84 : i32
    %scan3A_86 = arith.constant 1 : i32
    scf.for %scan3A_88 = %scan3A_83 to %scan3A_85 step %scan3A_86  : i32 {
      %mul3A_89 = arith.constant 80 : i32
      %mul3A_90 = arith.muli %scan3A_88, %mul3A_89 : i32
      %add3A = arith.constant 0 : i32
      %add3A_91 = arith.addi %add3A, %mul3A_90 : i32
      %dma_wait3A_92 = arith.constant 0 : i32
      %dma_wait3A_93 = arith.constant 0 : i32
      %dma_wait3A_94 = tpu.memref_slice %arg6[%dma_wait3A_92, %dma_wait3A_93] : memref<10240x128xf32, #tpu.memory_space<hbm>> -> memref<80x128xf32, #tpu.memory_space<hbm>>
      %dma_wait3A_95 = arith.constant 0 : i32
      %dma_wait3A_96 = arith.constant 0 : i32
      %dma_wait3A_97 = tpu.memref_slice %arg17[%dma_wait3A_95, %dma_wait3A_96] : memref<10240x128xf32, #tpu.memory_space<vmem_shared>> -> memref<80x128xf32, #tpu.memory_space<vmem_shared>>
      tpu.wait_dma2 semaphore(%arg21 : memref<!tpu.dma_semaphore, #tpu.memory_space<semaphore_mem>>) src(%dma_wait3A_97 : memref<80x128xf32, #tpu.memory_space<vmem_shared>>) dst(%dma_wait3A_94 : memref<80x128xf32, #tpu.memory_space<hbm>>)
    }
    %scan3A_87 = arith.constant 8 : i32
    return
  }
}

module attributes {stable_mosaic.version = 14 : i64} {
  func.func @body(%arg0: i32, %arg1: memref<1xf32, #tpu.memory_space<smem>>, %arg2: memref<1000x128xf32, #tpu.memory_space<vmem>>, %arg3: memref<1000x128xf32, #tpu.memory_space<vmem>>, %arg4: memref<1000x128xf32, #tpu.memory_space<vmem>>, %arg5: memref<1000x128xf32, #tpu.memory_space<vmem>>, %arg6: memref<256x256xf32, #tpu.memory_space<vmem>>, %arg7: memref<1x256xf32, #tpu.memory_space<vmem>>, %arg8: memref<256x256xf32, #tpu.memory_space<vmem>>, %arg9: memref<1x256xf32, #tpu.memory_space<vmem>>, %arg10: memref<1x1x1000xi32, #tpu.memory_space<vmem>>, %arg11: memref<1000x128xf32, #tpu.memory_space<vmem>>, %arg12: memref<1000x128xf32, #tpu.memory_space<vmem>>, %arg13: memref<64x256xf32, #tpu.memory_space<vmem>>) attributes {dimension_semantics = [#tpu.dimension_semantics<arbitrary>], iteration_bounds = array<i64: 10>, scalar_prefetch = 0 : i64, scratch_operands = 0 : i64, tpu.core_type = #tpu.core_type<tc>, window_params = [{transform_indices = @transform_0, window_bounds = array<i64: 1>}, {transform_indices = @transform_1, window_bounds = array<i64: 1000, 128>}, {transform_indices = @transform_2, window_bounds = array<i64: 1000, 128>}, {transform_indices = @transform_3, window_bounds = array<i64: 1000, 128>}, {transform_indices = @transform_4, window_bounds = array<i64: 1000, 128>}, {pipeline_mode = #tpu.pipeline_mode<synchronous>, transform_indices = @transform_5, window_bounds = array<i64: 256, 256>}, {pipeline_mode = #tpu.pipeline_mode<synchronous>, transform_indices = @transform_6, window_bounds = array<i64: 1, 256>}, {pipeline_mode = #tpu.pipeline_mode<synchronous>, transform_indices = @transform_7, window_bounds = array<i64: 256, 256>}, {pipeline_mode = #tpu.pipeline_mode<synchronous>, transform_indices = @transform_8, window_bounds = array<i64: 1, 256>}, {transform_indices = @transform_9, window_bounds = array<i64: 1, 1, 1000>}, {transform_indices = @transform_10, window_bounds = array<i64: 1000, 128>}, {transform_indices = @transform_11, window_bounds = array<i64: 1000, 128>}, {pipeline_mode = #tpu.pipeline_mode<synchronous>, transform_indices = @transform_12, window_bounds = array<i64: 64, 256>}]} {
    %get3A = arith.constant 0 : index
    %get3A_0 = arith.constant 0 : index
    %get3A_1 = vector.load %arg2[%get3A, %get3A_0] : memref<1000x128xf32, #tpu.memory_space<vmem>>, vector<1000x128xf32>
    %get3A_2 = arith.constant 0 : index
    %get3A_3 = arith.constant 0 : index
    %get3A_4 = vector.load %arg3[%get3A_2, %get3A_3] : memref<1000x128xf32, #tpu.memory_space<vmem>>, vector<1000x128xf32>
    %concatenate3A = tpu.concatenate %get3A_1, %get3A_4 in 1 : vector<1000x128xf32>, vector<1000x128xf32> -> vector<1000x256xf32>
    %get3A_5 = arith.constant 0 : index
    %get3A_6 = arith.constant 0 : index
    %get3A_7 = vector.load %arg4[%get3A_5, %get3A_6] : memref<1000x128xf32, #tpu.memory_space<vmem>>, vector<1000x128xf32>
    %get3A_8 = arith.constant 0 : index
    %get3A_9 = arith.constant 0 : index
    %get3A_10 = vector.load %arg5[%get3A_8, %get3A_9] : memref<1000x128xf32, #tpu.memory_space<vmem>>, vector<1000x128xf32>
    %concatenate3A_11 = tpu.concatenate %get3A_7, %get3A_10 in 1 : vector<1000x128xf32>, vector<1000x128xf32> -> vector<1000x256xf32>
    %get3A_12 = arith.constant 0 : index
    %get3A_13 = memref.load %arg1[%get3A_12] : memref<1xf32, #tpu.memory_space<smem>>
    %mul3A = vector.broadcast %get3A_13 : f32 to vector<1000x256xf32>
    %mul3A_14 = arith.mulf %mul3A, %concatenate3A : vector<1000x256xf32>
    %add3A = arith.addf %mul3A_14, %concatenate3A_11 : vector<1000x256xf32>
    %get3A_15 = arith.constant 0 : index
    %get3A_16 = arith.constant 0 : index
    %get3A_17 = vector.load %arg6[%get3A_15, %get3A_16] : memref<256x256xf32, #tpu.memory_space<vmem>>, vector<256x256xf32>
    %dot_general3A = arith.constant dense<0.000000e+00> : vector<1000x256xf32>
    %dot_general3A_18 = tpu.matmul %add3A, %get3A_17, %dot_general3A {dimension_numbers = #tpu.dot_dimension_numbers<[1], [0], [0], [1], [0, 0, 1, 1], [], []>, transpose_lhs_hint = false} : vector<1000x256xf32>, vector<256x256xf32>, vector<1000x256xf32> -> vector<1000x256xf32>
    %get3A_19 = arith.constant 0 : index
    %get3A_20 = arith.constant 0 : index
    %get3A_21 = vector.load %arg7[%get3A_19, %get3A_20] : memref<1x256xf32, #tpu.memory_space<vmem>>, vector<1x256xf32>
    %add3A_22 = vector.broadcast %get3A_21 : vector<1x256xf32> to vector<1000x256xf32>
    %add3A_23 = arith.addf %dot_general3A_18, %add3A_22 : vector<1000x256xf32>
    %max3A = arith.constant 0.000000e+00 : f32
    %max3A_24 = vector.broadcast %max3A : f32 to vector<1000x256xf32>
    %max3A_25 = arith.maximumf %add3A_23, %max3A_24 : vector<1000x256xf32>
    %get3A_26 = arith.constant 0 : index
    %get3A_27 = arith.constant 0 : index
    %get3A_28 = vector.load %arg8[%get3A_26, %get3A_27] : memref<256x256xf32, #tpu.memory_space<vmem>>, vector<256x256xf32>
    %dot_general3A_29 = arith.constant dense<0.000000e+00> : vector<1000x256xf32>
    %dot_general3A_30 = tpu.matmul %max3A_25, %get3A_28, %dot_general3A_29 {dimension_numbers = #tpu.dot_dimension_numbers<[1], [0], [0], [1], [0, 0, 1, 1], [], []>, transpose_lhs_hint = false} : vector<1000x256xf32>, vector<256x256xf32>, vector<1000x256xf32> -> vector<1000x256xf32>
    %get3A_31 = arith.constant 0 : index
    %get3A_32 = arith.constant 0 : index
    %get3A_33 = vector.load %arg9[%get3A_31, %get3A_32] : memref<1x256xf32, #tpu.memory_space<vmem>>, vector<1x256xf32>
    %add3A_34 = vector.broadcast %get3A_33 : vector<1x256xf32> to vector<1000x256xf32>
    %add3A_35 = arith.addf %dot_general3A_30, %add3A_34 : vector<1000x256xf32>
    %add3A_36 = arith.addf %add3A_35, %concatenate3A : vector<1000x256xf32>
    %get3A_37 = arith.constant 0 : index
    %get3A_38 = arith.constant 0 : index
    %get3A_39 = arith.constant 0 : index
    %get3A_40 = vector.load %arg10[%get3A_37, %get3A_38, %get3A_39] : memref<1x1x1000xi32, #tpu.memory_space<vmem>>, vector<1x1x1000xi32>
    %get3A_41 = vector.shape_cast %get3A_40 : vector<1x1x1000xi32> to vector<1000xi32>
    %broadcast_in_dim3A = vector.shape_cast %get3A_41 : vector<1000xi32> to vector<1x1000xi32>
    %iota3A = tpu.iota {dimensions = array<i32: 0>} : vector<64x1000xi32>
    %eq3A = vector.broadcast %broadcast_in_dim3A : vector<1x1000xi32> to vector<64x1000xi32>
    %eq3A_42 = arith.cmpi eq, %eq3A, %iota3A : vector<64x1000xi32>
    %convert_element_type3A = arith.extui %eq3A_42 : vector<64x1000xi1> to vector<64x1000xi32>
    %convert_element_type3A_43 = arith.sitofp %convert_element_type3A : vector<64x1000xi32> to vector<64x1000xf32>
    %dot_general3A_44 = arith.constant dense<0.000000e+00> : vector<64x256xf32>
    %dot_general3A_45 = tpu.matmul %convert_element_type3A_43, %add3A_36, %dot_general3A_44 {dimension_numbers = #tpu.dot_dimension_numbers<[1], [0], [0], [1], [0, 0, 1, 1], [], []>, transpose_lhs_hint = false} : vector<64x1000xf32>, vector<1000x256xf32>, vector<64x256xf32> -> vector<64x256xf32>
    %eq3A_46 = arith.constant 0 : i32
    %eq3A_47 = arith.cmpi eq, %arg0, %eq3A_46 : i32
    %convert_element_type3A_48 = arith.extui %eq3A_47 : i1 to i32
    %cond3A = arith.constant 0 : i32
    %cond3A_49 = arith.cmpi ne, %convert_element_type3A_48, %cond3A : i32
    scf.if %cond3A_49 {
      %swap3A_60 = arith.constant 0 : index
      %swap3A_61 = arith.constant 0 : index
      %swap3A_62 = vector.load %arg13[%swap3A_60, %swap3A_61] : memref<64x256xf32, #tpu.memory_space<vmem>>, vector<64x256xf32>
      tpu.vector_store %arg13[%swap3A_60, %swap3A_61], %dot_general3A_45 {strides = array<i32>} : memref<64x256xf32, #tpu.memory_space<vmem>>, vector<64x256xf32>,
    } else {
    }
    %ne3A = arith.constant 0 : i32
    %ne3A_50 = arith.cmpi ne, %arg0, %ne3A : i32
    %convert_element_type3A_51 = arith.extui %ne3A_50 : i1 to i32
    %cond3A_52 = arith.constant 0 : i32
    %cond3A_53 = arith.cmpi ne, %convert_element_type3A_51, %cond3A_52 : i32
    scf.if %cond3A_53 {
      %get3A_60 = arith.constant 0 : index
      %get3A_61 = arith.constant 0 : index
      %get3A_62 = vector.load %arg13[%get3A_60, %get3A_61] : memref<64x256xf32, #tpu.memory_space<vmem>>, vector<64x256xf32>
      %add3A_63 = arith.addf %get3A_62, %dot_general3A_45 : vector<64x256xf32>
      %swap3A_64 = arith.constant 0 : index
      %swap3A_65 = arith.constant 0 : index
      %swap3A_66 = vector.load %arg13[%swap3A_64, %swap3A_65] : memref<64x256xf32, #tpu.memory_space<vmem>>, vector<64x256xf32>
      tpu.vector_store %arg13[%swap3A_64, %swap3A_65], %add3A_63 {strides = array<i32>} : memref<64x256xf32, #tpu.memory_space<vmem>>, vector<64x256xf32>,
    } else {
    }
    %slice3A = vector.extract_strided_slice %add3A_36 {offsets = [0, 0], sizes = [1000, 128], strides = [1, 1]} : vector<1000x256xf32> to vector<1000x128xf32>
    %swap3A = arith.constant 0 : index
    %swap3A_54 = arith.constant 0 : index
    %swap3A_55 = vector.load %arg11[%swap3A, %swap3A_54] : memref<1000x128xf32, #tpu.memory_space<vmem>>, vector<1000x128xf32>
    tpu.vector_store %arg11[%swap3A, %swap3A_54], %slice3A {strides = array<i32>} : memref<1000x128xf32, #tpu.memory_space<vmem>>, vector<1000x128xf32>,
    %slice3A_56 = vector.extract_strided_slice %add3A_36 {offsets = [0, 128], sizes = [1000, 128], strides = [1, 1]} : vector<1000x256xf32> to vector<1000x128xf32>
    %swap3A_57 = arith.constant 0 : index
    %swap3A_58 = arith.constant 0 : index
    %swap3A_59 = vector.load %arg12[%swap3A_57, %swap3A_58] : memref<1000x128xf32, #tpu.memory_space<vmem>>, vector<1000x128xf32>
    tpu.vector_store %arg12[%swap3A_57, %swap3A_58], %slice3A_56 {strides = array<i32>} : memref<1000x128xf32, #tpu.memory_space<vmem>>, vector<1000x128xf32>,
    return
  }
  func.func @transform_0(%arg0: i32) -> i32 {
    %c0_i32 = arith.constant 0 : i32
    %c0_i32_0 = arith.constant 0 : i32
    return %c0_i32 : i32
  }
  func.func @transform_1(%arg0: i32) -> (i32, i32) {
    %c0_i32 = arith.constant 0 : i32
    %c0_i32_0 = arith.constant 0 : i32
    return %arg0, %c0_i32 : i32, i32
  }
  func.func @transform_2(%arg0: i32) -> (i32, i32) {
    %c0_i32 = arith.constant 0 : i32
    %c0_i32_0 = arith.constant 0 : i32
    return %arg0, %c0_i32 : i32, i32
  }
  func.func @transform_3(%arg0: i32) -> (i32, i32) {
    %c0_i32 = arith.constant 0 : i32
    %c0_i32_0 = arith.constant 0 : i32
    return %arg0, %c0_i32 : i32, i32
  }
  func.func @transform_4(%arg0: i32) -> (i32, i32) {
    %c0_i32 = arith.constant 0 : i32
    %c0_i32_0 = arith.constant 0 : i32
    return %arg0, %c0_i32 : i32, i32
  }
  func.func @transform_5(%arg0: i32) -> (i32, i32) {
    %c0_i32 = arith.constant 0 : i32
    %c0_i32_0 = arith.constant 0 : i32
    %c0_i32_1 = arith.constant 0 : i32
    return %c0_i32, %c0_i32_0 : i32, i32
  }
  func.func @transform_6(%arg0: i32) -> (i32, i32) {
    %c0_i32 = arith.constant 0 : i32
    %c0_i32_0 = arith.constant 0 : i32
    %c0_i32_1 = arith.constant 0 : i32
    return %c0_i32, %c0_i32_0 : i32, i32
  }
  func.func @transform_7(%arg0: i32) -> (i32, i32) {
    %c0_i32 = arith.constant 0 : i32
    %c0_i32_0 = arith.constant 0 : i32
    %c0_i32_1 = arith.constant 0 : i32
    return %c0_i32, %c0_i32_0 : i32, i32
  }
  func.func @transform_8(%arg0: i32) -> (i32, i32) {
    %c0_i32 = arith.constant 0 : i32
    %c0_i32_0 = arith.constant 0 : i32
    %c0_i32_1 = arith.constant 0 : i32
    return %c0_i32, %c0_i32_0 : i32, i32
  }
  func.func @transform_9(%arg0: i32) -> (i32, i32, i32) {
    %c0_i32 = arith.constant 0 : i32
    %c0_i32_0 = arith.constant 0 : i32
    %c0_i32_1 = arith.constant 0 : i32
    return %arg0, %c0_i32, %c0_i32_0 : i32, i32, i32
  }
  func.func @transform_10(%arg0: i32) -> (i32, i32) {
    %c0_i32 = arith.constant 0 : i32
    %c0_i32_0 = arith.constant 0 : i32
    return %arg0, %c0_i32 : i32, i32
  }
  func.func @transform_11(%arg0: i32) -> (i32, i32) {
    %c0_i32 = arith.constant 0 : i32
    %c0_i32_0 = arith.constant 0 : i32
    return %arg0, %c0_i32 : i32, i32
  }
  func.func @transform_12(%arg0: i32) -> (i32, i32) {
    %c0_i32 = arith.constant 0 : i32
    %c0_i32_0 = arith.constant 0 : i32
    %c0_i32_1 = arith.constant 0 : i32
    return %c0_i32, %c0_i32_0 : i32, i32
  }
}

module attributes {stable_mosaic.version = 14 : i64} {
  func.func @body(%arg0: i32, %arg1: memref<1xf32, #tpu.memory_space<smem>>, %arg2: memref<1000x128xf32, #tpu.memory_space<vmem>>, %arg3: memref<1000x128xf32, #tpu.memory_space<vmem>>, %arg4: memref<1000x128xf32, #tpu.memory_space<vmem>>, %arg5: memref<1000x128xf32, #tpu.memory_space<vmem>>, %arg6: memref<256x256xf32, #tpu.memory_space<vmem>>, %arg7: memref<1x256xf32, #tpu.memory_space<vmem>>, %arg8: memref<256x256xf32, #tpu.memory_space<vmem>>, %arg9: memref<1x256xf32, #tpu.memory_space<vmem>>, %arg10: memref<1x1x1000xi32, #tpu.memory_space<vmem>>, %arg11: memref<64x256xf32, #tpu.memory_space<vmem>>, %arg12: memref<64x256xf32, #tpu.memory_space<vmem>>, %arg13: memref<768x256xf32, #tpu.memory_space<vmem>>, %arg14: memref<1x256xf32, #tpu.memory_space<vmem>>, %arg15: memref<1000x256xf32, #tpu.memory_space<vmem>>, %arg16: memref<64x256xf32, #tpu.memory_space<vmem>>, %arg17: memref<64x256xf32, #tpu.memory_space<vmem>>) attributes {dimension_semantics = [#tpu.dimension_semantics<arbitrary>], iteration_bounds = array<i64: 10>, scalar_prefetch = 0 : i64, scratch_operands = 0 : i64, tpu.core_type = #tpu.core_type<tc>, window_params = [{transform_indices = @transform_0, window_bounds = array<i64: 1>}, {transform_indices = @transform_1, window_bounds = array<i64: 1000, 128>}, {transform_indices = @transform_2, window_bounds = array<i64: 1000, 128>}, {transform_indices = @transform_3, window_bounds = array<i64: 1000, 128>}, {transform_indices = @transform_4, window_bounds = array<i64: 1000, 128>}, {pipeline_mode = #tpu.pipeline_mode<synchronous>, transform_indices = @transform_5, window_bounds = array<i64: 256, 256>}, {pipeline_mode = #tpu.pipeline_mode<synchronous>, transform_indices = @transform_6, window_bounds = array<i64: 1, 256>}, {pipeline_mode = #tpu.pipeline_mode<synchronous>, transform_indices = @transform_7, window_bounds = array<i64: 256, 256>}, {pipeline_mode = #tpu.pipeline_mode<synchronous>, transform_indices = @transform_8, window_bounds = array<i64: 1, 256>}, {transform_indices = @transform_9, window_bounds = array<i64: 1, 1, 1000>}, {pipeline_mode = #tpu.pipeline_mode<synchronous>, transform_indices = @transform_10, window_bounds = array<i64: 64, 256>}, {pipeline_mode = #tpu.pipeline_mode<synchronous>, transform_indices = @transform_11, window_bounds = array<i64: 64, 256>}, {pipeline_mode = #tpu.pipeline_mode<synchronous>, transform_indices = @transform_12, window_bounds = array<i64: 768, 256>}, {pipeline_mode = #tpu.pipeline_mode<synchronous>, transform_indices = @transform_13, window_bounds = array<i64: 1, 256>}, {transform_indices = @transform_14, window_bounds = array<i64: 1000, 256>}, {pipeline_mode = #tpu.pipeline_mode<synchronous>, transform_indices = @transform_15, window_bounds = array<i64: 64, 256>}, {pipeline_mode = #tpu.pipeline_mode<synchronous>, transform_indices = @transform_16, window_bounds = array<i64: 64, 256>}]} {
    %get3A = arith.constant 0 : index
    %get3A_0 = arith.constant 0 : index
    %get3A_1 = vector.load %arg2[%get3A, %get3A_0] : memref<1000x128xf32, #tpu.memory_space<vmem>>, vector<1000x128xf32>
    %get3A_2 = arith.constant 0 : index
    %get3A_3 = arith.constant 0 : index
    %get3A_4 = vector.load %arg3[%get3A_2, %get3A_3] : memref<1000x128xf32, #tpu.memory_space<vmem>>, vector<1000x128xf32>
    %concatenate3A = tpu.concatenate %get3A_1, %get3A_4 in 1 : vector<1000x128xf32>, vector<1000x128xf32> -> vector<1000x256xf32>
    %get3A_5 = arith.constant 0 : index
    %get3A_6 = arith.constant 0 : index
    %get3A_7 = vector.load %arg4[%get3A_5, %get3A_6] : memref<1000x128xf32, #tpu.memory_space<vmem>>, vector<1000x128xf32>
    %get3A_8 = arith.constant 0 : index
    %get3A_9 = arith.constant 0 : index
    %get3A_10 = vector.load %arg5[%get3A_8, %get3A_9] : memref<1000x128xf32, #tpu.memory_space<vmem>>, vector<1000x128xf32>
    %concatenate3A_11 = tpu.concatenate %get3A_7, %get3A_10 in 1 : vector<1000x128xf32>, vector<1000x128xf32> -> vector<1000x256xf32>
    %get3A_12 = arith.constant 0 : index
    %get3A_13 = memref.load %arg1[%get3A_12] : memref<1xf32, #tpu.memory_space<smem>>
    %mul3A = vector.broadcast %get3A_13 : f32 to vector<1000x256xf32>
    %mul3A_14 = arith.mulf %mul3A, %concatenate3A : vector<1000x256xf32>
    %add3A = arith.addf %mul3A_14, %concatenate3A_11 : vector<1000x256xf32>
    %get3A_15 = arith.constant 0 : index
    %get3A_16 = arith.constant 0 : index
    %get3A_17 = vector.load %arg6[%get3A_15, %get3A_16] : memref<256x256xf32, #tpu.memory_space<vmem>>, vector<256x256xf32>
    %dot_general3A = arith.constant dense<0.000000e+00> : vector<1000x256xf32>
    %dot_general3A_18 = tpu.matmul %add3A, %get3A_17, %dot_general3A {dimension_numbers = #tpu.dot_dimension_numbers<[1], [0], [0], [1], [0, 0, 1, 1], [], []>, transpose_lhs_hint = false} : vector<1000x256xf32>, vector<256x256xf32>, vector<1000x256xf32> -> vector<1000x256xf32>
    %get3A_19 = arith.constant 0 : index
    %get3A_20 = arith.constant 0 : index
    %get3A_21 = vector.load %arg7[%get3A_19, %get3A_20] : memref<1x256xf32, #tpu.memory_space<vmem>>, vector<1x256xf32>
    %add3A_22 = vector.broadcast %get3A_21 : vector<1x256xf32> to vector<1000x256xf32>
    %add3A_23 = arith.addf %dot_general3A_18, %add3A_22 : vector<1000x256xf32>
    %max3A = arith.constant 0.000000e+00 : f32
    %max3A_24 = vector.broadcast %max3A : f32 to vector<1000x256xf32>
    %max3A_25 = arith.maximumf %add3A_23, %max3A_24 : vector<1000x256xf32>
    %get3A_26 = arith.constant 0 : index
    %get3A_27 = arith.constant 0 : index
    %get3A_28 = vector.load %arg8[%get3A_26, %get3A_27] : memref<256x256xf32, #tpu.memory_space<vmem>>, vector<256x256xf32>
    %dot_general3A_29 = arith.constant dense<0.000000e+00> : vector<1000x256xf32>
    %dot_general3A_30 = tpu.matmul %max3A_25, %get3A_28, %dot_general3A_29 {dimension_numbers = #tpu.dot_dimension_numbers<[1], [0], [0], [1], [0, 0, 1, 1], [], []>, transpose_lhs_hint = false} : vector<1000x256xf32>, vector<256x256xf32>, vector<1000x256xf32> -> vector<1000x256xf32>
    %get3A_31 = arith.constant 0 : index
    %get3A_32 = arith.constant 0 : index
    %get3A_33 = vector.load %arg9[%get3A_31, %get3A_32] : memref<1x256xf32, #tpu.memory_space<vmem>>, vector<1x256xf32>
    %add3A_34 = vector.broadcast %get3A_33 : vector<1x256xf32> to vector<1000x256xf32>
    %add3A_35 = arith.addf %dot_general3A_30, %add3A_34 : vector<1000x256xf32>
    %add3A_36 = arith.addf %add3A_35, %concatenate3A : vector<1000x256xf32>
    %get3A_37 = arith.constant 0 : index
    %get3A_38 = arith.constant 0 : index
    %get3A_39 = arith.constant 0 : index
    %get3A_40 = vector.load %arg10[%get3A_37, %get3A_38, %get3A_39] : memref<1x1x1000xi32, #tpu.memory_space<vmem>>, vector<1x1x1000xi32>
    %get3A_41 = vector.shape_cast %get3A_40 : vector<1x1x1000xi32> to vector<1000xi32>
    %broadcast_in_dim3A = vector.shape_cast %get3A_41 : vector<1000xi32> to vector<1x1000xi32>
    %iota3A = tpu.iota {dimensions = array<i32: 0>} : vector<64x1000xi32>
    %eq3A = vector.broadcast %broadcast_in_dim3A : vector<1x1000xi32> to vector<64x1000xi32>
    %eq3A_42 = arith.cmpi eq, %eq3A, %iota3A : vector<64x1000xi32>
    %convert_element_type3A = arith.extui %eq3A_42 : vector<64x1000xi1> to vector<64x1000xi32>
    %convert_element_type3A_43 = arith.sitofp %convert_element_type3A : vector<64x1000xi32> to vector<64x1000xf32>
    %dot_general3A_44 = arith.constant dense<0.000000e+00> : vector<64x256xf32>
    %dot_general3A_45 = tpu.matmul %convert_element_type3A_43, %add3A_36, %dot_general3A_44 {dimension_numbers = #tpu.dot_dimension_numbers<[1], [0], [0], [1], [0, 0, 1, 1], [], []>, transpose_lhs_hint = false} : vector<64x1000xf32>, vector<1000x256xf32>, vector<64x256xf32> -> vector<64x256xf32>
    %eq3A_46 = arith.constant 0 : i32
    %eq3A_47 = arith.cmpi eq, %arg0, %eq3A_46 : i32
    %convert_element_type3A_48 = arith.extui %eq3A_47 : i1 to i32
    %cond3A = arith.constant 0 : i32
    %cond3A_49 = arith.cmpi ne, %convert_element_type3A_48, %cond3A : i32
    scf.if %cond3A_49 {
      %swap3A_61 = arith.constant 0 : index
      %swap3A_62 = arith.constant 0 : index
      %swap3A_63 = vector.load %arg16[%swap3A_61, %swap3A_62] : memref<64x256xf32, #tpu.memory_space<vmem>>, vector<64x256xf32>
      tpu.vector_store %arg16[%swap3A_61, %swap3A_62], %dot_general3A_45 {strides = array<i32>} : memref<64x256xf32, #tpu.memory_space<vmem>>, vector<64x256xf32>,
    } else {
    }
    %ne3A = arith.constant 0 : i32
    %ne3A_50 = arith.cmpi ne, %arg0, %ne3A : i32
    %convert_element_type3A_51 = arith.extui %ne3A_50 : i1 to i32
    %cond3A_52 = arith.constant 0 : i32
    %cond3A_53 = arith.cmpi ne, %convert_element_type3A_51, %cond3A_52 : i32
    scf.if %cond3A_53 {
      %get3A_61 = arith.constant 0 : index
      %get3A_62 = arith.constant 0 : index
      %get3A_63 = vector.load %arg16[%get3A_61, %get3A_62] : memref<64x256xf32, #tpu.memory_space<vmem>>, vector<64x256xf32>
      %add3A_64 = arith.addf %get3A_63, %dot_general3A_45 : vector<64x256xf32>
      %swap3A_65 = arith.constant 0 : index
      %swap3A_66 = arith.constant 0 : index
      %swap3A_67 = vector.load %arg16[%swap3A_65, %swap3A_66] : memref<64x256xf32, #tpu.memory_space<vmem>>, vector<64x256xf32>
      tpu.vector_store %arg16[%swap3A_65, %swap3A_66], %add3A_64 {strides = array<i32>} : memref<64x256xf32, #tpu.memory_space<vmem>>, vector<64x256xf32>,
    } else {
    }
    %swap3A = arith.constant 0 : index
    %swap3A_54 = arith.constant 0 : index
    %swap3A_55 = vector.load %arg15[%swap3A, %swap3A_54] : memref<1000x256xf32, #tpu.memory_space<vmem>>, vector<1000x256xf32>
    tpu.vector_store %arg15[%swap3A, %swap3A_54], %add3A_36 {strides = array<i32>} : memref<1000x256xf32, #tpu.memory_space<vmem>>, vector<1000x256xf32>,
    %eq3A_56 = arith.constant 9 : i32
    %eq3A_57 = arith.cmpi eq, %arg0, %eq3A_56 : i32
    %convert_element_type3A_58 = arith.extui %eq3A_57 : i1 to i32
    %cond3A_59 = arith.constant 0 : i32
    %cond3A_60 = arith.cmpi ne, %convert_element_type3A_58, %cond3A_59 : i32
    scf.if %cond3A_60 {
      %get3A_61 = arith.constant 0 : index
      %get3A_62 = arith.constant 0 : index
      %get3A_63 = vector.load %arg11[%get3A_61, %get3A_62] : memref<64x256xf32, #tpu.memory_space<vmem>>, vector<64x256xf32>
      %get3A_64 = arith.constant 0 : index
      %get3A_65 = arith.constant 0 : index
      %get3A_66 = vector.load %arg13[%get3A_64, %get3A_65] : memref<768x256xf32, #tpu.memory_space<vmem>>, vector<256x256xf32>
      %dot_general3A_67 = arith.constant dense<0.000000e+00> : vector<64x256xf32>
      %dot_general3A_68 = tpu.matmul %get3A_63, %get3A_66, %dot_general3A_67 {dimension_numbers = #tpu.dot_dimension_numbers<[1], [0], [0], [1], [0, 0, 1, 1], [], []>, transpose_lhs_hint = false} : vector<64x256xf32>, vector<256x256xf32>, vector<64x256xf32> -> vector<64x256xf32>
      %get3A_69 = arith.constant 0 : index
      %get3A_70 = arith.constant 0 : index
      %get3A_71 = vector.load %arg12[%get3A_69, %get3A_70] : memref<64x256xf32, #tpu.memory_space<vmem>>, vector<64x256xf32>
      %get3A_72 = arith.constant 256 : index
      %get3A_73 = arith.constant 0 : index
      %get3A_74 = vector.load %arg13[%get3A_72, %get3A_73] : memref<768x256xf32, #tpu.memory_space<vmem>>, vector<256x256xf32>
      %dot_general3A_75 = arith.constant dense<0.000000e+00> : vector<64x256xf32>
      %dot_general3A_76 = tpu.matmul %get3A_71, %get3A_74, %dot_general3A_75 {dimension_numbers = #tpu.dot_dimension_numbers<[1], [0], [0], [1], [0, 0, 1, 1], [], []>, transpose_lhs_hint = false} : vector<64x256xf32>, vector<256x256xf32>, vector<64x256xf32> -> vector<64x256xf32>
      %add3A_77 = arith.addf %dot_general3A_68, %dot_general3A_76 : vector<64x256xf32>
      %get3A_78 = arith.constant 0 : index
      %get3A_79 = arith.constant 0 : index
      %get3A_80 = vector.load %arg16[%get3A_78, %get3A_79] : memref<64x256xf32, #tpu.memory_space<vmem>>, vector<64x256xf32>
      %get3A_81 = arith.constant 512 : index
      %get3A_82 = arith.constant 0 : index
      %get3A_83 = vector.load %arg13[%get3A_81, %get3A_82] : memref<768x256xf32, #tpu.memory_space<vmem>>, vector<256x256xf32>
      %dot_general3A_84 = arith.constant dense<0.000000e+00> : vector<64x256xf32>
      %dot_general3A_85 = tpu.matmul %get3A_80, %get3A_83, %dot_general3A_84 {dimension_numbers = #tpu.dot_dimension_numbers<[1], [0], [0], [1], [0, 0, 1, 1], [], []>, transpose_lhs_hint = false} : vector<64x256xf32>, vector<256x256xf32>, vector<64x256xf32> -> vector<64x256xf32>
      %add3A_86 = arith.addf %add3A_77, %dot_general3A_85 : vector<64x256xf32>
      %get3A_87 = arith.constant 0 : index
      %get3A_88 = arith.constant 0 : index
      %get3A_89 = vector.load %arg14[%get3A_87, %get3A_88] : memref<1x256xf32, #tpu.memory_space<vmem>>, vector<1x256xf32>
      %add3A_90 = vector.broadcast %get3A_89 : vector<1x256xf32> to vector<64x256xf32>
      %add3A_91 = arith.addf %add3A_86, %add3A_90 : vector<64x256xf32>
      %swap3A_92 = arith.constant 0 : index
      %swap3A_93 = arith.constant 0 : index
      %swap3A_94 = vector.load %arg17[%swap3A_92, %swap3A_93] : memref<64x256xf32, #tpu.memory_space<vmem>>, vector<64x256xf32>
      tpu.vector_store %arg17[%swap3A_92, %swap3A_93], %add3A_91 {strides = array<i32>} : memref<64x256xf32, #tpu.memory_space<vmem>>, vector<64x256xf32>,
    } else {
    }
    return
  }
  func.func @transform_0(%arg0: i32) -> i32 {
    %c0_i32 = arith.constant 0 : i32
    %c0_i32_0 = arith.constant 0 : i32
    return %c0_i32 : i32
  }
  func.func @transform_1(%arg0: i32) -> (i32, i32) {
    %c0_i32 = arith.constant 0 : i32
    %c0_i32_0 = arith.constant 0 : i32
    return %arg0, %c0_i32 : i32, i32
  }
  func.func @transform_2(%arg0: i32) -> (i32, i32) {
    %c0_i32 = arith.constant 0 : i32
    %c0_i32_0 = arith.constant 0 : i32
    return %arg0, %c0_i32 : i32, i32
  }
  func.func @transform_3(%arg0: i32) -> (i32, i32) {
    %c0_i32 = arith.constant 0 : i32
    %c0_i32_0 = arith.constant 0 : i32
    return %arg0, %c0_i32 : i32, i32
  }
  func.func @transform_4(%arg0: i32) -> (i32, i32) {
    %c0_i32 = arith.constant 0 : i32
    %c0_i32_0 = arith.constant 0 : i32
    return %arg0, %c0_i32 : i32, i32
  }
  func.func @transform_5(%arg0: i32) -> (i32, i32) {
    %c0_i32 = arith.constant 0 : i32
    %c0_i32_0 = arith.constant 0 : i32
    %c0_i32_1 = arith.constant 0 : i32
    return %c0_i32, %c0_i32_0 : i32, i32
  }
  func.func @transform_6(%arg0: i32) -> (i32, i32) {
    %c0_i32 = arith.constant 0 : i32
    %c0_i32_0 = arith.constant 0 : i32
    %c0_i32_1 = arith.constant 0 : i32
    return %c0_i32, %c0_i32_0 : i32, i32
  }
  func.func @transform_7(%arg0: i32) -> (i32, i32) {
    %c0_i32 = arith.constant 0 : i32
    %c0_i32_0 = arith.constant 0 : i32
    %c0_i32_1 = arith.constant 0 : i32
    return %c0_i32, %c0_i32_0 : i32, i32
  }
  func.func @transform_8(%arg0: i32) -> (i32, i32) {
    %c0_i32 = arith.constant 0 : i32
    %c0_i32_0 = arith.constant 0 : i32
    %c0_i32_1 = arith.constant 0 : i32
    return %c0_i32, %c0_i32_0 : i32, i32
  }
  func.func @transform_9(%arg0: i32) -> (i32, i32, i32) {
    %c0_i32 = arith.constant 0 : i32
    %c0_i32_0 = arith.constant 0 : i32
    %c0_i32_1 = arith.constant 0 : i32
    return %arg0, %c0_i32, %c0_i32_0 : i32, i32, i32
  }
  func.func @transform_10(%arg0: i32) -> (i32, i32) {
    %c0_i32 = arith.constant 0 : i32
    %c0_i32_0 = arith.constant 0 : i32
    %c0_i32_1 = arith.constant 0 : i32
    return %c0_i32, %c0_i32_0 : i32, i32
  }
  func.func @transform_11(%arg0: i32) -> (i32, i32) {
    %c0_i32 = arith.constant 0 : i32
    %c0_i32_0 = arith.constant 0 : i32
    %c0_i32_1 = arith.constant 0 : i32
    return %c0_i32, %c0_i32_0 : i32, i32
  }
  func.func @transform_12(%arg0: i32) -> (i32, i32) {
    %c0_i32 = arith.constant 0 : i32
    %c0_i32_0 = arith.constant 0 : i32
    %c0_i32_1 = arith.constant 0 : i32
    return %c0_i32, %c0_i32_0 : i32, i32
  }
  func.func @transform_13(%arg0: i32) -> (i32, i32) {
    %c0_i32 = arith.constant 0 : i32
    %c0_i32_0 = arith.constant 0 : i32
    %c0_i32_1 = arith.constant 0 : i32
    return %c0_i32, %c0_i32_0 : i32, i32
  }
  func.func @transform_14(%arg0: i32) -> (i32, i32) {
    %c0_i32 = arith.constant 0 : i32
    %c0_i32_0 = arith.constant 0 : i32
    return %arg0, %c0_i32 : i32, i32
  }
  func.func @transform_15(%arg0: i32) -> (i32, i32) {
    %c0_i32 = arith.constant 0 : i32
    %c0_i32_0 = arith.constant 0 : i32
    %c0_i32_1 = arith.constant 0 : i32
    return %c0_i32, %c0_i32_0 : i32, i32
  }
  func.func @transform_16(%arg0: i32) -> (i32, i32) {
    %c0_i32 = arith.constant 0 : i32
    %c0_i32_0 = arith.constant 0 : i32
    %c0_i32_1 = arith.constant 0 : i32
    return %c0_i32, %c0_i32_0 : i32, i32
  }
}

</mosaic_0001>

<sc_bundles>
// kernel: kernel.11.cloned.1.call-start
scs
__scs_entry_jumppad:
0x0: {  	(pc) =	sbr.rel $0x88, $3  }
0x1: {  	(tag) =	ssettag $0x0;
	lr =	simm.s32 $0x1  }
0x2: {  	[smem:$0x3F8D] =	sst lr;
	_ =	strace $0xD0000000  }
0x3: {  	_ = 	snop  }
0x4: {  	_ = 	snop  }
0x5: {  	_ = 	snop  }
0x6: {  	_ = 	snop  }
0x7: {  	_ = 	snop  }
__scs_overlays_trampoline_lowered:
0x8: {  	[smem:$0x3F9C] =	sst s0  }
0x9: {  	[smem:$0x3F9D] =	sst s1  }
0xa: {  	[smem:$0x3F9E] =	sst s2  }
0xb: {  	[smem:$0x3F9F] =	sst s3  }
0xc: {  	[smem:$0x3FA0] =	sst s4  }
0xd: {  	[smem:$0x3FA1] =	sst s5  }
0xe: {  	[smem:$0x3FA2] =	sst s6  }
0xf: {  	[smem:$0x3FA3] =	sst s7  }
0x10: {  	[smem:$0x3FA4] =	sst s8  }
0x11: {  	[smem:$0x3FA5] =	sst s9;
	s0 =	simm.s32 @!p0 $0x0  }
0x12: {  	s1 =	sld [smem:$0x3F8B];
	s0 =	simm.s32 @p0 $0x1  }
0x13: {  	[smem:$0x3FA6] =	sst s0;
	s0 =	simm.s32 @!p1 $0x0  }
0x14: {  	s2 =	sld [smem:$0x3F8A];
	s0 =	simm.s32 @p1 $0x1  }
0x15: {  	[smem:$0x3FA7] =	sst s0;
	s0 =	simm.s32 @!p2 $0x0  }
0x16: {  	s3 =	sld [smem:$0x3FDB];
	s0 =	simm.s32 @p2 $0x1  }
0x17: {  	s4 =	simm.s32 $0x1BF5;
	[smem:$0x3FA9] =	sst s0  }
0x18: {  	s0 =	sld [smem:$0x3F8C];
	_ =	swait.ge [sflag:s4], $0x0  }
0x19: {  	s7 =	sld [smem:$0x3F8D]  }
0x1a: {  	s8 =	sadd.s32 $0xFFFFE003, lr  }
0x1b: {  	s9 =	sadd.s32 $0xFFFFFEF7, lr;
	s5 =	simm.s32 $0xFFFFFFFF;
	p2 =	slt.u32 s8, $0xFFFFF086  }
0x1c: {  	p1 =	slt.u32 s9, $0xF7A;
	s5 =	simm.s32 @!p2 $0x0  }
0x1d: {  	s5 =	simm.s32 @p1 $0x1;
	p0 =	seq.s32 s7, s2  }
0x1e: {  	s7 =	smul.u32 @!p0 $0xF7A, s2;
	p2 =	seq.s32 @!p0 s5, $0x0  }
0x1f: {  	s9 =	smul.u32 $0xF7A, s1;
	s8 =	simm.s32 @!p0 $0x1BF5;
	p2 =	por !p2, p0  }
0x20: {  	[sflag:s8] =	ssyncset.s32 @!p0 $0xFFFFF086;
	s6 =	sadd.s32 @!p0 s3, s7;
	s7 =	simm.s32 @!p0 $0x108  }
0x21: {  	s3 =	sadd.s32 s3, s9;
	s6 =	sadd.s32 @!p0 $0x88, s6;
	s7 =	simm.s32 @p2 $0x1082  }
0x22: {  	[simem:s7], [sflag:s8] =	dma.local @!p0 [hbm:s6], $0xF7A  }
0x23: {  	s9 =	sor.u32 $0xD0000000, s2;
	s6 =	simm.s32 $0x108;
	_ =	swait.ge @!p0 [sflag:s8], $0x0  }
0x24: {  	s3 =	sadd.s32 $0x88, s3;
	s6 =	simm.s32 @!p1 $0x1082;
	[sflag:s4] =	ssyncset.s32 $0xFFFFF086  }
0x25: {  	[simem:s6], [sflag:s4] =	dma.local [hbm:s3], $0xF7A  }
0x26: {  	[smem:$0x3F8D] =	sst s1;
	(tag) =	ssettag s2;
	_ =	strace s9  }
0x27: {  	s1 =	sld [smem:$0x3F9D]  }
0x28: {  	s2 =	sld [smem:$0x3F9E]  }
0x29: {  	s4 =	sld [smem:$0x3FA0]  }
0x2a: {  	p0 =	seq.s32 s5, $0x0;
	s5 =	sld [smem:$0x3FA1]  }
0x2b: {  	s6 =	sld [smem:$0x3FA2]  }
0x2c: {  	s7 =	sld [smem:$0x3FA3]  }
0x2d: {  	s3 =	simm.s32 $0x108;
	s8 =	sld [smem:$0x3FA4]  }
0x2e: {  	s3 =	simm.s32 @!p0 $0x1082;
	s9 =	sld [smem:$0x3FA5]  }
0x2f: {  	lr =	sadd.s32 s0, s3;
	s0 =	sld [smem:$0x3F9C]  }
0x30: {  	s3 =	sld [smem:$0x3F9F]  }
0x31: {  	[smem:$0x3FA8] =	sst s10  }
0x32: {  	s10 =	sld [smem:$0x3FA6];
	_ =	sdelay $0x3  }
0x33: {  	p0 =	seq.s32 s10, $0x1;
	s10 =	sld [smem:$0x3FA8];
	_ =	sdelay $0x3  }
0x34: {  	[smem:$0x3FA8] =	sst s10  }
0x35: {  	s10 =	sld [smem:$0x3FA7];
	_ =	sdelay $0x3  }
0x36: {  	p1 =	seq.s32 s10, $0x1;
	s10 =	sld [smem:$0x3FA8];
	_ =	sdelay $0x3  }
0x37: {  	[smem:$0x3FA8] =	sst s10  }
0x38: {  	s10 =	sld [smem:$0x3FA9]  }
0x39: {  	_ = 	snop;
	(pc) =	sbr.ind lr, $3  }
0x3a: {  	_ = 	snop  }
0x3b: {  	_ = 	snop  }
0x3c: {  	p2 =	seq.s32 s10, $0x1;
	s10 =	sld [smem:$0x3FA8]  }
0x3d: {  	_ =	shalt  }
0x3e: {  	_ =	shalt  }
0x3f: {  	_ =	shalt  }
0x40: {  	_ =	shalt  }
0x41: {  	_ =	shalt  }
0x42: {  	_ =	shalt  }
0x43: {  	_ =	shalt  }
0x44: {  	_ =	shalt  }
0x45: {  	_ =	shalt  }
0x46: {  	_ =	shalt  }
0x47: {  	_ =	shalt  }
0x48: {  	_ =	shalt  }
0x49: {  	_ =	shalt  }
0x4a: {  	_ =	shalt  }
0x4b: {  	_ =	shalt  }
0x4c: {  	_ =	shalt  }
0x4d: {  	_ =	shalt  }
0x4e: {  	_ =	shalt  }
0x4f: {  	_ =	shalt  }
0x50: {  	_ =	shalt  }
0x51: {  	_ =	shalt  }
0x52: {  	_ =	shalt  }
0x53: {  	_ =	shalt  }
0x54: {  	_ =	shalt  }
0x55: {  	_ =	shalt  }
0x56: {  	_ =	shalt  }
0x57: {  	_ =	shalt  }
0x58: {  	_ =	shalt  }
0x59: {  	_ =	shalt  }
0x5a: {  	_ =	shalt  }
0x5b: {  	_ =	shalt  }
0x5c: {  	_ =	shalt  }
0x5d: {  	_ =	shalt  }
0x5e: {  	_ =	shalt  }
0x5f: {  	_ =	shalt  }
0x60: {  	_ =	shalt  }
0x61: {  	_ =	shalt  }
0x62: {  	_ =	shalt  }
0x63: {  	_ =	shalt  }
0x64: {  	_ =	shalt  }
0x65: {  	_ =	shalt  }
0x66: {  	_ =	shalt  }
0x67: {  	_ =	shalt  }
0x68: {  	_ =	shalt  }
0x69: {  	_ =	shalt  }
0x6a: {  	_ =	shalt  }
0x6b: {  	_ =	shalt  }
0x6c: {  	_ =	shalt  }
0x6d: {  	_ =	shalt  }
0x6e: {  	_ =	shalt  }
0x6f: {  	_ =	shalt  }
0x70: {  	_ =	shalt  }
0x71: {  	_ =	shalt  }
0x72: {  	_ =	shalt  }
0x73: {  	_ =	shalt  }
0x74: {  	_ =	shalt  }
0x75: {  	_ =	shalt  }
0x76: {  	_ =	shalt  }
0x77: {  	_ =	shalt  }
0x78: {  	_ =	shalt  }
0x79: {  	_ =	shalt  }
0x7a: {  	_ =	shalt  }
0x7b: {  	_ =	shalt  }
0x7c: {  	_ =	shalt  }
0x7d: {  	_ =	shalt  }
0x7e: {  	_ =	shalt  }
0x7f: {  	_ =	shalt  }
0x80: {  	_ =	shalt  }
0x81: {  	_ =	shalt  }
0x82: {  	_ =	shalt  }
0x83: {  	_ =	shalt  }
0x84: {  	_ =	shalt  }
0x85: {  	_ =	shalt  }
0x86: {  	_ =	shalt  }
0x87: {  	_ =	shalt  }
.Lfunc_end0:
.L_simem_size_0:
called_computation.1_lowered:
.L_overlay_start_0:
0x88: {  	s2 =	sld [smem:$0x3FD9]  }
0x89: {  	s3 =	sld [smem:$0x3FFE];
	_ =	sdelay $0x1  }
0x8a: {  	s1 =	srdreg.scid  }
0x8b: {  	s0 =	sand.u32 $0x1, s1  }
0x8c: {  	s14 =	sshll.u32 s0, $0xA;
	s2 =	sadd.s32 s3, s2  }
0x8d: {  	s2 =	sadd.s32 s2, s14  }
0x8e: {  	[smem:$0x3FB4] =	sst s2  }
0x8f: {  	_ = 	snop  }
0x90: {  	s2 =	sld [smem:$0x3FD0];
	_ =	sdelay $0x2  }
0x91: {  	s15 =	simm.s32 $0xA;
	s4 =	simm.s32 $0x10  }
0x92: {  	[smem:s4], [sflag:s15] =	dma.local [hbm:s2], $0x1  }
0x93: {  	_ =	swait.eq [sflag:s15], $0x1  }
0x94: {  	[sflag:s15] =	ssyncset.done $0x0  }
0x95: {  	[sflag:s15] =	ssyncadd.s32 $0xFFFFFFFF  }
0x96: {  	s16 =	sld [smem:$0x10];
	(tm) =	ssettm $0x1  }
0x97: {  	s17 =	sld [smem:$0x3FFB];
	_ =	sdelay $0x3  }
0x98: {  	_ =	strace s17  }
0x99: {  	s3 =	sld [smem:$0x3FFC];
	_ =	sdelay $0x3  }
0x9a: {  	_ =	strace s3  }
0x9b: {  	s3 =	sld [smem:$0x3FFD];
	_ =	sdelay $0x3  }
0x9c: {  	_ =	strace s3  }
0x9d: {  	_ =	strace $0x8FFFFFFF  }
0x9e: {  	s18 =	sld [smem:$0x3FDB];
	_ =	sdelay $0x1  }
0x9f: {  	s19 =	simm.s32 $_scs_section_size  }
0xa0: {  	s5 =	simm.s32 $_size__tile_overlayer_lowered;
	s6 =	simm.s32 $_tile_overlayer_lowered  }
0xa1: {  	s22 =	simm.s32 $0x1BFF;
	s21 =	sshll.u32 s6, $0x1;
	s3 =	sadd.s32 s19, s18  }
0xa2: {  	s7 =	simm.s32 $0x0;
	s20 =	sshll.u32 s5, $0x1;
	s5 =	sadd.s32 s21, s3  }
0xa3: {  	[timem:s7], [sflag:s22] =	dma.local [hbm:s5], s20  }
0xa4: {  	_ =	swait.ge [sflag:s22], s20  }
0xa5: {  	s4 =	ssub.s32 $0x0, s20;
	[sflag:s22] =	ssyncset.done $0x0  }
0xa6: {  	[sflag:s22] =	ssyncadd.s32 s4;
	_ =	sdelay $0x1  }
0xa7: {  	s23 =	simm.s32 $0x1B8B  }
0xa8: {  	_ =	swait.ge [sflag:s23], $0x1  }
0xa9: {  	[sflag:s23] =	ssyncset.done $0x0  }
0xaa: {  	s25 =	simm.s32 $0x1B8E;
	s24 =	sld [smem:$0x3FFE];
	[sflag:s23] =	ssyncadd.s32 $0xFFFFFFFF  }
0xab: {  	s26 =	simm.s32 $execute0_lowered;
	[smem:$0x3FD2] =	sst s25  }
0xac: {  	s5 =	sshll.u32 s26, $0x1;
	_ =	strace $0x80000049;
	[dreg:$0x1] =	wrdreg $0xFFFFFFFF  }
0xad: {  	s28 =	simm.s32 $_size_execute0_lowered;
	s3 =	sadd.s32 s3, s5;
	[dreg:$0x0] =	wrdreg $0x0  }
0xae: {  	s5 =	sshll.u32 s28, $0x1;
	[dreg:$0x2] =	wrdreg s3  }
0xaf: {  	[dreg:$0x3] =	wrdreg s5  }
0xb0: {  	[dreg:$0x4] =	wrdreg $0xC0  }
0xb1: {  	_ =	task [dreg:s7], $0x5FFFF  }
0xb2: {  	[dreg:$0x1] =	wrdreg $0xFFFFFFFF  }
0xb3: {  	[dreg:$0x0] =	wrdreg $0x60  }
0xb4: {  	[dreg:$0x2] =	wrdreg s24  }
0xb5: {  	[dreg:$0x3] =	wrdreg s16  }
0xb6: {  	[dreg:$0x4] =	wrdreg $0xB7000  }
0xb7: {  	[dreg:$0x5] =	wrdreg $0x9  }
0xb8: {  	_ =	task.clear_ibuf [dreg:s7], $0x6FFFF;
	_ =	strace $0x90000049  }
0xb9: {  	s29 =	simm.s32 $0x9;
	_ =	strace $0x8000004B  }
0xba: {  	_ =	swait.ge [sflag:s29], $0x1  }
0xbb: {  	[sflag:s29] =	ssyncadd.s32 $0xFFFFFFFF  }
0xbc: {  	_ =	strace $0x9000004B  }
0xbd: {  	_ =	sfence  }
0xbe: {  	s30 =	sld [smem:$0x0];
	_ =	sdelay $0x2  }
0xbf: {  	s31 =	sshll.u32 s1, $0xD;
	s1 =	sshrl.u32 s1, $0x2  }
0xc0: {  	s3 =	sand.u32 $0x4000, s31;
	s1 =	sadd.s32 s1, s30  }
0xc1: {  	s0 =	sor.u32 s3, s0;
	s1 =	sshll.u32 s1, $0x11  }
0xc2: {  	s0 =	sor.u32 s1, s0  }
0xc3: {  	s0 =	sadd.s32 $0x8F2B, s0  }
0xc4: {  	[sflag:s0] =	ssyncadd.remote.s32 $0x1  }
0xc5: {  	_ =	sfence.sel $0xFFFF  }
0xc6: {  	[dreg:$0x0] =	wrdreg $0xFFFFFFFF;
	(pc) =	sbr.abs _section_cstart, $3  }
0xc7: {  	[dreg:$0x1] =	wrdreg $0xFFFFFFFF  }
0xc8: {  	_ =	task.clear_ibuf [dreg:s7], $0x2FFFF;
	_ =	strace $0x9FFFFFFF  }
0xc9: {  	(tm) =	ssettm $0x7FFFFFFF  }
tec
execute0_lowered:
.L_overlay_start_1:
0x0: {  	(tag) =	ssettag $0x1  }
0x1: {  	s1 =	rddreg [dreg:$0x0]  }
0x2: {  	s4 =	rddreg [dreg:$0x1]  }
0x3: {  	s0 =	rddreg [dreg:$0x2];
	s2 =	simm.s32 $0x0;
	s6 =	srdreg.scid  }
0x4: {  	s23 =	stileid.u32;
	s29 =	simm.s32 $0x300;
	s30 =	simm.s32 $0x4  }
0x5: {  	s31 =	simm.s32 $0x180;
	[smem:$0x7FF] =	sst s2;
	s5 =	sadd.s32 $0xF800, s1  }
0x6: {  	s3 =	sadd.s32 $0x36A00, s1;
	s6 =	sand.u32 $0x1, s6;
	s7 =	smul.u32 $0x2A00, s23  }
0x7: {  	s8 =	sadd.s32 $0x5000, s1;
	s9 =	sadd.s32 $0xA400, s1;
	s24 =	smul.u32 $0x280, s23  }
0x8: {  	s1 =	sadd.s32 $0x5DC00, s1;
	s17 =	smul.u32 $0x2800, s23;
	s10 =	ssub.s32 $0x2, s6  }
0x9: {  	p0 =	seq.s32 s6, $0x0;
	s11 =	sshrl.u32 s10, $0x1;
	s7 =	sshrl.u32 s7, $0x3  }
0xa: {  	s6 =	sor.u32 $0x50, s24;
	s13 =	sadd.s32 $0xF0, s24;
	s14 =	sadd.s32 $0x140, s24  }
0xb: {  	s15 =	sadd.s32 $0x190, s24;
	s16 =	sadd.s32 $0x1E0, s24;
	s1 =	smov.u32 @p0 s4  }
0xc: {  	s3 =	smov.u32 @p0 s5;
	s10 =	ssub.s32 s10, s11;
	s12 =	sadd.s32 s8, s7  }
0xd: {  	s25 =	sadd.s32 s9, s7;
	s7 =	sor.u32 $0x10, s7;
	s11 =	sadd.s32 $0x230, s24  }
0xe: {  	s18 =	sshll.u32 s6, $0x4;
	s20 =	sshll.u32 s13, $0x4;
	s21 =	sshll.u32 s14, $0x4  }
0xf: {  	s22 =	sshll.u32 s15, $0x4;
	s26 =	sshll.u32 s16, $0x4;
	[dreg:$0x4] =	wrdreg s12  }
0x10: {  	s17 =	sadd.s32 s1, s17;
	s13 =	sshll.u32 s13, $0x7;
	[dreg:$0x5] =	wrdreg s25  }
0x11: {  	s14 =	sshll.u32 s14, $0x7;
	[dreg:$0x6] =	wrdreg s17;
	s18 =	sadd.s32 s1, s18  }
0x12: {  	s12 =	sadd.s32 $0xA0, s24;
	s20 =	sadd.s32 s1, s20;
	[dreg:$0x7] =	wrdreg s18  }
0x13: {  	s28 =	sshll.u32 s11, $0x4;
	s24 =	sadd.s32 s1, s21;
	[dreg:$0x9] =	wrdreg s20  }
0x14: {  	s25 =	sadd.s32 s1, s22;
	s4 =	sadd.s32 s1, s26;
	[dreg:$0xa] =	wrdreg s24  }
0x15: {  	s26 =	sadd.s32 s8, s7;
	s5 =	sadd.s32 s9, s7;
	[dreg:$0xb] =	wrdreg s25  }
0x16: {  	s7 =	smul.u32 $0x50000, s23;
	s21 =	sshll.u32 s16, $0x7;
	[dreg:$0xc] =	wrdreg s4  }
0x17: {  	s22 =	sshll.u32 s11, $0x7;
	s11 =	simm.s32 $0x80;
	[dreg:$0xe] =	wrdreg s26  }
0x18: {  	s16 =	simm.s32 $0x6;
	s19 =	sshll.u32 s12, $0x4;
	[dreg:$0xf] =	wrdreg s5  }
0x19: {  	s12 =	sshll.u32 s12, $0x7;
	s26 =	sadd.s32 s13, s0;
	s20 =	sshll.u32 s15, $0x7  }
0x1a: {  	s4 =	simm.s32 $0x1;
	s5 =	simm.s32 $0x78;
	s13 =	simm.s32 $0x7B00  }
0x1b: {  	s15 =	simm.s32 $0x8;
	s19 =	sadd.s32 s1, s19;
	s1 =	sadd.s32 s1, s28  }
0x1c: {  	s28 =	smul.u32 $0x540, s23;
	s25 =	sadd.s32 s12, s0;
	[dreg:$0x8] =	wrdreg s19  }
0x1d: {  	s12 =	simm.s32 $0x3;
	[dreg:$0xd] =	wrdreg s1;
	s19 =	sadd.s32 s14, s0  }
0x1e: {  	s1 =	sadd.s32 s20, s0;
	s14 =	simm.s32 $0x5;
	s17 =	sadd.s32 s28, s9  }
0x1f: {  	s18 =	sadd.s32 s28, s8;
	_ =	strace $0x8000004A;
	[dreg:$0x14] =	wrdreg s19  }
0x20: {  	s8 =	smax.u32 s10, $0x1;
	s9 =	sshrl.u32 s7, $0x2;
	[dreg:$0x15] =	wrdreg s1  }
0x21: {  	s10 =	sshll.u32 s6, $0x7;
	s1 =	sadd.s32 s21, s0;
	[dreg:$0x12] =	wrdreg s25  }
0x22: {  	s28 =	sadd.s32 s22, s0;
	s6 =	simm.s32 $0x100;
	[dreg:$0x13] =	wrdreg s26  }
0x23: {  	s7 =	simm.s32 $0x280;
	s19 =	simm.s32 $0x0;
	[dreg:$0x10] =	wrdreg s8  }
0x24: {  	s23 =	sadd.s32 s9, s0;
	s24 =	sadd.s32 s10, s0;
	[dreg:$0x16] =	wrdreg s1  }
0x25: {  	[dreg:$0x17] =	wrdreg s28;
	s1 =	simm.s32 $0x200;
	s8 =	simm.s32 $0x2  }
0x26: {  	v0 =	vimm.f32 $0.0e+00;
	s9 =	simm.s32 $0x3F00;
	s10 =	simm.s32 $0x7;
	[dreg:$0x11] =	wrdreg s24  }
.LBB2_1:
0x27: {  	s20 =	simm.s32 $0x70;
	s21 =	simm.s32 $0x3C0  }
.LBB2_2:
0x28: {  	p0 =	sne.s32 s21, $0x9FC0;
	[tilespmem:s20+$0x300] =	vst v0  }
0x29: {  	[tilespmem:s20+$0x290] =	vst v0  }
0x2a: {  	[tilespmem:s20+$0x2A0] =	vst v0  }
.Ltmp0:
0x2b: {  	[tilespmem:s20+$0x2B0] =	vst v0;
	(pc) =	sbr.rel @p0 .LBB2_2-.Ltmp0, $4  }
0x2c: {  	[tilespmem:s20+$0x2C0] =	vst v0  }
0x2d: {  	[tilespmem:s20+$0x2D0] =	vst v0  }
0x2e: {  	[tilespmem:s20+$0x2E0] =	vst v0  }
0x2f: {  	[tilespmem:s20+$0x2F0] =	vst v0;
	s20 =	sshra.s32 s21, $0x2;
	s21 =	sadd.s32 $0x200, s21  }
0x30: {  	[tilespmem:s20+$0x300] =	vst v0  }
0x31: {  	[tilespmem:s20+$0x290] =	vst v0  }
0x32: {  	[tilespmem:s20+$0x2A0] =	vst v0  }
0x33: {  	[tilespmem:s20+$0x2B0] =	vst v0  }
0x34: {  	[tilespmem:s20+$0x2C0] =	vst v0  }
0x35: {  	[tilespmem:s20+$0x2D0] =	vst v0  }
0x36: {  	[tilespmem:s20+$0x2E0] =	vst v0  }
0x37: {  	[tilespmem:s20+$0x2F0] =	vst v0  }
0x38: {  	[spmem:s23] =	stream.linear.scatter [tilespmem:s29], [sflag:$0x4], $0x2800, $0x38;
	[tilespmem:$0x1F700] =	vst v63  }
0x39: {  	_ = 	snop  }
0x3a: {  	[spmem:s24] =	stream.linear.scatter [tilespmem:s29], [sflag:$0x4], $0x2800, $0x38;
	[tilespmem:$0x1F700] =	vst v63  }
0x3b: {  	_ = 	snop  }
0x3c: {  	[spmem:s25] =	stream.linear.scatter [tilespmem:s29], [sflag:$0x4], $0x2800, $0x38;
	[tilespmem:$0x1F700] =	vst v63  }
0x3d: {  	_ = 	snop  }
0x3e: {  	[spmem:s26] =	stream.linear.scatter [tilespmem:s29], [sflag:$0x4], $0x2800, $0x38;
	[tilespmem:$0x1F700] =	vst v63  }
0x3f: {  	s26 =	rddreg [dreg:$0x14]  }
0x40: {  	[spmem:s26] =	stream.linear.scatter [tilespmem:s29], [sflag:$0x4], $0x2800, $0x38;
	[tilespmem:$0x1F700] =	vst v63  }
0x41: {  	s21 =	rddreg [dreg:$0x15]  }
0x42: {  	[spmem:s21] =	stream.linear.scatter [tilespmem:s29], [sflag:$0x4], $0x2800, $0x38;
	[tilespmem:$0x1F700] =	vst v63  }
0x43: {  	s22 =	rddreg [dreg:$0x16]  }
0x44: {  	[spmem:s22] =	stream.linear.scatter [tilespmem:s29], [sflag:$0x4], $0x2800, $0x38;
	[tilespmem:$0x1F700] =	vst v63  }
0x45: {  	s28 =	smov.u32 s23;
	s23 =	rddreg [dreg:$0x17]  }
0x46: {  	[spmem:s23] =	stream.linear.scatter [tilespmem:s29], [sflag:$0x4], $0x2800, $0x38;
	[tilespmem:$0x1F700] =	vst v63  }
0x47: {  	_ =	swait.ge [sflag:s30], $0x2800  }
0x48: {  	[sflag:s30] =	ssyncset.done $0x0  }
0x49: {  	[sflag:s30] =	ssyncadd.s32 $0xFFFFD800  }
0x4a: {  	_ =	swait.ge [sflag:s30], $0x2800  }
0x4b: {  	[sflag:s30] =	ssyncset.done $0x0  }
0x4c: {  	[sflag:s30] =	ssyncadd.s32 $0xFFFFD800  }
0x4d: {  	_ =	swait.ge [sflag:s30], $0x2800  }
0x4e: {  	[sflag:s30] =	ssyncset.done $0x0  }
0x4f: {  	[sflag:s30] =	ssyncadd.s32 $0xFFFFD800  }
0x50: {  	_ =	swait.ge [sflag:s30], $0x2800  }
0x51: {  	[sflag:s30] =	ssyncset.done $0x0  }
0x52: {  	[sflag:s30] =	ssyncadd.s32 $0xFFFFD800  }
0x53: {  	_ =	swait.ge [sflag:s30], $0x2800  }
0x54: {  	[sflag:s30] =	ssyncset.done $0x0  }
0x55: {  	[sflag:s30] =	ssyncadd.s32 $0xFFFFD800  }
0x56: {  	_ =	swait.ge [sflag:s30], $0x2800  }
0x57: {  	[sflag:s30] =	ssyncset.done $0x0  }
0x58: {  	[sflag:s30] =	ssyncadd.s32 $0xFFFFD800  }
0x59: {  	_ =	swait.ge [sflag:s30], $0x2800  }
0x5a: {  	[sflag:s30] =	ssyncset.done $0x0  }
0x5b: {  	[sflag:s30] =	ssyncadd.s32 $0xFFFFD800  }
0x5c: {  	_ =	swait.ge [sflag:s30], $0x2800  }
0x5d: {  	[sflag:s30] =	ssyncset.done $0x0  }
0x5e: {  	[sflag:s30] =	ssyncadd.s32 $0xFFFFD800  }
0x5f: {  	[bflag:$0x0] =	sbarrier.arrive $0xFFFF  }
0x60: {  	s24 =	simm.s32 $0x0;
	s21 =	rddreg [dreg:$0x4]  }
0x61: {  	[tilespmem:s24], [sflag:$0x1] =	stream.linear.gather [hbm4b:s21+s24], $0x80, $0x38;
	[tilespmem:$0x1F700] =	vst v63  }
0x62: {  	s25 =	rddreg [dreg:$0x5]  }
0x63: {  	[tilespmem:s31], [sflag:$0x1] =	stream.linear.gather [hbm4b:s25+s24], $0x80, $0x38;
	[tilespmem:$0x1F700] =	vst v63  }
0x64: {  	s26 =	rddreg [dreg:$0xe]  }
0x65: {  	[tilespmem:s11], [sflag:$0x2] =	stream.linear.gather [hbm4b:s26+s24], $0x80, $0x38;
	[tilespmem:$0x1F700] =	vst v63  }
0x66: {  	s22 =	rddreg [dreg:$0xf]  }
0x67: {  	[tilespmem:s1], [sflag:$0x2] =	stream.linear.gather [hbm4b:s22+s24], $0x80, $0x38;
	[tilespmem:$0x1F700] =	vst v63  }
0x68: {  	_ =	swait.ge [sflag:s4], $0x80  }
0x69: {  	[sflag:s4] =	ssyncset.done $0x0  }
0x6a: {  	[sflag:s4] =	ssyncadd.s32 $0xFFFFFF80  }
0x6b: {  	_ =	swait.ge [sflag:s4], $0x80  }
0x6c: {  	p0 =	por $0x1, $0x1;
	[sflag:s4] =	ssyncset.done $0x0  }
0x6d: {  	s20 =	simm.s32 @!p0 $0x9;
	[sflag:s4] =	ssyncadd.s32 $0xFFFFFF80  }
0x6e: {  	[tilespmem:s29], [sflag:$0x4] =	stream.indirect.gather [hbm4b:s3+s5], $0x80, s24, s5, $0xb8;
	[tilespmem:$0x1F700] =	vst v63  }
0x6f: {  	_ =	swait.ge @!p0 [sflag:s20], $0x3C00  }
0x70: {  	s23 =	sadd.s32 $0x0, s18;
	[sflag:s20] =	ssyncset.done @!p0 $0x0  }
0x71: {  	s25 =	sadd.s32 $0x0, s17;
	s24 =	sadd.s32 $0x20, s23;
	[sflag:s20] =	ssyncadd.s32 @!p0 $0xFFFFC400  }
0x72: {  	[tilespmem:s6], [sflag:$0x3] =	stream.linear.gather [hbm4b:s24+s2], $0x80, $0x38;
	[tilespmem:$0x1F700] =	vst v63  }
0x73: {  	s26 =	sadd.s32 $0x20, s25  }
0x74: {  	[tilespmem:s7], [sflag:$0x3] =	stream.linear.gather [hbm4b:s26+s2], $0x80, $0x38;
	[tilespmem:$0x1F700] =	vst v63  }
0x75: {  	_ =	swait.ge [sflag:s8], $0x80  }
0x76: {  	[sflag:s8] =	ssyncset.done $0x0  }
0x77: {  	[sflag:s8] =	ssyncadd.s32 $0xFFFFFF80  }
0x78: {  	_ =	swait.ge [sflag:s8], $0x80  }
0x79: {  	[sflag:s8] =	ssyncset.done $0x0  }
0x7a: {  	[sflag:s8] =	ssyncadd.s32 $0xFFFFFF80  }
0x7b: {  	[tilespmem:s9], [sflag:$0x5] =	stream.indirect.gather [hbm4b:s3+s5], $0x80, s11, s5, $0xb8;
	[tilespmem:$0x1F700] =	vst v63  }
0x7c: {  	_ =	swait.ge [sflag:s30], $0x3C00  }
0x7d: {  	[sflag:s30] =	ssyncset.done $0x0  }
0x7e: {  	[sflag:s30] =	ssyncadd.s32 $0xFFFFC400  }
0x7f: {  	[spmem:s0] =	stream.indirect.scatter.add.f32 [tilespmem:s29], [sflag:$0x7], $0x80, s31, s5, $0xb8;
	[tilespmem:$0x1F700] =	vst v63  }
0x80: {  	p0 =	por $0x0, $0x0;
	_ =	swait.ge [sflag:s10], $0x3C00  }
0x81: {  	s20 =	sadd.s32 @!p0 $0x0, s18;
	s21 =	sadd.s32 @!p0 $0x0, s17;
	[sflag:s10] =	ssyncset.done $0x0  }
0x82: {  	s23 =	simm.s32 @!p0 $0x0;
	s22 =	sadd.s32 @!p0 $0x30, s20;
	[sflag:s10] =	ssyncadd.s32 $0xFFFFC400  }
0x83: {  	[tilespmem:s23], [sflag:$0x1] =	stream.linear.gather @!p0 [hbm4b:s22+s23], $0x80, $0x38;
	[tilespmem:$0x1F700] =	vst v63  }
0x84: {  	s24 =	simm.s32 @!p0 $0x180;
	s22 =	sadd.s32 @!p0 $0x30, s21  }
0x85: {  	[tilespmem:s24], [sflag:$0x1] =	stream.linear.gather @!p0 [hbm4b:s22+s23], $0x80, $0x38;
	[tilespmem:$0x1F700] =	vst v63  }
0x86: {  	_ =	swait.ge [sflag:s12], $0x80  }
0x87: {  	[sflag:s12] =	ssyncset.done $0x0  }
0x88: {  	[sflag:s12] =	ssyncadd.s32 $0xFFFFFF80  }
0x89: {  	_ =	swait.ge [sflag:s12], $0x80  }
0x8a: {  	[sflag:s12] =	ssyncset.done $0x0  }
0x8b: {  	[sflag:s12] =	ssyncadd.s32 $0xFFFFFF80  }
0x8c: {  	[tilespmem:s13], [sflag:$0x6] =	stream.indirect.gather [hbm4b:s3+s5], $0x80, s6, s5, $0xb8;
	[tilespmem:$0x1F700] =	vst v63  }
0x8d: {  	_ =	swait.ge [sflag:s14], $0x3C00  }
0x8e: {  	[sflag:s14] =	ssyncset.done $0x0  }
0x8f: {  	[sflag:s14] =	ssyncadd.s32 $0xFFFFC400  }
0x90: {  	[spmem:s0] =	stream.indirect.scatter.add.f32 [tilespmem:s9], [sflag:$0x8], $0x80, s1, s5, $0xb8;
	[tilespmem:$0x1F700] =	vst v63  }
0x91: {  	_ =	swait.ge [sflag:s15], $0x3C00  }
0x92: {  	[sflag:s15] =	ssyncset.done $0x0  }
0x93: {  	s20 =	sadd.s32 @!p0 $0x40, s20;
	s22 =	simm.s32 @!p0 $0x80;
	[sflag:s15] =	ssyncadd.s32 $0xFFFFC400  }
0x94: {  	[tilespmem:s22], [sflag:$0x2] =	stream.linear.gather @!p0 [hbm4b:s20+s23], $0x80, $0x38;
	[tilespmem:$0x1F700] =	vst v63  }
0x95: {  	s20 =	sadd.s32 @!p0 $0x40, s21;
	s21 =	simm.s32 @!p0 $0x200  }
0x96: {  	[tilespmem:s21], [sflag:$0x2] =	stream.linear.gather @!p0 [hbm4b:s20+s23], $0x80, $0x38;
	[tilespmem:$0x1F700] =	vst v63  }
0x97: {  	s20 =	simm.s32 @!p0 $0x1  }
0x98: {  	_ =	swait.ge @!p0 [sflag:s20], $0x80  }
0x99: {  	[sflag:s20] =	ssyncset.done @!p0 $0x0  }
0x9a: {  	[sflag:s20] =	ssyncadd.s32 @!p0 $0xFFFFFF80  }
0x9b: {  	_ =	swait.ge @!p0 [sflag:s20], $0x80  }
0x9c: {  	[sflag:s20] =	ssyncset.done @!p0 $0x0  }
0x9d: {  	s21 =	simm.s32 @!p0 $0x300;
	[sflag:s20] =	ssyncadd.s32 @!p0 $0xFFFFFF80;
	s20 =	simm.s32 @!p0 $0x78  }
0x9e: {  	[tilespmem:s21], [sflag:$0x4] =	stream.indirect.gather @!p0 [hbm4b:s3+s20], $0x80, s23, s20, $0xb8;
	[tilespmem:$0x1F700] =	vst v63  }
0x9f: {  	p1 =	por $0x0, $0x0;
	_ =	swait.ge [sflag:s16], $0x3C00  }
0xa0: {  	s20 =	simm.s32 $0x30;
	s21 =	simm.s32 $0x60;
	[sflag:s16] =	ssyncset.done $0x0  }
.LBB2_4:
0xa1: {  	s23 =	simm.s32 @!p1 $0x9  }
0xa2: {  	[sflag:s16] =	ssyncadd.s32 $0xFFFFC400;
	s22 =	smov.u32 s21;
	s21 =	sadd.s32 $0x30, s21  }
0xa3: {  	[spmem:s0] =	stream.indirect.scatter.add.f32 [tilespmem:s13], [sflag:$0x9], $0x80, s7, s5, $0xb8;
	[tilespmem:$0x1F700] =	vst v63  }
0xa4: {  	p0 =	sne.s32 s21, $0x540;
	_ =	swait.ge @!p1 [sflag:s23], $0x3C00  }
0xa5: {  	s24 =	sadd.s32 s20, s18;
	[sflag:s23] =	ssyncset.done @!p1 $0x0  }
0xa6: {  	[sflag:s23] =	ssyncadd.s32 @!p1 $0xFFFFC400;
	s23 =	sadd.s32 $0x20, s24;
	s24 =	sadd.s32 s20, s17  }
0xa7: {  	[tilespmem:s6], [sflag:$0x3] =	stream.linear.gather [hbm4b:s23+s2], $0x80, $0x38;
	[tilespmem:$0x1F700] =	vst v63  }
0xa8: {  	s23 =	sadd.s32 $0x20, s24  }
0xa9: {  	[tilespmem:s7], [sflag:$0x3] =	stream.linear.gather [hbm4b:s23+s2], $0x80, $0x38;
	[tilespmem:$0x1F700] =	vst v63  }
0xaa: {  	_ =	swait.ge [sflag:s8], $0x80  }
0xab: {  	[sflag:s8] =	ssyncset.done $0x0  }
0xac: {  	[sflag:s8] =	ssyncadd.s32 $0xFFFFFF80  }
0xad: {  	_ =	swait.ge [sflag:s8], $0x80  }
0xae: {  	[sflag:s8] =	ssyncset.done $0x0  }
0xaf: {  	[sflag:s8] =	ssyncadd.s32 $0xFFFFFF80  }
0xb0: {  	[tilespmem:s9], [sflag:$0x5] =	stream.indirect.gather [hbm4b:s3+s5], $0x80, s11, s5, $0xb8;
	[tilespmem:$0x1F700] =	vst v63  }
0xb1: {  	_ =	swait.ge [sflag:s30], $0x3C00  }
0xb2: {  	[sflag:s30] =	ssyncset.done $0x0  }
0xb3: {  	[sflag:s30] =	ssyncadd.s32 $0xFFFFC400  }
0xb4: {  	[spmem:s0] =	stream.indirect.scatter.add.f32 [tilespmem:s29], [sflag:$0x7], $0x80, s31, s5, $0xb8;
	[tilespmem:$0x1F700] =	vst v63  }
0xb5: {  	p1 =	seq.s32 s20, $0x510;
	_ =	swait.ge [sflag:s10], $0x3C00  }
0xb6: {  	s23 =	sadd.s32 @!p1 s20, s18;
	s20 =	sadd.s32 @!p1 s20, s17;
	[sflag:s10] =	ssyncset.done $0x0  }
0xb7: {  	s25 =	simm.s32 @!p1 $0x0;
	s24 =	sadd.s32 @!p1 $0x30, s23;
	[sflag:s10] =	ssyncadd.s32 $0xFFFFC400  }
0xb8: {  	[tilespmem:s25], [sflag:$0x1] =	stream.linear.gather @!p1 [hbm4b:s24+s25], $0x80, $0x38;
	[tilespmem:$0x1F700] =	vst v63  }
0xb9: {  	s26 =	simm.s32 @!p1 $0x180;
	s23 =	sadd.s32 @!p1 $0x40, s23;
	s24 =	sadd.s32 @!p1 $0x30, s20  }
0xba: {  	[tilespmem:s26], [sflag:$0x1] =	stream.linear.gather @!p1 [hbm4b:s24+s25], $0x80, $0x38;
	[tilespmem:$0x1F700] =	vst v63  }
0xbb: {  	s24 =	sadd.s32 @!p1 $0x40, s20;
	s20 =	smov.u32 s22;
	_ =	swait.ge [sflag:s12], $0x80  }
0xbc: {  	[sflag:s12] =	ssyncset.done $0x0  }
0xbd: {  	[sflag:s12] =	ssyncadd.s32 $0xFFFFFF80  }
0xbe: {  	_ =	swait.ge [sflag:s12], $0x80  }
0xbf: {  	[sflag:s12] =	ssyncset.done $0x0  }
0xc0: {  	[sflag:s12] =	ssyncadd.s32 $0xFFFFFF80  }
0xc1: {  	[tilespmem:s13], [sflag:$0x6] =	stream.indirect.gather [hbm4b:s3+s5], $0x80, s6, s5, $0xb8;
	[tilespmem:$0x1F700] =	vst v63  }
0xc2: {  	_ =	swait.ge [sflag:s14], $0x3C00  }
0xc3: {  	[sflag:s14] =	ssyncset.done $0x0  }
0xc4: {  	[sflag:s14] =	ssyncadd.s32 $0xFFFFC400  }
0xc5: {  	[spmem:s0] =	stream.indirect.scatter.add.f32 [tilespmem:s9], [sflag:$0x8], $0x80, s1, s5, $0xb8;
	[tilespmem:$0x1F700] =	vst v63  }
0xc6: {  	_ =	swait.ge [sflag:s15], $0x3C00  }
0xc7: {  	[sflag:s15] =	ssyncset.done $0x0  }
0xc8: {  	s22 =	simm.s32 @!p1 $0x80;
	[sflag:s15] =	ssyncadd.s32 $0xFFFFC400  }
0xc9: {  	[tilespmem:s22], [sflag:$0x2] =	stream.linear.gather @!p1 [hbm4b:s23+s25], $0x80, $0x38;
	[tilespmem:$0x1F700] =	vst v63  }
0xca: {  	s22 =	simm.s32 @!p1 $0x200;
	s23 =	simm.s32 @!p1 $0x1  }
0xcb: {  	[tilespmem:s22], [sflag:$0x2] =	stream.linear.gather @!p1 [hbm4b:s24+s25], $0x80, $0x38;
	[tilespmem:$0x1F700] =	vst v63  }
0xcc: {  	_ =	swait.ge @!p1 [sflag:s23], $0x80  }
0xcd: {  	[sflag:s23] =	ssyncset.done @!p1 $0x0  }
0xce: {  	[sflag:s23] =	ssyncadd.s32 @!p1 $0xFFFFFF80  }
0xcf: {  	_ =	swait.ge @!p1 [sflag:s23], $0x80  }
.Ltmp1:
0xd0: {  	[sflag:s23] =	ssyncset.done @!p1 $0x0;
	(pc) =	sbr.rel @p0 .LBB2_4-.Ltmp1, $4  }
0xd1: {  	s22 =	simm.s32 @!p1 $0x78;
	[sflag:s23] =	ssyncadd.s32 @!p1 $0xFFFFFF80;
	s23 =	simm.s32 @!p1 $0x300  }
0xd2: {  	[tilespmem:s23], [sflag:$0x4] =	stream.indirect.gather @!p1 [hbm4b:s3+s22], $0x80, s25, s22, $0xb8;
	[tilespmem:$0x1F700] =	vst v63  }
0xd3: {  	_ =	swait.ge [sflag:s16], $0x3C00  }
0xd4: {  	p1 =	seq.s32 s20, $0x0;
	[sflag:s16] =	ssyncset.done $0x0  }
0xd5: {  	s21 =	simm.s32 @!p1 $0x9;
	[sflag:s16] =	ssyncadd.s32 $0xFFFFC400  }
0xd6: {  	[spmem:s0] =	stream.indirect.scatter.add.f32 [tilespmem:s13], [sflag:$0x9], $0x80, s7, s5, $0xb8;
	[tilespmem:$0x1F700] =	vst v63  }
0xd7: {  	_ =	swait.ge @!p1 [sflag:s21], $0x3C00  }
0xd8: {  	s22 =	sadd.s32 s20, s18;
	[sflag:s21] =	ssyncset.done @!p1 $0x0  }
0xd9: {  	s24 =	sadd.s32 s20, s17;
	s23 =	sadd.s32 $0x20, s22;
	[sflag:s21] =	ssyncadd.s32 @!p1 $0xFFFFC400  }
0xda: {  	[tilespmem:s6], [sflag:$0x3] =	stream.linear.gather [hbm4b:s23+s2], $0x80, $0x38;
	[tilespmem:$0x1F700] =	vst v63  }
0xdb: {  	s25 =	sadd.s32 $0x20, s24  }
0xdc: {  	[tilespmem:s7], [sflag:$0x3] =	stream.linear.gather [hbm4b:s25+s2], $0x80, $0x38;
	[tilespmem:$0x1F700] =	vst v63  }
0xdd: {  	_ =	swait.ge [sflag:s8], $0x80  }
0xde: {  	[sflag:s8] =	ssyncset.done $0x0  }
0xdf: {  	[sflag:s8] =	ssyncadd.s32 $0xFFFFFF80  }
0xe0: {  	_ =	swait.ge [sflag:s8], $0x80  }
0xe1: {  	[sflag:s8] =	ssyncset.done $0x0  }
0xe2: {  	[sflag:s8] =	ssyncadd.s32 $0xFFFFFF80  }
0xe3: {  	[tilespmem:s9], [sflag:$0x5] =	stream.indirect.gather [hbm4b:s3+s5], $0x80, s11, s5, $0xb8;
	[tilespmem:$0x1F700] =	vst v63  }
0xe4: {  	_ =	swait.ge [sflag:s30], $0x3C00  }
0xe5: {  	[sflag:s30] =	ssyncset.done $0x0  }
0xe6: {  	[sflag:s30] =	ssyncadd.s32 $0xFFFFC400  }
0xe7: {  	[spmem:s0] =	stream.indirect.scatter.add.f32 [tilespmem:s29], [sflag:$0x7], $0x80, s31, s5, $0xb8;
	[tilespmem:$0x1F700] =	vst v63  }
0xe8: {  	p0 =	seq.s32 s20, $0x510;
	_ =	swait.ge [sflag:s10], $0x3C00  }
0xe9: {  	s21 =	sadd.s32 @!p0 s20, s18;
	s20 =	sadd.s32 @!p0 s20, s17;
	[sflag:s10] =	ssyncset.done $0x0  }
0xea: {  	s22 =	sadd.s32 @!p0 $0x30, s21;
	s23 =	simm.s32 @!p0 $0x0;
	[sflag:s10] =	ssyncadd.s32 $0xFFFFC400  }
0xeb: {  	[tilespmem:s23], [sflag:$0x1] =	stream.linear.gather @!p0 [hbm4b:s22+s23], $0x80, $0x38;
	[tilespmem:$0x1F700] =	vst v63  }
0xec: {  	s24 =	simm.s32 @!p0 $0x180;
	s22 =	sadd.s32 @!p0 $0x30, s20  }
0xed: {  	[tilespmem:s24], [sflag:$0x1] =	stream.linear.gather @!p0 [hbm4b:s22+s23], $0x80, $0x38;
	[tilespmem:$0x1F700] =	vst v63  }
0xee: {  	_ =	swait.ge [sflag:s12], $0x80  }
0xef: {  	[sflag:s12] =	ssyncset.done $0x0  }
0xf0: {  	[sflag:s12] =	ssyncadd.s32 $0xFFFFFF80  }
0xf1: {  	_ =	swait.ge [sflag:s12], $0x80  }
0xf2: {  	[sflag:s12] =	ssyncset.done $0x0  }
0xf3: {  	[sflag:s12] =	ssyncadd.s32 $0xFFFFFF80  }
0xf4: {  	[tilespmem:s13], [sflag:$0x6] =	stream.indirect.gather [hbm4b:s3+s5], $0x80, s6, s5, $0xb8;
	[tilespmem:$0x1F700] =	vst v63  }
0xf5: {  	_ =	swait.ge [sflag:s14], $0x3C00  }
0xf6: {  	[sflag:s14] =	ssyncset.done $0x0  }
0xf7: {  	[sflag:s14] =	ssyncadd.s32 $0xFFFFC400  }
0xf8: {  	[spmem:s0] =	stream.indirect.scatter.add.f32 [tilespmem:s9], [sflag:$0x8], $0x80, s1, s5, $0xb8;
	[tilespmem:$0x1F700] =	vst v63  }
0xf9: {  	_ =	swait.ge [sflag:s15], $0x3C00  }
0xfa: {  	[sflag:s15] =	ssyncset.done $0x0  }
0xfb: {  	s21 =	sadd.s32 @!p0 $0x40, s21;
	s22 =	simm.s32 @!p0 $0x80;
	[sflag:s15] =	ssyncadd.s32 $0xFFFFC400  }
0xfc: {  	[tilespmem:s22], [sflag:$0x2] =	stream.linear.gather @!p0 [hbm4b:s21+s23], $0x80, $0x38;
	[tilespmem:$0x1F700] =	vst v63  }
0xfd: {  	s20 =	sadd.s32 @!p0 $0x40, s20;
	s21 =	simm.s32 @!p0 $0x200  }
0xfe: {  	[tilespmem:s21], [sflag:$0x2] =	stream.linear.gather @!p0 [hbm4b:s20+s23], $0x80, $0x38;
	[tilespmem:$0x1F700] =	vst v63  }
0xff: {  	s20 =	simm.s32 @!p0 $0x1  }
0x100: {  	_ =	swait.ge @!p0 [sflag:s20], $0x80  }
0x101: {  	[sflag:s20] =	ssyncset.done @!p0 $0x0  }
0x102: {  	[sflag:s20] =	ssyncadd.s32 @!p0 $0xFFFFFF80  }
0x103: {  	_ =	swait.ge @!p0 [sflag:s20], $0x80  }
0x104: {  	[sflag:s20] =	ssyncset.done @!p0 $0x0  }
0x105: {  	s21 =	simm.s32 @!p0 $0x300;
	[sflag:s20] =	ssyncadd.s32 @!p0 $0xFFFFFF80;
	s20 =	simm.s32 @!p0 $0x78  }
0x106: {  	[tilespmem:s21], [sflag:$0x4] =	stream.indirect.gather @!p0 [hbm4b:s3+s20], $0x80, s23, s20, $0xb8;
	[tilespmem:$0x1F700] =	vst v63  }
0x107: {  	_ =	swait.ge [sflag:s16], $0x3C00  }
0x108: {  	[sflag:s16] =	ssyncset.done $0x0  }
0x109: {  	s26 =	simm.s32 $0x9;
	[sflag:s16] =	ssyncadd.s32 $0xFFFFC400  }
0x10a: {  	[spmem:s0] =	stream.indirect.scatter.add.f32 [tilespmem:s13], [sflag:$0x9], $0x80, s7, s5, $0xb8;
	[tilespmem:$0x1F700] =	vst v63  }
0x10b: {  	_ =	swait.ge [sflag:s26], $0x3C00  }
0x10c: {  	[sflag:s26] =	ssyncset.done $0x0  }
0x10d: {  	s21 =	stileid.u32;
	[sflag:s26] =	ssyncadd.s32 $0xFFFFC400  }
0x10e: {  	s20 =	sshll.u32 s21, $0x6;
	[bflag:$0x0] =	sbarrier.arrive $0xFFFF  }
0x10f: {  	s22 =	sshrl.u32 s28, $0x3;
	s20 =	sor.u32 $0x1C04, s20;
	s24 =	rddreg [dreg:$0x6]  }
0x110: {  	[hbm:s24], [sflag:s20] =	dma.local [spmem:s22], $0x500  }
0x111: {  	s24 =	rddreg [dreg:$0x11]  }
0x112: {  	s22 =	rddreg [dreg:$0x7];
	s25 =	sshrl.u32 s24, $0x3  }
0x113: {  	[hbm:s22], [sflag:s20] =	dma.local [spmem:s25], $0x500  }
0x114: {  	s25 =	rddreg [dreg:$0x12]  }
0x115: {  	s22 =	rddreg [dreg:$0x8];
	s26 =	sshrl.u32 s25, $0x3  }
0x116: {  	[hbm:s22], [sflag:s20] =	dma.local [spmem:s26], $0x500  }
0x117: {  	s26 =	rddreg [dreg:$0x13]  }
0x118: {  	s23 =	smov.u32 s28;
	s22 =	rddreg [dreg:$0x9];
	s28 =	sshrl.u32 s26, $0x3  }
0x119: {  	[hbm:s22], [sflag:s20] =	dma.local [spmem:s28], $0x500  }
0x11a: {  	s21 =	rddreg [dreg:$0x14]  }
0x11b: {  	s22 =	rddreg [dreg:$0xa];
	s21 =	sshrl.u32 s21, $0x3  }
0x11c: {  	[hbm:s22], [sflag:s20] =	dma.local [spmem:s21], $0x500  }
0x11d: {  	s21 =	rddreg [dreg:$0x15]  }
0x11e: {  	s22 =	rddreg [dreg:$0xb];
	s21 =	sshrl.u32 s21, $0x3  }
0x11f: {  	[hbm:s22], [sflag:s20] =	dma.local [spmem:s21], $0x500  }
0x120: {  	s21 =	rddreg [dreg:$0x16]  }
0x121: {  	s22 =	rddreg [dreg:$0xc];
	s21 =	sshrl.u32 s21, $0x3  }
0x122: {  	[hbm:s22], [sflag:s20] =	dma.local [spmem:s21], $0x500  }
0x123: {  	s21 =	rddreg [dreg:$0x17]  }
0x124: {  	s22 =	rddreg [dreg:$0xd];
	s21 =	sshrl.u32 s21, $0x3  }
0x125: {  	[hbm:s22], [sflag:s20] =	dma.local [spmem:s21], $0x500  }
0x126: {  	_ =	swait.ge [sflag:s30], $0x500  }
0x127: {  	[sflag:s30] =	ssyncset.done $0x0  }
0x128: {  	[sflag:s30] =	ssyncadd.s32 $0xFFFFFB00  }
0x129: {  	_ =	swait.ge [sflag:s30], $0x500  }
0x12a: {  	[sflag:s30] =	ssyncset.done $0x0  }
0x12b: {  	[sflag:s30] =	ssyncadd.s32 $0xFFFFFB00  }
0x12c: {  	_ =	swait.ge [sflag:s30], $0x500  }
0x12d: {  	[sflag:s30] =	ssyncset.done $0x0  }
0x12e: {  	[sflag:s30] =	ssyncadd.s32 $0xFFFFFB00  }
0x12f: {  	_ =	swait.ge [sflag:s30], $0x500  }
0x130: {  	[sflag:s30] =	ssyncset.done $0x0  }
0x131: {  	[sflag:s30] =	ssyncadd.s32 $0xFFFFFB00  }
0x132: {  	_ =	swait.ge [sflag:s30], $0x500  }
0x133: {  	[sflag:s30] =	ssyncset.done $0x0  }
0x134: {  	[sflag:s30] =	ssyncadd.s32 $0xFFFFFB00  }
0x135: {  	_ =	swait.ge [sflag:s30], $0x500  }
0x136: {  	[sflag:s30] =	ssyncset.done $0x0  }
0x137: {  	[sflag:s30] =	ssyncadd.s32 $0xFFFFFB00  }
0x138: {  	_ =	swait.ge [sflag:s30], $0x500  }
0x139: {  	[sflag:s30] =	ssyncset.done $0x0  }
0x13a: {  	[sflag:s30] =	ssyncadd.s32 $0xFFFFFB00  }
0x13b: {  	_ =	swait.ge [sflag:s30], $0x500  }
0x13c: {  	s19 =	sadd.s32 $0x1, s19;
	s28 =	rddreg [dreg:$0x10]  }
0x13d: {  	p0 =	sne.s32 s19, s28  }
.Ltmp2:
0x13e: {  	_ = 	snop;
	(pc) =	sbr.rel @p0 .LBB2_1-.Ltmp2, $3  }
0x13f: {  	_ =	sdelay $0x1  }
0x140: {  	[sflag:s30] =	ssyncset.done $0x0  }
0x141: {  	[sflag:s30] =	ssyncadd.s32 $0xFFFFFB00  }
0x142: {  	_ =	sfence.sel $0x180000  }
0x143: {  	[bflag:$0x0] =	sbarrier.arrive $0xFFFF  }
0x144: {  	_ =	strace $0x9000004A  }
0x145: {  	s0 =	stileid.u32;
	[bflag:$0x2] =	sbarrier.arrive $0xFFFF  }
0x146: {  	p0 =	sne.s32 s0, $0x0;
	s0 =	rddreg [dreg:$0x3]  }
0x147: {  	s0 =	sadd.s32 @!p0 $0x100000, s0  }
0x148: {  	[sflag:s0] =	ssyncadd.tile.s32 @!p0 $0x1;
	_ =	shalt  }
.Lfunc_end2:
_tile_overlayer_lowered:
.L_overlay_start_2:
0x149: {  	(tag) =	ssettag $0x2  }
0x14a: {  	s0 =	rddreg [dreg:$0x0];
	s2 =	stileid.u32  }
0x14b: {  	s1 =	rddreg [dreg:$0x1];
	p0 =	sne.s32 s2, $0x0  }
0x14c: {  	s3 =	rddreg [dreg:$0x2];
	[bflag:$0x3] =	sbarrier.arrive $0xFFFF;
	s2 =	simm.s32 @!p0 $0x1C0A  }
0x14d: {  	[timem:s3], [sflag:s2] =	dma.local @!p0 [hbm:s0], s1  }
0x14e: {  	s0 =	simm.s32 @!p0 $0xA  }
0x14f: {  	_ =	swait.ge @!p0 [sflag:s0], s1  }
0x150: {  	s1 =	ssub.s32 @!p0 $0x0, s1;
	[sflag:s0] =	ssyncset.done @!p0 $0x0  }
0x151: {  	[sflag:s0] =	ssyncadd.s32 @!p0 s1  }
0x152: {  	[bflag:$0x3] =	sbarrier.arrive $0xFFFF  }
0x153: {  	_ =	shalt  }

// kernel: kernel.14.cloned.1.call-start
scs
__scs_entry_jumppad:
0x0: {  	(pc) =	sbr.rel $0x88, $3  }
0x1: {  	(tag) =	ssettag $0x0;
	lr =	simm.s32 $0x1  }
0x2: {  	[smem:$0x3F8D] =	sst lr;
	_ =	strace $0xD0000000  }
0x3: {  	_ = 	snop  }
0x4: {  	_ = 	snop  }
0x5: {  	_ = 	snop  }
0x6: {  	_ = 	snop  }
0x7: {  	_ = 	snop  }
__scs_overlays_trampoline_lowered:
0x8: {  	[smem:$0x3F9C] =	sst s0  }
0x9: {  	[smem:$0x3F9D] =	sst s1  }
0xa: {  	[smem:$0x3F9E] =	sst s2  }
0xb: {  	[smem:$0x3F9F] =	sst s3  }
0xc: {  	[smem:$0x3FA0] =	sst s4  }
0xd: {  	[smem:$0x3FA1] =	sst s5  }
0xe: {  	[smem:$0x3FA2] =	sst s6  }
0xf: {  	[smem:$0x3FA3] =	sst s7  }
0x10: {  	[smem:$0x3FA4] =	sst s8  }
0x11: {  	[smem:$0x3FA5] =	sst s9;
	s0 =	simm.s32 @!p0 $0x0  }
0x12: {  	s1 =	sld [smem:$0x3F8B];
	s0 =	simm.s32 @p0 $0x1  }
0x13: {  	[smem:$0x3FA6] =	sst s0;
	s0 =	simm.s32 @!p1 $0x0  }
0x14: {  	s2 =	sld [smem:$0x3F8A];
	s0 =	simm.s32 @p1 $0x1  }
0x15: {  	[smem:$0x3FA7] =	sst s0;
	s0 =	simm.s32 @!p2 $0x0  }
0x16: {  	s3 =	sld [smem:$0x3FDB];
	s0 =	simm.s32 @p2 $0x1  }
0x17: {  	s4 =	simm.s32 $0x1BF5;
	[smem:$0x3FA9] =	sst s0  }
0x18: {  	s0 =	sld [smem:$0x3F8C];
	_ =	swait.ge [sflag:s4], $0x0  }
0x19: {  	s7 =	sld [smem:$0x3F8D]  }
0x1a: {  	s8 =	sadd.s32 $0xFFFFE003, lr  }
0x1b: {  	s9 =	sadd.s32 $0xFFFFFEF7, lr;
	s5 =	simm.s32 $0xFFFFFFFF;
	p2 =	slt.u32 s8, $0xFFFFF086  }
0x1c: {  	p1 =	slt.u32 s9, $0xF7A;
	s5 =	simm.s32 @!p2 $0x0  }
0x1d: {  	s5 =	simm.s32 @p1 $0x1;
	p0 =	seq.s32 s7, s2  }
0x1e: {  	s7 =	smul.u32 @!p0 $0xF7A, s2;
	p2 =	seq.s32 @!p0 s5, $0x0  }
0x1f: {  	s9 =	smul.u32 $0xF7A, s1;
	s8 =	simm.s32 @!p0 $0x1BF5;
	p2 =	por !p2, p0  }
0x20: {  	[sflag:s8] =	ssyncset.s32 @!p0 $0xFFFFF086;
	s6 =	sadd.s32 @!p0 s3, s7;
	s7 =	simm.s32 @!p0 $0x108  }
0x21: {  	s3 =	sadd.s32 s3, s9;
	s6 =	sadd.s32 @!p0 $0x88, s6;
	s7 =	simm.s32 @p2 $0x1082  }
0x22: {  	[simem:s7], [sflag:s8] =	dma.local @!p0 [hbm:s6], $0xF7A  }
0x23: {  	s9 =	sor.u32 $0xD0000000, s2;
	s6 =	simm.s32 $0x108;
	_ =	swait.ge @!p0 [sflag:s8], $0x0  }
0x24: {  	s3 =	sadd.s32 $0x88, s3;
	s6 =	simm.s32 @!p1 $0x1082;
	[sflag:s4] =	ssyncset.s32 $0xFFFFF086  }
0x25: {  	[simem:s6], [sflag:s4] =	dma.local [hbm:s3], $0xF7A  }
0x26: {  	[smem:$0x3F8D] =	sst s1;
	(tag) =	ssettag s2;
	_ =	strace s9  }
0x27: {  	s1 =	sld [smem:$0x3F9D]  }
0x28: {  	s2 =	sld [smem:$0x3F9E]  }
0x29: {  	s4 =	sld [smem:$0x3FA0]  }
0x2a: {  	p0 =	seq.s32 s5, $0x0;
	s5 =	sld [smem:$0x3FA1]  }
0x2b: {  	s6 =	sld [smem:$0x3FA2]  }
0x2c: {  	s7 =	sld [smem:$0x3FA3]  }
0x2d: {  	s3 =	simm.s32 $0x108;
	s8 =	sld [smem:$0x3FA4]  }
0x2e: {  	s3 =	simm.s32 @!p0 $0x1082;
	s9 =	sld [smem:$0x3FA5]  }
0x2f: {  	lr =	sadd.s32 s0, s3;
	s0 =	sld [smem:$0x3F9C]  }
0x30: {  	s3 =	sld [smem:$0x3F9F]  }
0x31: {  	[smem:$0x3FA8] =	sst s10  }
0x32: {  	s10 =	sld [smem:$0x3FA6];
	_ =	sdelay $0x3  }
0x33: {  	p0 =	seq.s32 s10, $0x1;
	s10 =	sld [smem:$0x3FA8];
	_ =	sdelay $0x3  }
0x34: {  	[smem:$0x3FA8] =	sst s10  }
0x35: {  	s10 =	sld [smem:$0x3FA7];
	_ =	sdelay $0x3  }
0x36: {  	p1 =	seq.s32 s10, $0x1;
	s10 =	sld [smem:$0x3FA8];
	_ =	sdelay $0x3  }
0x37: {  	[smem:$0x3FA8] =	sst s10  }
0x38: {  	s10 =	sld [smem:$0x3FA9]  }
0x39: {  	_ = 	snop;
	(pc) =	sbr.ind lr, $3  }
0x3a: {  	_ = 	snop  }
0x3b: {  	_ = 	snop  }
0x3c: {  	p2 =	seq.s32 s10, $0x1;
	s10 =	sld [smem:$0x3FA8]  }
0x3d: {  	_ =	shalt  }
0x3e: {  	_ =	shalt  }
0x3f: {  	_ =	shalt  }
0x40: {  	_ =	shalt  }
0x41: {  	_ =	shalt  }
0x42: {  	_ =	shalt  }
0x43: {  	_ =	shalt  }
0x44: {  	_ =	shalt  }
0x45: {  	_ =	shalt  }
0x46: {  	_ =	shalt  }
0x47: {  	_ =	shalt  }
0x48: {  	_ =	shalt  }
0x49: {  	_ =	shalt  }
0x4a: {  	_ =	shalt  }
0x4b: {  	_ =	shalt  }
0x4c: {  	_ =	shalt  }
0x4d: {  	_ =	shalt  }
0x4e: {  	_ =	shalt  }
0x4f: {  	_ =	shalt  }
0x50: {  	_ =	shalt  }
0x51: {  	_ =	shalt  }
0x52: {  	_ =	shalt  }
0x53: {  	_ =	shalt  }
0x54: {  	_ =	shalt  }
0x55: {  	_ =	shalt  }
0x56: {  	_ =	shalt  }
0x57: {  	_ =	shalt  }
0x58: {  	_ =	shalt  }
0x59: {  	_ =	shalt  }
0x5a: {  	_ =	shalt  }
0x5b: {  	_ =	shalt  }
0x5c: {  	_ =	shalt  }
0x5d: {  	_ =	shalt  }
0x5e: {  	_ =	shalt  }
0x5f: {  	_ =	shalt  }
0x60: {  	_ =	shalt  }
0x61: {  	_ =	shalt  }
0x62: {  	_ =	shalt  }
0x63: {  	_ =	shalt  }
0x64: {  	_ =	shalt  }
0x65: {  	_ =	shalt  }
0x66: {  	_ =	shalt  }
0x67: {  	_ =	shalt  }
0x68: {  	_ =	shalt  }
0x69: {  	_ =	shalt  }
0x6a: {  	_ =	shalt  }
0x6b: {  	_ =	shalt  }
0x6c: {  	_ =	shalt  }
0x6d: {  	_ =	shalt  }
0x6e: {  	_ =	shalt  }
0x6f: {  	_ =	shalt  }
0x70: {  	_ =	shalt  }
0x71: {  	_ =	shalt  }
0x72: {  	_ =	shalt  }
0x73: {  	_ =	shalt  }
0x74: {  	_ =	shalt  }
0x75: {  	_ =	shalt  }
0x76: {  	_ =	shalt  }
0x77: {  	_ =	shalt  }
0x78: {  	_ =	shalt  }
0x79: {  	_ =	shalt  }
0x7a: {  	_ =	shalt  }
0x7b: {  	_ =	shalt  }
0x7c: {  	_ =	shalt  }
0x7d: {  	_ =	shalt  }
0x7e: {  	_ =	shalt  }
0x7f: {  	_ =	shalt  }
0x80: {  	_ =	shalt  }
0x81: {  	_ =	shalt  }
0x82: {  	_ =	shalt  }
0x83: {  	_ =	shalt  }
0x84: {  	_ =	shalt  }
0x85: {  	_ =	shalt  }
0x86: {  	_ =	shalt  }
0x87: {  	_ =	shalt  }
.Lfunc_end0:
.L_simem_size_0:
called_computation.2_lowered:
.L_overlay_start_0:
0x88: {  	s2 =	sld [smem:$0x3FD9]  }
0x89: {  	s3 =	sld [smem:$0x3FFE];
	_ =	sdelay $0x1  }
0x8a: {  	s1 =	srdreg.scid  }
0x8b: {  	s0 =	sand.u32 $0x1, s1  }
0x8c: {  	s14 =	sshll.u32 s0, $0xA;
	s2 =	sadd.s32 s3, s2  }
0x8d: {  	s2 =	sadd.s32 s2, s14  }
0x8e: {  	[smem:$0x3FB4] =	sst s2  }
0x8f: {  	_ = 	snop  }
0x90: {  	s2 =	sld [smem:$0x3FD0];
	_ =	sdelay $0x2  }
0x91: {  	s15 =	simm.s32 $0xA;
	s4 =	simm.s32 $0x10  }
0x92: {  	[smem:s4], [sflag:s15] =	dma.local [hbm:s2], $0x1  }
0x93: {  	_ =	swait.eq [sflag:s15], $0x1  }
0x94: {  	[sflag:s15] =	ssyncset.done $0x0  }
0x95: {  	[sflag:s15] =	ssyncadd.s32 $0xFFFFFFFF  }
0x96: {  	s16 =	sld [smem:$0x10];
	(tm) =	ssettm $0x1  }
0x97: {  	s17 =	sld [smem:$0x3FFB];
	_ =	sdelay $0x3  }
0x98: {  	_ =	strace s17  }
0x99: {  	s3 =	sld [smem:$0x3FFC];
	_ =	sdelay $0x3  }
0x9a: {  	_ =	strace s3  }
0x9b: {  	s3 =	sld [smem:$0x3FFD];
	_ =	sdelay $0x3  }
0x9c: {  	_ =	strace s3  }
0x9d: {  	_ =	strace $0x8FFFFFFF  }
0x9e: {  	s18 =	sld [smem:$0x3FDB];
	_ =	sdelay $0x1  }
0x9f: {  	s19 =	simm.s32 $_scs_section_size  }
0xa0: {  	s5 =	simm.s32 $_size__tile_overlayer_lowered;
	s6 =	simm.s32 $_tile_overlayer_lowered  }
0xa1: {  	s22 =	simm.s32 $0x1BFF;
	s21 =	sshll.u32 s6, $0x1;
	s3 =	sadd.s32 s19, s18  }
0xa2: {  	s7 =	simm.s32 $0x0;
	s20 =	sshll.u32 s5, $0x1;
	s5 =	sadd.s32 s21, s3  }
0xa3: {  	[timem:s7], [sflag:s22] =	dma.local [hbm:s5], s20  }
0xa4: {  	_ =	swait.ge [sflag:s22], s20  }
0xa5: {  	s4 =	ssub.s32 $0x0, s20;
	[sflag:s22] =	ssyncset.done $0x0  }
0xa6: {  	[sflag:s22] =	ssyncadd.s32 s4;
	_ =	sdelay $0x1  }
0xa7: {  	s23 =	simm.s32 $0x1B8B  }
0xa8: {  	_ =	swait.ge [sflag:s23], $0x1  }
0xa9: {  	[sflag:s23] =	ssyncset.done $0x0  }
0xaa: {  	s25 =	simm.s32 $0x1B8E;
	s24 =	sld [smem:$0x3FFE];
	[sflag:s23] =	ssyncadd.s32 $0xFFFFFFFF  }
0xab: {  	s26 =	simm.s32 $execute0_lowered;
	[smem:$0x3FD2] =	sst s25  }
0xac: {  	s5 =	sshll.u32 s26, $0x1;
	_ =	strace $0x8000004C;
	[dreg:$0x1] =	wrdreg $0xFFFFFFFF  }
0xad: {  	s28 =	simm.s32 $_size_execute0_lowered;
	s3 =	sadd.s32 s3, s5;
	[dreg:$0x0] =	wrdreg $0x0  }
0xae: {  	s5 =	sshll.u32 s28, $0x1;
	[dreg:$0x2] =	wrdreg s3  }
0xaf: {  	[dreg:$0x3] =	wrdreg s5  }
0xb0: {  	[dreg:$0x4] =	wrdreg $0xC0  }
0xb1: {  	_ =	task [dreg:s7], $0x5FFFF  }
0xb2: {  	[dreg:$0x1] =	wrdreg $0xFFFFFFFF  }
0xb3: {  	[dreg:$0x0] =	wrdreg $0x60  }
0xb4: {  	[dreg:$0x2] =	wrdreg s24  }
0xb5: {  	[dreg:$0x3] =	wrdreg s16  }
0xb6: {  	[dreg:$0x4] =	wrdreg $0xB7000  }
0xb7: {  	[dreg:$0x5] =	wrdreg $0x9  }
0xb8: {  	_ =	task.clear_ibuf [dreg:s7], $0x6FFFF;
	_ =	strace $0x9000004C  }
0xb9: {  	s29 =	simm.s32 $0x9;
	_ =	strace $0x8000004E  }
0xba: {  	_ =	swait.ge [sflag:s29], $0x1  }
0xbb: {  	[sflag:s29] =	ssyncadd.s32 $0xFFFFFFFF  }
0xbc: {  	_ =	strace $0x9000004E  }
0xbd: {  	_ =	sfence  }
0xbe: {  	s30 =	sld [smem:$0x0];
	_ =	sdelay $0x2  }
0xbf: {  	s31 =	sshll.u32 s1, $0xD;
	s1 =	sshrl.u32 s1, $0x2  }
0xc0: {  	s3 =	sand.u32 $0x4000, s31;
	s1 =	sadd.s32 s1, s30  }
0xc1: {  	s0 =	sor.u32 s3, s0;
	s1 =	sshll.u32 s1, $0x11  }
0xc2: {  	s0 =	sor.u32 s1, s0  }
0xc3: {  	s0 =	sadd.s32 $0x8F2B, s0  }
0xc4: {  	[sflag:s0] =	ssyncadd.remote.s32 $0x1  }
0xc5: {  	_ =	sfence.sel $0xFFFF  }
0xc6: {  	[dreg:$0x0] =	wrdreg $0xFFFFFFFF;
	(pc) =	sbr.abs _section_cstart, $3  }
0xc7: {  	[dreg:$0x1] =	wrdreg $0xFFFFFFFF  }
0xc8: {  	_ =	task.clear_ibuf [dreg:s7], $0x2FFFF;
	_ =	strace $0x9FFFFFFF  }
0xc9: {  	(tm) =	ssettm $0x7FFFFFFF  }
tec
execute0_lowered:
.L_overlay_start_1:
0x0: {  	(tag) =	ssettag $0x1  }
0x1: {  	s1 =	rddreg [dreg:$0x0]  }
0x2: {  	s4 =	rddreg [dreg:$0x1]  }
0x3: {  	s0 =	rddreg [dreg:$0x2];
	s2 =	simm.s32 $0x0;
	s6 =	srdreg.scid  }
0x4: {  	s23 =	stileid.u32;
	s29 =	simm.s32 $0x300;
	s30 =	simm.s32 $0x4  }
0x5: {  	s31 =	simm.s32 $0x180;
	[smem:$0x7FF] =	sst s2;
	s5 =	sadd.s32 $0xF800, s1  }
0x6: {  	s3 =	sadd.s32 $0x36A00, s1;
	s6 =	sand.u32 $0x1, s6;
	s7 =	smul.u32 $0x2A00, s23  }
0x7: {  	s8 =	sadd.s32 $0x5000, s1;
	s9 =	sadd.s32 $0xA400, s1;
	s24 =	smul.u32 $0x280, s23  }
0x8: {  	s1 =	sadd.s32 $0x5DC00, s1;
	s17 =	smul.u32 $0x2800, s23;
	s10 =	ssub.s32 $0x2, s6  }
0x9: {  	p0 =	seq.s32 s6, $0x0;
	s11 =	sshrl.u32 s10, $0x1;
	s7 =	sshrl.u32 s7, $0x3  }
0xa: {  	s6 =	sor.u32 $0x50, s24;
	s13 =	sadd.s32 $0xF0, s24;
	s14 =	sadd.s32 $0x140, s24  }
0xb: {  	s15 =	sadd.s32 $0x190, s24;
	s16 =	sadd.s32 $0x1E0, s24;
	s1 =	smov.u32 @p0 s4  }
0xc: {  	s3 =	smov.u32 @p0 s5;
	s10 =	ssub.s32 s10, s11;
	s12 =	sadd.s32 s8, s7  }
0xd: {  	s25 =	sadd.s32 s9, s7;
	s7 =	sor.u32 $0x10, s7;
	s11 =	sadd.s32 $0x230, s24  }
0xe: {  	s18 =	sshll.u32 s6, $0x4;
	s20 =	sshll.u32 s13, $0x4;
	s21 =	sshll.u32 s14, $0x4  }
0xf: {  	s22 =	sshll.u32 s15, $0x4;
	s26 =	sshll.u32 s16, $0x4;
	[dreg:$0x4] =	wrdreg s12  }
0x10: {  	s17 =	sadd.s32 s1, s17;
	s13 =	sshll.u32 s13, $0x7;
	[dreg:$0x5] =	wrdreg s25  }
0x11: {  	s14 =	sshll.u32 s14, $0x7;
	[dreg:$0x6] =	wrdreg s17;
	s18 =	sadd.s32 s1, s18  }
0x12: {  	s12 =	sadd.s32 $0xA0, s24;
	s20 =	sadd.s32 s1, s20;
	[dreg:$0x7] =	wrdreg s18  }
0x13: {  	s28 =	sshll.u32 s11, $0x4;
	s24 =	sadd.s32 s1, s21;
	[dreg:$0x9] =	wrdreg s20  }
0x14: {  	s25 =	sadd.s32 s1, s22;
	s4 =	sadd.s32 s1, s26;
	[dreg:$0xa] =	wrdreg s24  }
0x15: {  	s26 =	sadd.s32 s8, s7;
	s5 =	sadd.s32 s9, s7;
	[dreg:$0xb] =	wrdreg s25  }
0x16: {  	s7 =	smul.u32 $0x50000, s23;
	s21 =	sshll.u32 s16, $0x7;
	[dreg:$0xc] =	wrdreg s4  }
0x17: {  	s22 =	sshll.u32 s11, $0x7;
	s11 =	simm.s32 $0x80;
	[dreg:$0xe] =	wrdreg s26  }
0x18: {  	s16 =	simm.s32 $0x6;
	s19 =	sshll.u32 s12, $0x4;
	[dreg:$0xf] =	wrdreg s5  }
0x19: {  	s12 =	sshll.u32 s12, $0x7;
	s26 =	sadd.s32 s13, s0;
	s20 =	sshll.u32 s15, $0x7  }
0x1a: {  	s4 =	simm.s32 $0x1;
	s5 =	simm.s32 $0x78;
	s13 =	simm.s32 $0x7B00  }
0x1b: {  	s15 =	simm.s32 $0x8;
	s19 =	sadd.s32 s1, s19;
	s1 =	sadd.s32 s1, s28  }
0x1c: {  	s28 =	smul.u32 $0x540, s23;
	s25 =	sadd.s32 s12, s0;
	[dreg:$0x8] =	wrdreg s19  }
0x1d: {  	s12 =	simm.s32 $0x3;
	[dreg:$0xd] =	wrdreg s1;
	s19 =	sadd.s32 s14, s0  }
0x1e: {  	s1 =	sadd.s32 s20, s0;
	s14 =	simm.s32 $0x5;
	s17 =	sadd.s32 s28, s9  }
0x1f: {  	s18 =	sadd.s32 s28, s8;
	_ =	strace $0x8000004D;
	[dreg:$0x14] =	wrdreg s19  }
0x20: {  	s8 =	smax.u32 s10, $0x1;
	s9 =	sshrl.u32 s7, $0x2;
	[dreg:$0x15] =	wrdreg s1  }
0x21: {  	s10 =	sshll.u32 s6, $0x7;
	s1 =	sadd.s32 s21, s0;
	[dreg:$0x12] =	wrdreg s25  }
0x22: {  	s28 =	sadd.s32 s22, s0;
	s6 =	simm.s32 $0x100;
	[dreg:$0x13] =	wrdreg s26  }
0x23: {  	s7 =	simm.s32 $0x280;
	s19 =	simm.s32 $0x0;
	[dreg:$0x10] =	wrdreg s8  }
0x24: {  	s23 =	sadd.s32 s9, s0;
	s24 =	sadd.s32 s10, s0;
	[dreg:$0x16] =	wrdreg s1  }
0x25: {  	[dreg:$0x17] =	wrdreg s28;
	s1 =	simm.s32 $0x200;
	s8 =	simm.s32 $0x2  }
0x26: {  	v0 =	vimm.f32 $0.0e+00;
	s9 =	simm.s32 $0x3F00;
	s10 =	simm.s32 $0x7;
	[dreg:$0x11] =	wrdreg s24  }
.LBB2_1:
0x27: {  	s20 =	simm.s32 $0x70;
	s21 =	simm.s32 $0x3C0  }
.LBB2_2:
0x28: {  	p0 =	sne.s32 s21, $0x9FC0;
	[tilespmem:s20+$0x300] =	vst v0  }
0x29: {  	[tilespmem:s20+$0x290] =	vst v0  }
0x2a: {  	[tilespmem:s20+$0x2A0] =	vst v0  }
.Ltmp0:
0x2b: {  	[tilespmem:s20+$0x2B0] =	vst v0;
	(pc) =	sbr.rel @p0 .LBB2_2-.Ltmp0, $4  }
0x2c: {  	[tilespmem:s20+$0x2C0] =	vst v0  }
0x2d: {  	[tilespmem:s20+$0x2D0] =	vst v0  }
0x2e: {  	[tilespmem:s20+$0x2E0] =	vst v0  }
0x2f: {  	[tilespmem:s20+$0x2F0] =	vst v0;
	s20 =	sshra.s32 s21, $0x2;
	s21 =	sadd.s32 $0x200, s21  }
0x30: {  	[tilespmem:s20+$0x300] =	vst v0  }
0x31: {  	[tilespmem:s20+$0x290] =	vst v0  }
0x32: {  	[tilespmem:s20+$0x2A0] =	vst v0  }
0x33: {  	[tilespmem:s20+$0x2B0] =	vst v0  }
0x34: {  	[tilespmem:s20+$0x2C0] =	vst v0  }
0x35: {  	[tilespmem:s20+$0x2D0] =	vst v0  }
0x36: {  	[tilespmem:s20+$0x2E0] =	vst v0  }
0x37: {  	[tilespmem:s20+$0x2F0] =	vst v0  }
0x38: {  	[spmem:s23] =	stream.linear.scatter [tilespmem:s29], [sflag:$0x4], $0x2800, $0x38;
	[tilespmem:$0x1F700] =	vst v63  }
0x39: {  	_ = 	snop  }
0x3a: {  	[spmem:s24] =	stream.linear.scatter [tilespmem:s29], [sflag:$0x4], $0x2800, $0x38;
	[tilespmem:$0x1F700] =	vst v63  }
0x3b: {  	_ = 	snop  }
0x3c: {  	[spmem:s25] =	stream.linear.scatter [tilespmem:s29], [sflag:$0x4], $0x2800, $0x38;
	[tilespmem:$0x1F700] =	vst v63  }
0x3d: {  	_ = 	snop  }
0x3e: {  	[spmem:s26] =	stream.linear.scatter [tilespmem:s29], [sflag:$0x4], $0x2800, $0x38;
	[tilespmem:$0x1F700] =	vst v63  }
0x3f: {  	s26 =	rddreg [dreg:$0x14]  }
0x40: {  	[spmem:s26] =	stream.linear.scatter [tilespmem:s29], [sflag:$0x4], $0x2800, $0x38;
	[tilespmem:$0x1F700] =	vst v63  }
0x41: {  	s21 =	rddreg [dreg:$0x15]  }
0x42: {  	[spmem:s21] =	stream.linear.scatter [tilespmem:s29], [sflag:$0x4], $0x2800, $0x38;
	[tilespmem:$0x1F700] =	vst v63  }
0x43: {  	s22 =	rddreg [dreg:$0x16]  }
0x44: {  	[spmem:s22] =	stream.linear.scatter [tilespmem:s29], [sflag:$0x4], $0x2800, $0x38;
	[tilespmem:$0x1F700] =	vst v63  }
0x45: {  	s28 =	smov.u32 s23;
	s23 =	rddreg [dreg:$0x17]  }
0x46: {  	[spmem:s23] =	stream.linear.scatter [tilespmem:s29], [sflag:$0x4], $0x2800, $0x38;
	[tilespmem:$0x1F700] =	vst v63  }
0x47: {  	_ =	swait.ge [sflag:s30], $0x2800  }
0x48: {  	[sflag:s30] =	ssyncset.done $0x0  }
0x49: {  	[sflag:s30] =	ssyncadd.s32 $0xFFFFD800  }
0x4a: {  	_ =	swait.ge [sflag:s30], $0x2800  }
0x4b: {  	[sflag:s30] =	ssyncset.done $0x0  }
0x4c: {  	[sflag:s30] =	ssyncadd.s32 $0xFFFFD800  }
0x4d: {  	_ =	swait.ge [sflag:s30], $0x2800  }
0x4e: {  	[sflag:s30] =	ssyncset.done $0x0  }
0x4f: {  	[sflag:s30] =	ssyncadd.s32 $0xFFFFD800  }
0x50: {  	_ =	swait.ge [sflag:s30], $0x2800  }
0x51: {  	[sflag:s30] =	ssyncset.done $0x0  }
0x52: {  	[sflag:s30] =	ssyncadd.s32 $0xFFFFD800  }
0x53: {  	_ =	swait.ge [sflag:s30], $0x2800  }
0x54: {  	[sflag:s30] =	ssyncset.done $0x0  }
0x55: {  	[sflag:s30] =	ssyncadd.s32 $0xFFFFD800  }
0x56: {  	_ =	swait.ge [sflag:s30], $0x2800  }
0x57: {  	[sflag:s30] =	ssyncset.done $0x0  }
0x58: {  	[sflag:s30] =	ssyncadd.s32 $0xFFFFD800  }
0x59: {  	_ =	swait.ge [sflag:s30], $0x2800  }
0x5a: {  	[sflag:s30] =	ssyncset.done $0x0  }
0x5b: {  	[sflag:s30] =	ssyncadd.s32 $0xFFFFD800  }
0x5c: {  	_ =	swait.ge [sflag:s30], $0x2800  }
0x5d: {  	[sflag:s30] =	ssyncset.done $0x0  }
0x5e: {  	[sflag:s30] =	ssyncadd.s32 $0xFFFFD800  }
0x5f: {  	[bflag:$0x0] =	sbarrier.arrive $0xFFFF  }
0x60: {  	s24 =	simm.s32 $0x0;
	s21 =	rddreg [dreg:$0x4]  }
0x61: {  	[tilespmem:s24], [sflag:$0x1] =	stream.linear.gather [hbm4b:s21+s24], $0x80, $0x38;
	[tilespmem:$0x1F700] =	vst v63  }
0x62: {  	s25 =	rddreg [dreg:$0x5]  }
0x63: {  	[tilespmem:s31], [sflag:$0x1] =	stream.linear.gather [hbm4b:s25+s24], $0x80, $0x38;
	[tilespmem:$0x1F700] =	vst v63  }
0x64: {  	s26 =	rddreg [dreg:$0xe]  }
0x65: {  	[tilespmem:s11], [sflag:$0x2] =	stream.linear.gather [hbm4b:s26+s24], $0x80, $0x38;
	[tilespmem:$0x1F700] =	vst v63  }
0x66: {  	s22 =	rddreg [dreg:$0xf]  }
0x67: {  	[tilespmem:s1], [sflag:$0x2] =	stream.linear.gather [hbm4b:s22+s24], $0x80, $0x38;
	[tilespmem:$0x1F700] =	vst v63  }
0x68: {  	_ =	swait.ge [sflag:s4], $0x80  }
0x69: {  	[sflag:s4] =	ssyncset.done $0x0  }
0x6a: {  	[sflag:s4] =	ssyncadd.s32 $0xFFFFFF80  }
0x6b: {  	_ =	swait.ge [sflag:s4], $0x80  }
0x6c: {  	p0 =	por $0x1, $0x1;
	[sflag:s4] =	ssyncset.done $0x0  }
0x6d: {  	s20 =	simm.s32 @!p0 $0x9;
	[sflag:s4] =	ssyncadd.s32 $0xFFFFFF80  }
0x6e: {  	[tilespmem:s29], [sflag:$0x4] =	stream.indirect.gather [hbm4b:s3+s5], $0x80, s24, s5, $0xb8;
	[tilespmem:$0x1F700] =	vst v63  }
0x6f: {  	_ =	swait.ge @!p0 [sflag:s20], $0x3C00  }
0x70: {  	s23 =	sadd.s32 $0x0, s18;
	[sflag:s20] =	ssyncset.done @!p0 $0x0  }
0x71: {  	s25 =	sadd.s32 $0x0, s17;
	s24 =	sadd.s32 $0x20, s23;
	[sflag:s20] =	ssyncadd.s32 @!p0 $0xFFFFC400  }
0x72: {  	[tilespmem:s6], [sflag:$0x3] =	stream.linear.gather [hbm4b:s24+s2], $0x80, $0x38;
	[tilespmem:$0x1F700] =	vst v63  }
0x73: {  	s26 =	sadd.s32 $0x20, s25  }
0x74: {  	[tilespmem:s7], [sflag:$0x3] =	stream.linear.gather [hbm4b:s26+s2], $0x80, $0x38;
	[tilespmem:$0x1F700] =	vst v63  }
0x75: {  	_ =	swait.ge [sflag:s8], $0x80  }
0x76: {  	[sflag:s8] =	ssyncset.done $0x0  }
0x77: {  	[sflag:s8] =	ssyncadd.s32 $0xFFFFFF80  }
0x78: {  	_ =	swait.ge [sflag:s8], $0x80  }
0x79: {  	[sflag:s8] =	ssyncset.done $0x0  }
0x7a: {  	[sflag:s8] =	ssyncadd.s32 $0xFFFFFF80  }
0x7b: {  	[tilespmem:s9], [sflag:$0x5] =	stream.indirect.gather [hbm4b:s3+s5], $0x80, s11, s5, $0xb8;
	[tilespmem:$0x1F700] =	vst v63  }
0x7c: {  	_ =	swait.ge [sflag:s30], $0x3C00  }
0x7d: {  	[sflag:s30] =	ssyncset.done $0x0  }
0x7e: {  	[sflag:s30] =	ssyncadd.s32 $0xFFFFC400  }
0x7f: {  	[spmem:s0] =	stream.indirect.scatter.add.f32 [tilespmem:s29], [sflag:$0x7], $0x80, s31, s5, $0xb8;
	[tilespmem:$0x1F700] =	vst v63  }
0x80: {  	p0 =	por $0x0, $0x0;
	_ =	swait.ge [sflag:s10], $0x3C00  }
0x81: {  	s20 =	sadd.s32 @!p0 $0x0, s18;
	s21 =	sadd.s32 @!p0 $0x0, s17;
	[sflag:s10] =	ssyncset.done $0x0  }
0x82: {  	s23 =	simm.s32 @!p0 $0x0;
	s22 =	sadd.s32 @!p0 $0x30, s20;
	[sflag:s10] =	ssyncadd.s32 $0xFFFFC400  }
0x83: {  	[tilespmem:s23], [sflag:$0x1] =	stream.linear.gather @!p0 [hbm4b:s22+s23], $0x80, $0x38;
	[tilespmem:$0x1F700] =	vst v63  }
0x84: {  	s24 =	simm.s32 @!p0 $0x180;
	s22 =	sadd.s32 @!p0 $0x30, s21  }
0x85: {  	[tilespmem:s24], [sflag:$0x1] =	stream.linear.gather @!p0 [hbm4b:s22+s23], $0x80, $0x38;
	[tilespmem:$0x1F700] =	vst v63  }
0x86: {  	_ =	swait.ge [sflag:s12], $0x80  }
0x87: {  	[sflag:s12] =	ssyncset.done $0x0  }
0x88: {  	[sflag:s12] =	ssyncadd.s32 $0xFFFFFF80  }
0x89: {  	_ =	swait.ge [sflag:s12], $0x80  }
0x8a: {  	[sflag:s12] =	ssyncset.done $0x0  }
0x8b: {  	[sflag:s12] =	ssyncadd.s32 $0xFFFFFF80  }
0x8c: {  	[tilespmem:s13], [sflag:$0x6] =	stream.indirect.gather [hbm4b:s3+s5], $0x80, s6, s5, $0xb8;
	[tilespmem:$0x1F700] =	vst v63  }
0x8d: {  	_ =	swait.ge [sflag:s14], $0x3C00  }
0x8e: {  	[sflag:s14] =	ssyncset.done $0x0  }
0x8f: {  	[sflag:s14] =	ssyncadd.s32 $0xFFFFC400  }
0x90: {  	[spmem:s0] =	stream.indirect.scatter.add.f32 [tilespmem:s9], [sflag:$0x8], $0x80, s1, s5, $0xb8;
	[tilespmem:$0x1F700] =	vst v63  }
0x91: {  	_ =	swait.ge [sflag:s15], $0x3C00  }
0x92: {  	[sflag:s15] =	ssyncset.done $0x0  }
0x93: {  	s20 =	sadd.s32 @!p0 $0x40, s20;
	s22 =	simm.s32 @!p0 $0x80;
	[sflag:s15] =	ssyncadd.s32 $0xFFFFC400  }
0x94: {  	[tilespmem:s22], [sflag:$0x2] =	stream.linear.gather @!p0 [hbm4b:s20+s23], $0x80, $0x38;
	[tilespmem:$0x1F700] =	vst v63  }
0x95: {  	s20 =	sadd.s32 @!p0 $0x40, s21;
	s21 =	simm.s32 @!p0 $0x200  }
0x96: {  	[tilespmem:s21], [sflag:$0x2] =	stream.linear.gather @!p0 [hbm4b:s20+s23], $0x80, $0x38;
	[tilespmem:$0x1F700] =	vst v63  }
0x97: {  	s20 =	simm.s32 @!p0 $0x1  }
0x98: {  	_ =	swait.ge @!p0 [sflag:s20], $0x80  }
0x99: {  	[sflag:s20] =	ssyncset.done @!p0 $0x0  }
0x9a: {  	[sflag:s20] =	ssyncadd.s32 @!p0 $0xFFFFFF80  }
0x9b: {  	_ =	swait.ge @!p0 [sflag:s20], $0x80  }
0x9c: {  	[sflag:s20] =	ssyncset.done @!p0 $0x0  }
0x9d: {  	s21 =	simm.s32 @!p0 $0x300;
	[sflag:s20] =	ssyncadd.s32 @!p0 $0xFFFFFF80;
	s20 =	simm.s32 @!p0 $0x78  }
0x9e: {  	[tilespmem:s21], [sflag:$0x4] =	stream.indirect.gather @!p0 [hbm4b:s3+s20], $0x80, s23, s20, $0xb8;
	[tilespmem:$0x1F700] =	vst v63  }
0x9f: {  	p1 =	por $0x0, $0x0;
	_ =	swait.ge [sflag:s16], $0x3C00  }
0xa0: {  	s20 =	simm.s32 $0x30;
	s21 =	simm.s32 $0x60;
	[sflag:s16] =	ssyncset.done $0x0  }
.LBB2_4:
0xa1: {  	s23 =	simm.s32 @!p1 $0x9  }
0xa2: {  	[sflag:s16] =	ssyncadd.s32 $0xFFFFC400;
	s22 =	smov.u32 s21;
	s21 =	sadd.s32 $0x30, s21  }
0xa3: {  	[spmem:s0] =	stream.indirect.scatter.add.f32 [tilespmem:s13], [sflag:$0x9], $0x80, s7, s5, $0xb8;
	[tilespmem:$0x1F700] =	vst v63  }
0xa4: {  	p0 =	sne.s32 s21, $0x540;
	_ =	swait.ge @!p1 [sflag:s23], $0x3C00  }
0xa5: {  	s24 =	sadd.s32 s20, s18;
	[sflag:s23] =	ssyncset.done @!p1 $0x0  }
0xa6: {  	[sflag:s23] =	ssyncadd.s32 @!p1 $0xFFFFC400;
	s23 =	sadd.s32 $0x20, s24;
	s24 =	sadd.s32 s20, s17  }
0xa7: {  	[tilespmem:s6], [sflag:$0x3] =	stream.linear.gather [hbm4b:s23+s2], $0x80, $0x38;
	[tilespmem:$0x1F700] =	vst v63  }
0xa8: {  	s23 =	sadd.s32 $0x20, s24  }
0xa9: {  	[tilespmem:s7], [sflag:$0x3] =	stream.linear.gather [hbm4b:s23+s2], $0x80, $0x38;
	[tilespmem:$0x1F700] =	vst v63  }
0xaa: {  	_ =	swait.ge [sflag:s8], $0x80  }
0xab: {  	[sflag:s8] =	ssyncset.done $0x0  }
0xac: {  	[sflag:s8] =	ssyncadd.s32 $0xFFFFFF80  }
0xad: {  	_ =	swait.ge [sflag:s8], $0x80  }
0xae: {  	[sflag:s8] =	ssyncset.done $0x0  }
0xaf: {  	[sflag:s8] =	ssyncadd.s32 $0xFFFFFF80  }
0xb0: {  	[tilespmem:s9], [sflag:$0x5] =	stream.indirect.gather [hbm4b:s3+s5], $0x80, s11, s5, $0xb8;
	[tilespmem:$0x1F700] =	vst v63  }
0xb1: {  	_ =	swait.ge [sflag:s30], $0x3C00  }
0xb2: {  	[sflag:s30] =	ssyncset.done $0x0  }
0xb3: {  	[sflag:s30] =	ssyncadd.s32 $0xFFFFC400  }
0xb4: {  	[spmem:s0] =	stream.indirect.scatter.add.f32 [tilespmem:s29], [sflag:$0x7], $0x80, s31, s5, $0xb8;
	[tilespmem:$0x1F700] =	vst v63  }
0xb5: {  	p1 =	seq.s32 s20, $0x510;
	_ =	swait.ge [sflag:s10], $0x3C00  }
0xb6: {  	s23 =	sadd.s32 @!p1 s20, s18;
	s20 =	sadd.s32 @!p1 s20, s17;
	[sflag:s10] =	ssyncset.done $0x0  }
0xb7: {  	s25 =	simm.s32 @!p1 $0x0;
	s24 =	sadd.s32 @!p1 $0x30, s23;
	[sflag:s10] =	ssyncadd.s32 $0xFFFFC400  }
0xb8: {  	[tilespmem:s25], [sflag:$0x1] =	stream.linear.gather @!p1 [hbm4b:s24+s25], $0x80, $0x38;
	[tilespmem:$0x1F700] =	vst v63  }
0xb9: {  	s26 =	simm.s32 @!p1 $0x180;
	s23 =	sadd.s32 @!p1 $0x40, s23;
	s24 =	sadd.s32 @!p1 $0x30, s20  }
0xba: {  	[tilespmem:s26], [sflag:$0x1] =	stream.linear.gather @!p1 [hbm4b:s24+s25], $0x80, $0x38;
	[tilespmem:$0x1F700] =	vst v63  }
0xbb: {  	s24 =	sadd.s32 @!p1 $0x40, s20;
	s20 =	smov.u32 s22;
	_ =	swait.ge [sflag:s12], $0x80  }
0xbc: {  	[sflag:s12] =	ssyncset.done $0x0  }
0xbd: {  	[sflag:s12] =	ssyncadd.s32 $0xFFFFFF80  }
0xbe: {  	_ =	swait.ge [sflag:s12], $0x80  }
0xbf: {  	[sflag:s12] =	ssyncset.done $0x0  }
0xc0: {  	[sflag:s12] =	ssyncadd.s32 $0xFFFFFF80  }
0xc1: {  	[tilespmem:s13], [sflag:$0x6] =	stream.indirect.gather [hbm4b:s3+s5], $0x80, s6, s5, $0xb8;
	[tilespmem:$0x1F700] =	vst v63  }
0xc2: {  	_ =	swait.ge [sflag:s14], $0x3C00  }
0xc3: {  	[sflag:s14] =	ssyncset.done $0x0  }
0xc4: {  	[sflag:s14] =	ssyncadd.s32 $0xFFFFC400  }
0xc5: {  	[spmem:s0] =	stream.indirect.scatter.add.f32 [tilespmem:s9], [sflag:$0x8], $0x80, s1, s5, $0xb8;
	[tilespmem:$0x1F700] =	vst v63  }
0xc6: {  	_ =	swait.ge [sflag:s15], $0x3C00  }
0xc7: {  	[sflag:s15] =	ssyncset.done $0x0  }
0xc8: {  	s22 =	simm.s32 @!p1 $0x80;
	[sflag:s15] =	ssyncadd.s32 $0xFFFFC400  }
0xc9: {  	[tilespmem:s22], [sflag:$0x2] =	stream.linear.gather @!p1 [hbm4b:s23+s25], $0x80, $0x38;
	[tilespmem:$0x1F700] =	vst v63  }
0xca: {  	s22 =	simm.s32 @!p1 $0x200;
	s23 =	simm.s32 @!p1 $0x1  }
0xcb: {  	[tilespmem:s22], [sflag:$0x2] =	stream.linear.gather @!p1 [hbm4b:s24+s25], $0x80, $0x38;
	[tilespmem:$0x1F700] =	vst v63  }
0xcc: {  	_ =	swait.ge @!p1 [sflag:s23], $0x80  }
0xcd: {  	[sflag:s23] =	ssyncset.done @!p1 $0x0  }
0xce: {  	[sflag:s23] =	ssyncadd.s32 @!p1 $0xFFFFFF80  }
0xcf: {  	_ =	swait.ge @!p1 [sflag:s23], $0x80  }
.Ltmp1:
0xd0: {  	[sflag:s23] =	ssyncset.done @!p1 $0x0;
	(pc) =	sbr.rel @p0 .LBB2_4-.Ltmp1, $4  }
0xd1: {  	s22 =	simm.s32 @!p1 $0x78;
	[sflag:s23] =	ssyncadd.s32 @!p1 $0xFFFFFF80;
	s23 =	simm.s32 @!p1 $0x300  }
0xd2: {  	[tilespmem:s23], [sflag:$0x4] =	stream.indirect.gather @!p1 [hbm4b:s3+s22], $0x80, s25, s22, $0xb8;
	[tilespmem:$0x1F700] =	vst v63  }
0xd3: {  	_ =	swait.ge [sflag:s16], $0x3C00  }
0xd4: {  	p1 =	seq.s32 s20, $0x0;
	[sflag:s16] =	ssyncset.done $0x0  }
0xd5: {  	s21 =	simm.s32 @!p1 $0x9;
	[sflag:s16] =	ssyncadd.s32 $0xFFFFC400  }
0xd6: {  	[spmem:s0] =	stream.indirect.scatter.add.f32 [tilespmem:s13], [sflag:$0x9], $0x80, s7, s5, $0xb8;
	[tilespmem:$0x1F700] =	vst v63  }
0xd7: {  	_ =	swait.ge @!p1 [sflag:s21], $0x3C00  }
0xd8: {  	s22 =	sadd.s32 s20, s18;
	[sflag:s21] =	ssyncset.done @!p1 $0x0  }
0xd9: {  	s24 =	sadd.s32 s20, s17;
	s23 =	sadd.s32 $0x20, s22;
	[sflag:s21] =	ssyncadd.s32 @!p1 $0xFFFFC400  }
0xda: {  	[tilespmem:s6], [sflag:$0x3] =	stream.linear.gather [hbm4b:s23+s2], $0x80, $0x38;
	[tilespmem:$0x1F700] =	vst v63  }
0xdb: {  	s25 =	sadd.s32 $0x20, s24  }
0xdc: {  	[tilespmem:s7], [sflag:$0x3] =	stream.linear.gather [hbm4b:s25+s2], $0x80, $0x38;
	[tilespmem:$0x1F700] =	vst v63  }
0xdd: {  	_ =	swait.ge [sflag:s8], $0x80  }
0xde: {  	[sflag:s8] =	ssyncset.done $0x0  }
0xdf: {  	[sflag:s8] =	ssyncadd.s32 $0xFFFFFF80  }
0xe0: {  	_ =	swait.ge [sflag:s8], $0x80  }
0xe1: {  	[sflag:s8] =	ssyncset.done $0x0  }
0xe2: {  	[sflag:s8] =	ssyncadd.s32 $0xFFFFFF80  }
0xe3: {  	[tilespmem:s9], [sflag:$0x5] =	stream.indirect.gather [hbm4b:s3+s5], $0x80, s11, s5, $0xb8;
	[tilespmem:$0x1F700] =	vst v63  }
0xe4: {  	_ =	swait.ge [sflag:s30], $0x3C00  }
0xe5: {  	[sflag:s30] =	ssyncset.done $0x0  }
0xe6: {  	[sflag:s30] =	ssyncadd.s32 $0xFFFFC400  }
0xe7: {  	[spmem:s0] =	stream.indirect.scatter.add.f32 [tilespmem:s29], [sflag:$0x7], $0x80, s31, s5, $0xb8;
	[tilespmem:$0x1F700] =	vst v63  }
0xe8: {  	p0 =	seq.s32 s20, $0x510;
	_ =	swait.ge [sflag:s10], $0x3C00  }
0xe9: {  	s21 =	sadd.s32 @!p0 s20, s18;
	s20 =	sadd.s32 @!p0 s20, s17;
	[sflag:s10] =	ssyncset.done $0x0  }
0xea: {  	s22 =	sadd.s32 @!p0 $0x30, s21;
	s23 =	simm.s32 @!p0 $0x0;
	[sflag:s10] =	ssyncadd.s32 $0xFFFFC400  }
0xeb: {  	[tilespmem:s23], [sflag:$0x1] =	stream.linear.gather @!p0 [hbm4b:s22+s23], $0x80, $0x38;
	[tilespmem:$0x1F700] =	vst v63  }
0xec: {  	s24 =	simm.s32 @!p0 $0x180;
	s22 =	sadd.s32 @!p0 $0x30, s20  }
0xed: {  	[tilespmem:s24], [sflag:$0x1] =	stream.linear.gather @!p0 [hbm4b:s22+s23], $0x80, $0x38;
	[tilespmem:$0x1F700] =	vst v63  }
0xee: {  	_ =	swait.ge [sflag:s12], $0x80  }
0xef: {  	[sflag:s12] =	ssyncset.done $0x0  }
0xf0: {  	[sflag:s12] =	ssyncadd.s32 $0xFFFFFF80  }
0xf1: {  	_ =	swait.ge [sflag:s12], $0x80  }
0xf2: {  	[sflag:s12] =	ssyncset.done $0x0  }
0xf3: {  	[sflag:s12] =	ssyncadd.s32 $0xFFFFFF80  }
0xf4: {  	[tilespmem:s13], [sflag:$0x6] =	stream.indirect.gather [hbm4b:s3+s5], $0x80, s6, s5, $0xb8;
	[tilespmem:$0x1F700] =	vst v63  }
0xf5: {  	_ =	swait.ge [sflag:s14], $0x3C00  }
0xf6: {  	[sflag:s14] =	ssyncset.done $0x0  }
0xf7: {  	[sflag:s14] =	ssyncadd.s32 $0xFFFFC400  }
0xf8: {  	[spmem:s0] =	stream.indirect.scatter.add.f32 [tilespmem:s9], [sflag:$0x8], $0x80, s1, s5, $0xb8;
	[tilespmem:$0x1F700] =	vst v63  }
0xf9: {  	_ =	swait.ge [sflag:s15], $0x3C00  }
0xfa: {  	[sflag:s15] =	ssyncset.done $0x0  }
0xfb: {  	s21 =	sadd.s32 @!p0 $0x40, s21;
	s22 =	simm.s32 @!p0 $0x80;
	[sflag:s15] =	ssyncadd.s32 $0xFFFFC400  }
0xfc: {  	[tilespmem:s22], [sflag:$0x2] =	stream.linear.gather @!p0 [hbm4b:s21+s23], $0x80, $0x38;
	[tilespmem:$0x1F700] =	vst v63  }
0xfd: {  	s20 =	sadd.s32 @!p0 $0x40, s20;
	s21 =	simm.s32 @!p0 $0x200  }
0xfe: {  	[tilespmem:s21], [sflag:$0x2] =	stream.linear.gather @!p0 [hbm4b:s20+s23], $0x80, $0x38;
	[tilespmem:$0x1F700] =	vst v63  }
0xff: {  	s20 =	simm.s32 @!p0 $0x1  }
0x100: {  	_ =	swait.ge @!p0 [sflag:s20], $0x80  }
0x101: {  	[sflag:s20] =	ssyncset.done @!p0 $0x0  }
0x102: {  	[sflag:s20] =	ssyncadd.s32 @!p0 $0xFFFFFF80  }
0x103: {  	_ =	swait.ge @!p0 [sflag:s20], $0x80  }
0x104: {  	[sflag:s20] =	ssyncset.done @!p0 $0x0  }
0x105: {  	s21 =	simm.s32 @!p0 $0x300;
	[sflag:s20] =	ssyncadd.s32 @!p0 $0xFFFFFF80;
	s20 =	simm.s32 @!p0 $0x78  }
0x106: {  	[tilespmem:s21], [sflag:$0x4] =	stream.indirect.gather @!p0 [hbm4b:s3+s20], $0x80, s23, s20, $0xb8;
	[tilespmem:$0x1F700] =	vst v63  }
0x107: {  	_ =	swait.ge [sflag:s16], $0x3C00  }
0x108: {  	[sflag:s16] =	ssyncset.done $0x0  }
0x109: {  	s26 =	simm.s32 $0x9;
	[sflag:s16] =	ssyncadd.s32 $0xFFFFC400  }
0x10a: {  	[spmem:s0] =	stream.indirect.scatter.add.f32 [tilespmem:s13], [sflag:$0x9], $0x80, s7, s5, $0xb8;
	[tilespmem:$0x1F700] =	vst v63  }
0x10b: {  	_ =	swait.ge [sflag:s26], $0x3C00  }
0x10c: {  	[sflag:s26] =	ssyncset.done $0x0  }
0x10d: {  	s21 =	stileid.u32;
	[sflag:s26] =	ssyncadd.s32 $0xFFFFC400  }
0x10e: {  	s20 =	sshll.u32 s21, $0x6;
	[bflag:$0x0] =	sbarrier.arrive $0xFFFF  }
0x10f: {  	s22 =	sshrl.u32 s28, $0x3;
	s20 =	sor.u32 $0x1C04, s20;
	s24 =	rddreg [dreg:$0x6]  }
0x110: {  	[hbm:s24], [sflag:s20] =	dma.local [spmem:s22], $0x500  }
0x111: {  	s24 =	rddreg [dreg:$0x11]  }
0x112: {  	s22 =	rddreg [dreg:$0x7];
	s25 =	sshrl.u32 s24, $0x3  }
0x113: {  	[hbm:s22], [sflag:s20] =	dma.local [spmem:s25], $0x500  }
0x114: {  	s25 =	rddreg [dreg:$0x12]  }
0x115: {  	s22 =	rddreg [dreg:$0x8];
	s26 =	sshrl.u32 s25, $0x3  }
0x116: {  	[hbm:s22], [sflag:s20] =	dma.local [spmem:s26], $0x500  }
0x117: {  	s26 =	rddreg [dreg:$0x13]  }
0x118: {  	s23 =	smov.u32 s28;
	s22 =	rddreg [dreg:$0x9];
	s28 =	sshrl.u32 s26, $0x3  }
0x119: {  	[hbm:s22], [sflag:s20] =	dma.local [spmem:s28], $0x500  }
0x11a: {  	s21 =	rddreg [dreg:$0x14]  }
0x11b: {  	s22 =	rddreg [dreg:$0xa];
	s21 =	sshrl.u32 s21, $0x3  }
0x11c: {  	[hbm:s22], [sflag:s20] =	dma.local [spmem:s21], $0x500  }
0x11d: {  	s21 =	rddreg [dreg:$0x15]  }
0x11e: {  	s22 =	rddreg [dreg:$0xb];
	s21 =	sshrl.u32 s21, $0x3  }
0x11f: {  	[hbm:s22], [sflag:s20] =	dma.local [spmem:s21], $0x500  }
0x120: {  	s21 =	rddreg [dreg:$0x16]  }
0x121: {  	s22 =	rddreg [dreg:$0xc];
	s21 =	sshrl.u32 s21, $0x3  }
0x122: {  	[hbm:s22], [sflag:s20] =	dma.local [spmem:s21], $0x500  }
0x123: {  	s21 =	rddreg [dreg:$0x17]  }
0x124: {  	s22 =	rddreg [dreg:$0xd];
	s21 =	sshrl.u32 s21, $0x3  }
0x125: {  	[hbm:s22], [sflag:s20] =	dma.local [spmem:s21], $0x500  }
0x126: {  	_ =	swait.ge [sflag:s30], $0x500  }
0x127: {  	[sflag:s30] =	ssyncset.done $0x0  }
0x128: {  	[sflag:s30] =	ssyncadd.s32 $0xFFFFFB00  }
0x129: {  	_ =	swait.ge [sflag:s30], $0x500  }
0x12a: {  	[sflag:s30] =	ssyncset.done $0x0  }
0x12b: {  	[sflag:s30] =	ssyncadd.s32 $0xFFFFFB00  }
0x12c: {  	_ =	swait.ge [sflag:s30], $0x500  }
0x12d: {  	[sflag:s30] =	ssyncset.done $0x0  }
0x12e: {  	[sflag:s30] =	ssyncadd.s32 $0xFFFFFB00  }
0x12f: {  	_ =	swait.ge [sflag:s30], $0x500  }
0x130: {  	[sflag:s30] =	ssyncset.done $0x0  }
0x131: {  	[sflag:s30] =	ssyncadd.s32 $0xFFFFFB00  }
0x132: {  	_ =	swait.ge [sflag:s30], $0x500  }
0x133: {  	[sflag:s30] =	ssyncset.done $0x0  }
0x134: {  	[sflag:s30] =	ssyncadd.s32 $0xFFFFFB00  }
0x135: {  	_ =	swait.ge [sflag:s30], $0x500  }
0x136: {  	[sflag:s30] =	ssyncset.done $0x0  }
0x137: {  	[sflag:s30] =	ssyncadd.s32 $0xFFFFFB00  }
0x138: {  	_ =	swait.ge [sflag:s30], $0x500  }
0x139: {  	[sflag:s30] =	ssyncset.done $0x0  }
0x13a: {  	[sflag:s30] =	ssyncadd.s32 $0xFFFFFB00  }
0x13b: {  	_ =	swait.ge [sflag:s30], $0x500  }
0x13c: {  	s19 =	sadd.s32 $0x1, s19;
	s28 =	rddreg [dreg:$0x10]  }
0x13d: {  	p0 =	sne.s32 s19, s28  }
.Ltmp2:
0x13e: {  	_ = 	snop;
	(pc) =	sbr.rel @p0 .LBB2_1-.Ltmp2, $3  }
0x13f: {  	_ =	sdelay $0x1  }
0x140: {  	[sflag:s30] =	ssyncset.done $0x0  }
0x141: {  	[sflag:s30] =	ssyncadd.s32 $0xFFFFFB00  }
0x142: {  	_ =	sfence.sel $0x180000  }
0x143: {  	[bflag:$0x0] =	sbarrier.arrive $0xFFFF  }
0x144: {  	_ =	strace $0x9000004D  }
0x145: {  	s0 =	stileid.u32;
	[bflag:$0x2] =	sbarrier.arrive $0xFFFF  }
0x146: {  	p0 =	sne.s32 s0, $0x0;
	s0 =	rddreg [dreg:$0x3]  }
0x147: {  	s0 =	sadd.s32 @!p0 $0x100000, s0  }
0x148: {  	[sflag:s0] =	ssyncadd.tile.s32 @!p0 $0x1;
	_ =	shalt  }
.Lfunc_end2:
_tile_overlayer_lowered:
.L_overlay_start_2:
0x149: {  	(tag) =	ssettag $0x2  }
0x14a: {  	s0 =	rddreg [dreg:$0x0];
	s2 =	stileid.u32  }
0x14b: {  	s1 =	rddreg [dreg:$0x1];
	p0 =	sne.s32 s2, $0x0  }
0x14c: {  	s3 =	rddreg [dreg:$0x2];
	[bflag:$0x3] =	sbarrier.arrive $0xFFFF;
	s2 =	simm.s32 @!p0 $0x1C0A  }
0x14d: {  	[timem:s3], [sflag:s2] =	dma.local @!p0 [hbm:s0], s1  }
0x14e: {  	s0 =	simm.s32 @!p0 $0xA  }
0x14f: {  	_ =	swait.ge @!p0 [sflag:s0], s1  }
0x150: {  	s1 =	ssub.s32 @!p0 $0x0, s1;
	[sflag:s0] =	ssyncset.done @!p0 $0x0  }
0x151: {  	[sflag:s0] =	ssyncadd.s32 @!p0 s1  }
0x152: {  	[bflag:$0x3] =	sbarrier.arrive $0xFFFF  }
0x153: {  	_ =	shalt  }

// kernel: kernel.8.cloned.1.call-start
scs
__scs_entry_jumppad:
0x0: {  	(pc) =	sbr.rel $0x88, $3  }
0x1: {  	(tag) =	ssettag $0x0;
	lr =	simm.s32 $0x1  }
0x2: {  	[smem:$0x3F8D] =	sst lr;
	_ =	strace $0xD0000000  }
0x3: {  	_ = 	snop  }
0x4: {  	_ = 	snop  }
0x5: {  	_ = 	snop  }
0x6: {  	_ = 	snop  }
0x7: {  	_ = 	snop  }
__scs_overlays_trampoline_lowered:
0x8: {  	[smem:$0x3F9C] =	sst s0  }
0x9: {  	[smem:$0x3F9D] =	sst s1  }
0xa: {  	[smem:$0x3F9E] =	sst s2  }
0xb: {  	[smem:$0x3F9F] =	sst s3  }
0xc: {  	[smem:$0x3FA0] =	sst s4  }
0xd: {  	[smem:$0x3FA1] =	sst s5  }
0xe: {  	[smem:$0x3FA2] =	sst s6  }
0xf: {  	[smem:$0x3FA3] =	sst s7  }
0x10: {  	[smem:$0x3FA4] =	sst s8  }
0x11: {  	[smem:$0x3FA5] =	sst s9;
	s0 =	simm.s32 @!p0 $0x0  }
0x12: {  	s1 =	sld [smem:$0x3F8B];
	s0 =	simm.s32 @p0 $0x1  }
0x13: {  	[smem:$0x3FA6] =	sst s0;
	s0 =	simm.s32 @!p1 $0x0  }
0x14: {  	s2 =	sld [smem:$0x3F8A];
	s0 =	simm.s32 @p1 $0x1  }
0x15: {  	[smem:$0x3FA7] =	sst s0;
	s0 =	simm.s32 @!p2 $0x0  }
0x16: {  	s3 =	sld [smem:$0x3FDB];
	s0 =	simm.s32 @p2 $0x1  }
0x17: {  	s4 =	simm.s32 $0x1BF5;
	[smem:$0x3FA9] =	sst s0  }
0x18: {  	s0 =	sld [smem:$0x3F8C];
	_ =	swait.ge [sflag:s4], $0x0  }
0x19: {  	s7 =	sld [smem:$0x3F8D]  }
0x1a: {  	s8 =	sadd.s32 $0xFFFFE003, lr  }
0x1b: {  	s9 =	sadd.s32 $0xFFFFFEF7, lr;
	s5 =	simm.s32 $0xFFFFFFFF;
	p2 =	slt.u32 s8, $0xFFFFF086  }
0x1c: {  	p1 =	slt.u32 s9, $0xF7A;
	s5 =	simm.s32 @!p2 $0x0  }
0x1d: {  	s5 =	simm.s32 @p1 $0x1;
	p0 =	seq.s32 s7, s2  }
0x1e: {  	s7 =	smul.u32 @!p0 $0xF7A, s2;
	p2 =	seq.s32 @!p0 s5, $0x0  }
0x1f: {  	s9 =	smul.u32 $0xF7A, s1;
	s8 =	simm.s32 @!p0 $0x1BF5;
	p2 =	por !p2, p0  }
0x20: {  	[sflag:s8] =	ssyncset.s32 @!p0 $0xFFFFF086;
	s6 =	sadd.s32 @!p0 s3, s7;
	s7 =	simm.s32 @!p0 $0x108  }
0x21: {  	s3 =	sadd.s32 s3, s9;
	s6 =	sadd.s32 @!p0 $0x88, s6;
	s7 =	simm.s32 @p2 $0x1082  }
0x22: {  	[simem:s7], [sflag:s8] =	dma.local @!p0 [hbm:s6], $0xF7A  }
0x23: {  	s9 =	sor.u32 $0xD0000000, s2;
	s6 =	simm.s32 $0x108;
	_ =	swait.ge @!p0 [sflag:s8], $0x0  }
0x24: {  	s3 =	sadd.s32 $0x88, s3;
	s6 =	simm.s32 @!p1 $0x1082;
	[sflag:s4] =	ssyncset.s32 $0xFFFFF086  }
0x25: {  	[simem:s6], [sflag:s4] =	dma.local [hbm:s3], $0xF7A  }
0x26: {  	[smem:$0x3F8D] =	sst s1;
	(tag) =	ssettag s2;
	_ =	strace s9  }
0x27: {  	s1 =	sld [smem:$0x3F9D]  }
0x28: {  	s2 =	sld [smem:$0x3F9E]  }
0x29: {  	s4 =	sld [smem:$0x3FA0]  }
0x2a: {  	p0 =	seq.s32 s5, $0x0;
	s5 =	sld [smem:$0x3FA1]  }
0x2b: {  	s6 =	sld [smem:$0x3FA2]  }
0x2c: {  	s7 =	sld [smem:$0x3FA3]  }
0x2d: {  	s3 =	simm.s32 $0x108;
	s8 =	sld [smem:$0x3FA4]  }
0x2e: {  	s3 =	simm.s32 @!p0 $0x1082;
	s9 =	sld [smem:$0x3FA5]  }
0x2f: {  	lr =	sadd.s32 s0, s3;
	s0 =	sld [smem:$0x3F9C]  }
0x30: {  	s3 =	sld [smem:$0x3F9F]  }
0x31: {  	[smem:$0x3FA8] =	sst s10  }
0x32: {  	s10 =	sld [smem:$0x3FA6];
	_ =	sdelay $0x3  }
0x33: {  	p0 =	seq.s32 s10, $0x1;
	s10 =	sld [smem:$0x3FA8];
	_ =	sdelay $0x3  }
0x34: {  	[smem:$0x3FA8] =	sst s10  }
0x35: {  	s10 =	sld [smem:$0x3FA7];
	_ =	sdelay $0x3  }
0x36: {  	p1 =	seq.s32 s10, $0x1;
	s10 =	sld [smem:$0x3FA8];
	_ =	sdelay $0x3  }
0x37: {  	[smem:$0x3FA8] =	sst s10  }
0x38: {  	s10 =	sld [smem:$0x3FA9]  }
0x39: {  	_ = 	snop;
	(pc) =	sbr.ind lr, $3  }
0x3a: {  	_ = 	snop  }
0x3b: {  	_ = 	snop  }
0x3c: {  	p2 =	seq.s32 s10, $0x1;
	s10 =	sld [smem:$0x3FA8]  }
0x3d: {  	_ =	shalt  }
0x3e: {  	_ =	shalt  }
0x3f: {  	_ =	shalt  }
0x40: {  	_ =	shalt  }
0x41: {  	_ =	shalt  }
0x42: {  	_ =	shalt  }
0x43: {  	_ =	shalt  }
0x44: {  	_ =	shalt  }
0x45: {  	_ =	shalt  }
0x46: {  	_ =	shalt  }
0x47: {  	_ =	shalt  }
0x48: {  	_ =	shalt  }
0x49: {  	_ =	shalt  }
0x4a: {  	_ =	shalt  }
0x4b: {  	_ =	shalt  }
0x4c: {  	_ =	shalt  }
0x4d: {  	_ =	shalt  }
0x4e: {  	_ =	shalt  }
0x4f: {  	_ =	shalt  }
0x50: {  	_ =	shalt  }
0x51: {  	_ =	shalt  }
0x52: {  	_ =	shalt  }
0x53: {  	_ =	shalt  }
0x54: {  	_ =	shalt  }
0x55: {  	_ =	shalt  }
0x56: {  	_ =	shalt  }
0x57: {  	_ =	shalt  }
0x58: {  	_ =	shalt  }
0x59: {  	_ =	shalt  }
0x5a: {  	_ =	shalt  }
0x5b: {  	_ =	shalt  }
0x5c: {  	_ =	shalt  }
0x5d: {  	_ =	shalt  }
0x5e: {  	_ =	shalt  }
0x5f: {  	_ =	shalt  }
0x60: {  	_ =	shalt  }
0x61: {  	_ =	shalt  }
0x62: {  	_ =	shalt  }
0x63: {  	_ =	shalt  }
0x64: {  	_ =	shalt  }
0x65: {  	_ =	shalt  }
0x66: {  	_ =	shalt  }
0x67: {  	_ =	shalt  }
0x68: {  	_ =	shalt  }
0x69: {  	_ =	shalt  }
0x6a: {  	_ =	shalt  }
0x6b: {  	_ =	shalt  }
0x6c: {  	_ =	shalt  }
0x6d: {  	_ =	shalt  }
0x6e: {  	_ =	shalt  }
0x6f: {  	_ =	shalt  }
0x70: {  	_ =	shalt  }
0x71: {  	_ =	shalt  }
0x72: {  	_ =	shalt  }
0x73: {  	_ =	shalt  }
0x74: {  	_ =	shalt  }
0x75: {  	_ =	shalt  }
0x76: {  	_ =	shalt  }
0x77: {  	_ =	shalt  }
0x78: {  	_ =	shalt  }
0x79: {  	_ =	shalt  }
0x7a: {  	_ =	shalt  }
0x7b: {  	_ =	shalt  }
0x7c: {  	_ =	shalt  }
0x7d: {  	_ =	shalt  }
0x7e: {  	_ =	shalt  }
0x7f: {  	_ =	shalt  }
0x80: {  	_ =	shalt  }
0x81: {  	_ =	shalt  }
0x82: {  	_ =	shalt  }
0x83: {  	_ =	shalt  }
0x84: {  	_ =	shalt  }
0x85: {  	_ =	shalt  }
0x86: {  	_ =	shalt  }
0x87: {  	_ =	shalt  }
.Lfunc_end0:
.L_simem_size_0:
called_computation_lowered:
.L_overlay_start_0:
0x88: {  	s2 =	sld [smem:$0x3FD9]  }
0x89: {  	s3 =	sld [smem:$0x3FFE];
	_ =	sdelay $0x1  }
0x8a: {  	s1 =	srdreg.scid  }
0x8b: {  	s0 =	sand.u32 $0x1, s1  }
0x8c: {  	s14 =	sshll.u32 s0, $0xA;
	s2 =	sadd.s32 s3, s2  }
0x8d: {  	s2 =	sadd.s32 s2, s14  }
0x8e: {  	[smem:$0x3FB4] =	sst s2  }
0x8f: {  	_ = 	snop  }
0x90: {  	s2 =	sld [smem:$0x3FD0];
	_ =	sdelay $0x2  }
0x91: {  	s15 =	simm.s32 $0xA;
	s4 =	simm.s32 $0x10  }
0x92: {  	[smem:s4], [sflag:s15] =	dma.local [hbm:s2], $0x1  }
0x93: {  	_ =	swait.eq [sflag:s15], $0x1  }
0x94: {  	[sflag:s15] =	ssyncset.done $0x0  }
0x95: {  	[sflag:s15] =	ssyncadd.s32 $0xFFFFFFFF  }
0x96: {  	s16 =	sld [smem:$0x10];
	(tm) =	ssettm $0x1  }
0x97: {  	s17 =	sld [smem:$0x3FFB];
	_ =	sdelay $0x3  }
0x98: {  	_ =	strace s17  }
0x99: {  	s3 =	sld [smem:$0x3FFC];
	_ =	sdelay $0x3  }
0x9a: {  	_ =	strace s3  }
0x9b: {  	s3 =	sld [smem:$0x3FFD];
	_ =	sdelay $0x3  }
0x9c: {  	_ =	strace s3  }
0x9d: {  	_ =	strace $0x8FFFFFFF  }
0x9e: {  	s18 =	sld [smem:$0x3FDB];
	_ =	sdelay $0x1  }
0x9f: {  	s19 =	simm.s32 $_scs_section_size  }
0xa0: {  	s5 =	simm.s32 $_size__tile_overlayer_lowered;
	s6 =	simm.s32 $_tile_overlayer_lowered  }
0xa1: {  	s22 =	simm.s32 $0x1BFF;
	s21 =	sshll.u32 s6, $0x1;
	s3 =	sadd.s32 s19, s18  }
0xa2: {  	s7 =	simm.s32 $0x0;
	s20 =	sshll.u32 s5, $0x1;
	s5 =	sadd.s32 s21, s3  }
0xa3: {  	[timem:s7], [sflag:s22] =	dma.local [hbm:s5], s20  }
0xa4: {  	_ =	swait.ge [sflag:s22], s20  }
0xa5: {  	s4 =	ssub.s32 $0x0, s20;
	[sflag:s22] =	ssyncset.done $0x0  }
0xa6: {  	[sflag:s22] =	ssyncadd.s32 s4;
	_ =	sdelay $0x1  }
0xa7: {  	s23 =	simm.s32 $0x1B8B  }
0xa8: {  	_ =	swait.ge [sflag:s23], $0x1  }
0xa9: {  	[sflag:s23] =	ssyncset.done $0x0  }
0xaa: {  	s25 =	simm.s32 $0x1B8E;
	s24 =	sld [smem:$0x3FFE];
	[sflag:s23] =	ssyncadd.s32 $0xFFFFFFFF  }
0xab: {  	s26 =	simm.s32 $execute0_lowered;
	[smem:$0x3FD2] =	sst s25  }
0xac: {  	s5 =	sshll.u32 s26, $0x1;
	_ =	strace $0x80000046;
	[dreg:$0x1] =	wrdreg $0xFFFFFFFF  }
0xad: {  	s28 =	simm.s32 $_size_execute0_lowered;
	s3 =	sadd.s32 s3, s5;
	[dreg:$0x0] =	wrdreg $0x0  }
0xae: {  	s5 =	sshll.u32 s28, $0x1;
	[dreg:$0x2] =	wrdreg s3  }
0xaf: {  	[dreg:$0x3] =	wrdreg s5  }
0xb0: {  	[dreg:$0x4] =	wrdreg $0xC0  }
0xb1: {  	_ =	task [dreg:s7], $0x5FFFF  }
0xb2: {  	[dreg:$0x1] =	wrdreg $0xFFFFFFFF  }
0xb3: {  	[dreg:$0x0] =	wrdreg $0x60  }
0xb4: {  	[dreg:$0x2] =	wrdreg s24  }
0xb5: {  	[dreg:$0x3] =	wrdreg s16  }
0xb6: {  	[dreg:$0x4] =	wrdreg $0xB7000  }
0xb7: {  	[dreg:$0x5] =	wrdreg $0x9  }
0xb8: {  	_ =	task.clear_ibuf [dreg:s7], $0x6FFFF;
	_ =	strace $0x90000046  }
0xb9: {  	s29 =	simm.s32 $0x9;
	_ =	strace $0x80000048  }
0xba: {  	_ =	swait.ge [sflag:s29], $0x1  }
0xbb: {  	[sflag:s29] =	ssyncadd.s32 $0xFFFFFFFF  }
0xbc: {  	_ =	strace $0x90000048  }
0xbd: {  	_ =	sfence  }
0xbe: {  	s30 =	sld [smem:$0x0];
	_ =	sdelay $0x2  }
0xbf: {  	s31 =	sshll.u32 s1, $0xD;
	s1 =	sshrl.u32 s1, $0x2  }
0xc0: {  	s3 =	sand.u32 $0x4000, s31;
	s1 =	sadd.s32 s1, s30  }
0xc1: {  	s0 =	sor.u32 s3, s0;
	s1 =	sshll.u32 s1, $0x11  }
0xc2: {  	s0 =	sor.u32 s1, s0  }
0xc3: {  	s0 =	sadd.s32 $0x8F2B, s0  }
0xc4: {  	[sflag:s0] =	ssyncadd.remote.s32 $0x1  }
0xc5: {  	_ =	sfence.sel $0xFFFF  }
0xc6: {  	[dreg:$0x0] =	wrdreg $0xFFFFFFFF;
	(pc) =	sbr.abs _section_cstart, $3  }
0xc7: {  	[dreg:$0x1] =	wrdreg $0xFFFFFFFF  }
0xc8: {  	_ =	task.clear_ibuf [dreg:s7], $0x2FFFF;
	_ =	strace $0x9FFFFFFF  }
0xc9: {  	(tm) =	ssettm $0x7FFFFFFF  }
tec
execute0_lowered:
.L_overlay_start_1:
0x0: {  	(tag) =	ssettag $0x1  }
0x1: {  	s1 =	rddreg [dreg:$0x0]  }
0x2: {  	s4 =	rddreg [dreg:$0x1]  }
0x3: {  	s0 =	rddreg [dreg:$0x2];
	s2 =	simm.s32 $0x0;
	s6 =	srdreg.scid  }
0x4: {  	s23 =	stileid.u32;
	s29 =	simm.s32 $0x300;
	s30 =	simm.s32 $0x4  }
0x5: {  	s31 =	simm.s32 $0x180;
	[smem:$0x7FF] =	sst s2;
	s5 =	sadd.s32 $0xF800, s1  }
0x6: {  	s3 =	sadd.s32 $0x36A00, s1;
	s6 =	sand.u32 $0x1, s6;
	s7 =	smul.u32 $0x2A00, s23  }
0x7: {  	s8 =	sadd.s32 $0x5000, s1;
	s9 =	sadd.s32 $0xA400, s1;
	s24 =	smul.u32 $0x280, s23  }
0x8: {  	s1 =	sadd.s32 $0x5DC00, s1;
	s17 =	smul.u32 $0x2800, s23;
	s10 =	ssub.s32 $0x2, s6  }
0x9: {  	p0 =	seq.s32 s6, $0x0;
	s11 =	sshrl.u32 s10, $0x1;
	s7 =	sshrl.u32 s7, $0x3  }
0xa: {  	s6 =	sor.u32 $0x50, s24;
	s13 =	sadd.s32 $0xF0, s24;
	s14 =	sadd.s32 $0x140, s24  }
0xb: {  	s15 =	sadd.s32 $0x190, s24;
	s16 =	sadd.s32 $0x1E0, s24;
	s1 =	smov.u32 @p0 s4  }
0xc: {  	s3 =	smov.u32 @p0 s5;
	s10 =	ssub.s32 s10, s11;
	s12 =	sadd.s32 s8, s7  }
0xd: {  	s25 =	sadd.s32 s9, s7;
	s7 =	sor.u32 $0x10, s7;
	s11 =	sadd.s32 $0x230, s24  }
0xe: {  	s18 =	sshll.u32 s6, $0x4;
	s20 =	sshll.u32 s13, $0x4;
	s21 =	sshll.u32 s14, $0x4  }
0xf: {  	s22 =	sshll.u32 s15, $0x4;
	s26 =	sshll.u32 s16, $0x4;
	[dreg:$0x4] =	wrdreg s12  }
0x10: {  	s17 =	sadd.s32 s1, s17;
	s13 =	sshll.u32 s13, $0x7;
	[dreg:$0x5] =	wrdreg s25  }
0x11: {  	s14 =	sshll.u32 s14, $0x7;
	[dreg:$0x6] =	wrdreg s17;
	s18 =	sadd.s32 s1, s18  }
0x12: {  	s12 =	sadd.s32 $0xA0, s24;
	s20 =	sadd.s32 s1, s20;
	[dreg:$0x7] =	wrdreg s18  }
0x13: {  	s28 =	sshll.u32 s11, $0x4;
	s24 =	sadd.s32 s1, s21;
	[dreg:$0x9] =	wrdreg s20  }
0x14: {  	s25 =	sadd.s32 s1, s22;
	s4 =	sadd.s32 s1, s26;
	[dreg:$0xa] =	wrdreg s24  }
0x15: {  	s26 =	sadd.s32 s8, s7;
	s5 =	sadd.s32 s9, s7;
	[dreg:$0xb] =	wrdreg s25  }
0x16: {  	s7 =	smul.u32 $0x50000, s23;
	s21 =	sshll.u32 s16, $0x7;
	[dreg:$0xc] =	wrdreg s4  }
0x17: {  	s22 =	sshll.u32 s11, $0x7;
	s11 =	simm.s32 $0x80;
	[dreg:$0xe] =	wrdreg s26  }
0x18: {  	s16 =	simm.s32 $0x6;
	s19 =	sshll.u32 s12, $0x4;
	[dreg:$0xf] =	wrdreg s5  }
0x19: {  	s12 =	sshll.u32 s12, $0x7;
	s26 =	sadd.s32 s13, s0;
	s20 =	sshll.u32 s15, $0x7  }
0x1a: {  	s4 =	simm.s32 $0x1;
	s5 =	simm.s32 $0x78;
	s13 =	simm.s32 $0x7B00  }
0x1b: {  	s15 =	simm.s32 $0x8;
	s19 =	sadd.s32 s1, s19;
	s1 =	sadd.s32 s1, s28  }
0x1c: {  	s28 =	smul.u32 $0x540, s23;
	s25 =	sadd.s32 s12, s0;
	[dreg:$0x8] =	wrdreg s19  }
0x1d: {  	s12 =	simm.s32 $0x3;
	[dreg:$0xd] =	wrdreg s1;
	s19 =	sadd.s32 s14, s0  }
0x1e: {  	s1 =	sadd.s32 s20, s0;
	s14 =	simm.s32 $0x5;
	s17 =	sadd.s32 s28, s9  }
0x1f: {  	s18 =	sadd.s32 s28, s8;
	_ =	strace $0x80000047;
	[dreg:$0x14] =	wrdreg s19  }
0x20: {  	s8 =	smax.u32 s10, $0x1;
	s9 =	sshrl.u32 s7, $0x2;
	[dreg:$0x15] =	wrdreg s1  }
0x21: {  	s10 =	sshll.u32 s6, $0x7;
	s1 =	sadd.s32 s21, s0;
	[dreg:$0x12] =	wrdreg s25  }
0x22: {  	s28 =	sadd.s32 s22, s0;
	s6 =	simm.s32 $0x100;
	[dreg:$0x13] =	wrdreg s26  }
0x23: {  	s7 =	simm.s32 $0x280;
	s19 =	simm.s32 $0x0;
	[dreg:$0x10] =	wrdreg s8  }
0x24: {  	s23 =	sadd.s32 s9, s0;
	s24 =	sadd.s32 s10, s0;
	[dreg:$0x16] =	wrdreg s1  }
0x25: {  	[dreg:$0x17] =	wrdreg s28;
	s1 =	simm.s32 $0x200;
	s8 =	simm.s32 $0x2  }
0x26: {  	v0 =	vimm.f32 $0.0e+00;
	s9 =	simm.s32 $0x3F00;
	s10 =	simm.s32 $0x7;
	[dreg:$0x11] =	wrdreg s24  }
.LBB2_1:
0x27: {  	s20 =	simm.s32 $0x70;
	s21 =	simm.s32 $0x3C0  }
.LBB2_2:
0x28: {  	p0 =	sne.s32 s21, $0x9FC0;
	[tilespmem:s20+$0x300] =	vst v0  }
0x29: {  	[tilespmem:s20+$0x290] =	vst v0  }
0x2a: {  	[tilespmem:s20+$0x2A0] =	vst v0  }
.Ltmp0:
0x2b: {  	[tilespmem:s20+$0x2B0] =	vst v0;
	(pc) =	sbr.rel @p0 .LBB2_2-.Ltmp0, $4  }
0x2c: {  	[tilespmem:s20+$0x2C0] =	vst v0  }
0x2d: {  	[tilespmem:s20+$0x2D0] =	vst v0  }
0x2e: {  	[tilespmem:s20+$0x2E0] =	vst v0  }
0x2f: {  	[tilespmem:s20+$0x2F0] =	vst v0;
	s20 =	sshra.s32 s21, $0x2;
	s21 =	sadd.s32 $0x200, s21  }
0x30: {  	[tilespmem:s20+$0x300] =	vst v0  }
0x31: {  	[tilespmem:s20+$0x290] =	vst v0  }
0x32: {  	[tilespmem:s20+$0x2A0] =	vst v0  }
0x33: {  	[tilespmem:s20+$0x2B0] =	vst v0  }
0x34: {  	[tilespmem:s20+$0x2C0] =	vst v0  }
0x35: {  	[tilespmem:s20+$0x2D0] =	vst v0  }
0x36: {  	[tilespmem:s20+$0x2E0] =	vst v0  }
0x37: {  	[tilespmem:s20+$0x2F0] =	vst v0  }
0x38: {  	[spmem:s23] =	stream.linear.scatter [tilespmem:s29], [sflag:$0x4], $0x2800, $0x38;
	[tilespmem:$0x1F700] =	vst v63  }
0x39: {  	_ = 	snop  }
0x3a: {  	[spmem:s24] =	stream.linear.scatter [tilespmem:s29], [sflag:$0x4], $0x2800, $0x38;
	[tilespmem:$0x1F700] =	vst v63  }
0x3b: {  	_ = 	snop  }
0x3c: {  	[spmem:s25] =	stream.linear.scatter [tilespmem:s29], [sflag:$0x4], $0x2800, $0x38;
	[tilespmem:$0x1F700] =	vst v63  }
0x3d: {  	_ = 	snop  }
0x3e: {  	[spmem:s26] =	stream.linear.scatter [tilespmem:s29], [sflag:$0x4], $0x2800, $0x38;
	[tilespmem:$0x1F700] =	vst v63  }
0x3f: {  	s26 =	rddreg [dreg:$0x14]  }
0x40: {  	[spmem:s26] =	stream.linear.scatter [tilespmem:s29], [sflag:$0x4], $0x2800, $0x38;
	[tilespmem:$0x1F700] =	vst v63  }
0x41: {  	s21 =	rddreg [dreg:$0x15]  }
0x42: {  	[spmem:s21] =	stream.linear.scatter [tilespmem:s29], [sflag:$0x4], $0x2800, $0x38;
	[tilespmem:$0x1F700] =	vst v63  }
0x43: {  	s22 =	rddreg [dreg:$0x16]  }
0x44: {  	[spmem:s22] =	stream.linear.scatter [tilespmem:s29], [sflag:$0x4], $0x2800, $0x38;
	[tilespmem:$0x1F700] =	vst v63  }
0x45: {  	s28 =	smov.u32 s23;
	s23 =	rddreg [dreg:$0x17]  }
0x46: {  	[spmem:s23] =	stream.linear.scatter [tilespmem:s29], [sflag:$0x4], $0x2800, $0x38;
	[tilespmem:$0x1F700] =	vst v63  }
0x47: {  	_ =	swait.ge [sflag:s30], $0x2800  }
0x48: {  	[sflag:s30] =	ssyncset.done $0x0  }
0x49: {  	[sflag:s30] =	ssyncadd.s32 $0xFFFFD800  }
0x4a: {  	_ =	swait.ge [sflag:s30], $0x2800  }
0x4b: {  	[sflag:s30] =	ssyncset.done $0x0  }
0x4c: {  	[sflag:s30] =	ssyncadd.s32 $0xFFFFD800  }
0x4d: {  	_ =	swait.ge [sflag:s30], $0x2800  }
0x4e: {  	[sflag:s30] =	ssyncset.done $0x0  }
0x4f: {  	[sflag:s30] =	ssyncadd.s32 $0xFFFFD800  }
0x50: {  	_ =	swait.ge [sflag:s30], $0x2800  }
0x51: {  	[sflag:s30] =	ssyncset.done $0x0  }
0x52: {  	[sflag:s30] =	ssyncadd.s32 $0xFFFFD800  }
0x53: {  	_ =	swait.ge [sflag:s30], $0x2800  }
0x54: {  	[sflag:s30] =	ssyncset.done $0x0  }
0x55: {  	[sflag:s30] =	ssyncadd.s32 $0xFFFFD800  }
0x56: {  	_ =	swait.ge [sflag:s30], $0x2800  }
0x57: {  	[sflag:s30] =	ssyncset.done $0x0  }
0x58: {  	[sflag:s30] =	ssyncadd.s32 $0xFFFFD800  }
0x59: {  	_ =	swait.ge [sflag:s30], $0x2800  }
0x5a: {  	[sflag:s30] =	ssyncset.done $0x0  }
0x5b: {  	[sflag:s30] =	ssyncadd.s32 $0xFFFFD800  }
0x5c: {  	_ =	swait.ge [sflag:s30], $0x2800  }
0x5d: {  	[sflag:s30] =	ssyncset.done $0x0  }
0x5e: {  	[sflag:s30] =	ssyncadd.s32 $0xFFFFD800  }
0x5f: {  	[bflag:$0x0] =	sbarrier.arrive $0xFFFF  }
0x60: {  	s24 =	simm.s32 $0x0;
	s21 =	rddreg [dreg:$0x4]  }
0x61: {  	[tilespmem:s24], [sflag:$0x1] =	stream.linear.gather [hbm4b:s21+s24], $0x80, $0x38;
	[tilespmem:$0x1F700] =	vst v63  }
0x62: {  	s25 =	rddreg [dreg:$0x5]  }
0x63: {  	[tilespmem:s31], [sflag:$0x1] =	stream.linear.gather [hbm4b:s25+s24], $0x80, $0x38;
	[tilespmem:$0x1F700] =	vst v63  }
0x64: {  	s26 =	rddreg [dreg:$0xe]  }
0x65: {  	[tilespmem:s11], [sflag:$0x2] =	stream.linear.gather [hbm4b:s26+s24], $0x80, $0x38;
	[tilespmem:$0x1F700] =	vst v63  }
0x66: {  	s22 =	rddreg [dreg:$0xf]  }
0x67: {  	[tilespmem:s1], [sflag:$0x2] =	stream.linear.gather [hbm4b:s22+s24], $0x80, $0x38;
	[tilespmem:$0x1F700] =	vst v63  }
0x68: {  	_ =	swait.ge [sflag:s4], $0x80  }
0x69: {  	[sflag:s4] =	ssyncset.done $0x0  }
0x6a: {  	[sflag:s4] =	ssyncadd.s32 $0xFFFFFF80  }
0x6b: {  	_ =	swait.ge [sflag:s4], $0x80  }
0x6c: {  	p0 =	por $0x1, $0x1;
	[sflag:s4] =	ssyncset.done $0x0  }
0x6d: {  	s20 =	simm.s32 @!p0 $0x9;
	[sflag:s4] =	ssyncadd.s32 $0xFFFFFF80  }
0x6e: {  	[tilespmem:s29], [sflag:$0x4] =	stream.indirect.gather [hbm4b:s3+s5], $0x80, s24, s5, $0xb8;
	[tilespmem:$0x1F700] =	vst v63  }
0x6f: {  	_ =	swait.ge @!p0 [sflag:s20], $0x3C00  }
0x70: {  	s23 =	sadd.s32 $0x0, s18;
	[sflag:s20] =	ssyncset.done @!p0 $0x0  }
0x71: {  	s25 =	sadd.s32 $0x0, s17;
	s24 =	sadd.s32 $0x20, s23;
	[sflag:s20] =	ssyncadd.s32 @!p0 $0xFFFFC400  }
0x72: {  	[tilespmem:s6], [sflag:$0x3] =	stream.linear.gather [hbm4b:s24+s2], $0x80, $0x38;
	[tilespmem:$0x1F700] =	vst v63  }
0x73: {  	s26 =	sadd.s32 $0x20, s25  }
0x74: {  	[tilespmem:s7], [sflag:$0x3] =	stream.linear.gather [hbm4b:s26+s2], $0x80, $0x38;
	[tilespmem:$0x1F700] =	vst v63  }
0x75: {  	_ =	swait.ge [sflag:s8], $0x80  }
0x76: {  	[sflag:s8] =	ssyncset.done $0x0  }
0x77: {  	[sflag:s8] =	ssyncadd.s32 $0xFFFFFF80  }
0x78: {  	_ =	swait.ge [sflag:s8], $0x80  }
0x79: {  	[sflag:s8] =	ssyncset.done $0x0  }
0x7a: {  	[sflag:s8] =	ssyncadd.s32 $0xFFFFFF80  }
0x7b: {  	[tilespmem:s9], [sflag:$0x5] =	stream.indirect.gather [hbm4b:s3+s5], $0x80, s11, s5, $0xb8;
	[tilespmem:$0x1F700] =	vst v63  }
0x7c: {  	_ =	swait.ge [sflag:s30], $0x3C00  }
0x7d: {  	[sflag:s30] =	ssyncset.done $0x0  }
0x7e: {  	[sflag:s30] =	ssyncadd.s32 $0xFFFFC400  }
0x7f: {  	[spmem:s0] =	stream.indirect.scatter.add.f32 [tilespmem:s29], [sflag:$0x7], $0x80, s31, s5, $0xb8;
	[tilespmem:$0x1F700] =	vst v63  }
0x80: {  	p0 =	por $0x0, $0x0;
	_ =	swait.ge [sflag:s10], $0x3C00  }
0x81: {  	s20 =	sadd.s32 @!p0 $0x0, s18;
	s21 =	sadd.s32 @!p0 $0x0, s17;
	[sflag:s10] =	ssyncset.done $0x0  }
0x82: {  	s23 =	simm.s32 @!p0 $0x0;
	s22 =	sadd.s32 @!p0 $0x30, s20;
	[sflag:s10] =	ssyncadd.s32 $0xFFFFC400  }
0x83: {  	[tilespmem:s23], [sflag:$0x1] =	stream.linear.gather @!p0 [hbm4b:s22+s23], $0x80, $0x38;
	[tilespmem:$0x1F700] =	vst v63  }
0x84: {  	s24 =	simm.s32 @!p0 $0x180;
	s22 =	sadd.s32 @!p0 $0x30, s21  }
0x85: {  	[tilespmem:s24], [sflag:$0x1] =	stream.linear.gather @!p0 [hbm4b:s22+s23], $0x80, $0x38;
	[tilespmem:$0x1F700] =	vst v63  }
0x86: {  	_ =	swait.ge [sflag:s12], $0x80  }
0x87: {  	[sflag:s12] =	ssyncset.done $0x0  }
0x88: {  	[sflag:s12] =	ssyncadd.s32 $0xFFFFFF80  }
0x89: {  	_ =	swait.ge [sflag:s12], $0x80  }
0x8a: {  	[sflag:s12] =	ssyncset.done $0x0  }
0x8b: {  	[sflag:s12] =	ssyncadd.s32 $0xFFFFFF80  }
0x8c: {  	[tilespmem:s13], [sflag:$0x6] =	stream.indirect.gather [hbm4b:s3+s5], $0x80, s6, s5, $0xb8;
	[tilespmem:$0x1F700] =	vst v63  }
0x8d: {  	_ =	swait.ge [sflag:s14], $0x3C00  }
0x8e: {  	[sflag:s14] =	ssyncset.done $0x0  }
0x8f: {  	[sflag:s14] =	ssyncadd.s32 $0xFFFFC400  }
0x90: {  	[spmem:s0] =	stream.indirect.scatter.add.f32 [tilespmem:s9], [sflag:$0x8], $0x80, s1, s5, $0xb8;
	[tilespmem:$0x1F700] =	vst v63  }
0x91: {  	_ =	swait.ge [sflag:s15], $0x3C00  }
0x92: {  	[sflag:s15] =	ssyncset.done $0x0  }
0x93: {  	s20 =	sadd.s32 @!p0 $0x40, s20;
	s22 =	simm.s32 @!p0 $0x80;
	[sflag:s15] =	ssyncadd.s32 $0xFFFFC400  }
0x94: {  	[tilespmem:s22], [sflag:$0x2] =	stream.linear.gather @!p0 [hbm4b:s20+s23], $0x80, $0x38;
	[tilespmem:$0x1F700] =	vst v63  }
0x95: {  	s20 =	sadd.s32 @!p0 $0x40, s21;
	s21 =	simm.s32 @!p0 $0x200  }
0x96: {  	[tilespmem:s21], [sflag:$0x2] =	stream.linear.gather @!p0 [hbm4b:s20+s23], $0x80, $0x38;
	[tilespmem:$0x1F700] =	vst v63  }
0x97: {  	s20 =	simm.s32 @!p0 $0x1  }
0x98: {  	_ =	swait.ge @!p0 [sflag:s20], $0x80  }
0x99: {  	[sflag:s20] =	ssyncset.done @!p0 $0x0  }
0x9a: {  	[sflag:s20] =	ssyncadd.s32 @!p0 $0xFFFFFF80  }
0x9b: {  	_ =	swait.ge @!p0 [sflag:s20], $0x80  }
0x9c: {  	[sflag:s20] =	ssyncset.done @!p0 $0x0  }
0x9d: {  	s21 =	simm.s32 @!p0 $0x300;
	[sflag:s20] =	ssyncadd.s32 @!p0 $0xFFFFFF80;
	s20 =	simm.s32 @!p0 $0x78  }
0x9e: {  	[tilespmem:s21], [sflag:$0x4] =	stream.indirect.gather @!p0 [hbm4b:s3+s20], $0x80, s23, s20, $0xb8;
	[tilespmem:$0x1F700] =	vst v63  }
0x9f: {  	p1 =	por $0x0, $0x0;
	_ =	swait.ge [sflag:s16], $0x3C00  }
0xa0: {  	s20 =	simm.s32 $0x30;
	s21 =	simm.s32 $0x60;
	[sflag:s16] =	ssyncset.done $0x0  }
.LBB2_4:
0xa1: {  	s23 =	simm.s32 @!p1 $0x9  }
0xa2: {  	[sflag:s16] =	ssyncadd.s32 $0xFFFFC400;
	s22 =	smov.u32 s21;
	s21 =	sadd.s32 $0x30, s21  }
0xa3: {  	[spmem:s0] =	stream.indirect.scatter.add.f32 [tilespmem:s13], [sflag:$0x9], $0x80, s7, s5, $0xb8;
	[tilespmem:$0x1F700] =	vst v63  }
0xa4: {  	p0 =	sne.s32 s21, $0x540;
	_ =	swait.ge @!p1 [sflag:s23], $0x3C00  }
0xa5: {  	s24 =	sadd.s32 s20, s18;
	[sflag:s23] =	ssyncset.done @!p1 $0x0  }
0xa6: {  	[sflag:s23] =	ssyncadd.s32 @!p1 $0xFFFFC400;
	s23 =	sadd.s32 $0x20, s24;
	s24 =	sadd.s32 s20, s17  }
0xa7: {  	[tilespmem:s6], [sflag:$0x3] =	stream.linear.gather [hbm4b:s23+s2], $0x80, $0x38;
	[tilespmem:$0x1F700] =	vst v63  }
0xa8: {  	s23 =	sadd.s32 $0x20, s24  }
0xa9: {  	[tilespmem:s7], [sflag:$0x3] =	stream.linear.gather [hbm4b:s23+s2], $0x80, $0x38;
	[tilespmem:$0x1F700] =	vst v63  }
0xaa: {  	_ =	swait.ge [sflag:s8], $0x80  }
0xab: {  	[sflag:s8] =	ssyncset.done $0x0  }
0xac: {  	[sflag:s8] =	ssyncadd.s32 $0xFFFFFF80  }
0xad: {  	_ =	swait.ge [sflag:s8], $0x80  }
0xae: {  	[sflag:s8] =	ssyncset.done $0x0  }
0xaf: {  	[sflag:s8] =	ssyncadd.s32 $0xFFFFFF80  }
0xb0: {  	[tilespmem:s9], [sflag:$0x5] =	stream.indirect.gather [hbm4b:s3+s5], $0x80, s11, s5, $0xb8;
	[tilespmem:$0x1F700] =	vst v63  }
0xb1: {  	_ =	swait.ge [sflag:s30], $0x3C00  }
0xb2: {  	[sflag:s30] =	ssyncset.done $0x0  }
0xb3: {  	[sflag:s30] =	ssyncadd.s32 $0xFFFFC400  }
0xb4: {  	[spmem:s0] =	stream.indirect.scatter.add.f32 [tilespmem:s29], [sflag:$0x7], $0x80, s31, s5, $0xb8;
	[tilespmem:$0x1F700] =	vst v63  }
0xb5: {  	p1 =	seq.s32 s20, $0x510;
	_ =	swait.ge [sflag:s10], $0x3C00  }
0xb6: {  	s23 =	sadd.s32 @!p1 s20, s18;
	s20 =	sadd.s32 @!p1 s20, s17;
	[sflag:s10] =	ssyncset.done $0x0  }
0xb7: {  	s25 =	simm.s32 @!p1 $0x0;
	s24 =	sadd.s32 @!p1 $0x30, s23;
	[sflag:s10] =	ssyncadd.s32 $0xFFFFC400  }
0xb8: {  	[tilespmem:s25], [sflag:$0x1] =	stream.linear.gather @!p1 [hbm4b:s24+s25], $0x80, $0x38;
	[tilespmem:$0x1F700] =	vst v63  }
0xb9: {  	s26 =	simm.s32 @!p1 $0x180;
	s23 =	sadd.s32 @!p1 $0x40, s23;
	s24 =	sadd.s32 @!p1 $0x30, s20  }
0xba: {  	[tilespmem:s26], [sflag:$0x1] =	stream.linear.gather @!p1 [hbm4b:s24+s25], $0x80, $0x38;
	[tilespmem:$0x1F700] =	vst v63  }
0xbb: {  	s24 =	sadd.s32 @!p1 $0x40, s20;
	s20 =	smov.u32 s22;
	_ =	swait.ge [sflag:s12], $0x80  }
0xbc: {  	[sflag:s12] =	ssyncset.done $0x0  }
0xbd: {  	[sflag:s12] =	ssyncadd.s32 $0xFFFFFF80  }
0xbe: {  	_ =	swait.ge [sflag:s12], $0x80  }
0xbf: {  	[sflag:s12] =	ssyncset.done $0x0  }
0xc0: {  	[sflag:s12] =	ssyncadd.s32 $0xFFFFFF80  }
0xc1: {  	[tilespmem:s13], [sflag:$0x6] =	stream.indirect.gather [hbm4b:s3+s5], $0x80, s6, s5, $0xb8;
	[tilespmem:$0x1F700] =	vst v63  }
0xc2: {  	_ =	swait.ge [sflag:s14], $0x3C00  }
0xc3: {  	[sflag:s14] =	ssyncset.done $0x0  }
0xc4: {  	[sflag:s14] =	ssyncadd.s32 $0xFFFFC400  }
0xc5: {  	[spmem:s0] =	stream.indirect.scatter.add.f32 [tilespmem:s9], [sflag:$0x8], $0x80, s1, s5, $0xb8;
	[tilespmem:$0x1F700] =	vst v63  }
0xc6: {  	_ =	swait.ge [sflag:s15], $0x3C00  }
0xc7: {  	[sflag:s15] =	ssyncset.done $0x0  }
0xc8: {  	s22 =	simm.s32 @!p1 $0x80;
	[sflag:s15] =	ssyncadd.s32 $0xFFFFC400  }
0xc9: {  	[tilespmem:s22], [sflag:$0x2] =	stream.linear.gather @!p1 [hbm4b:s23+s25], $0x80, $0x38;
	[tilespmem:$0x1F700] =	vst v63  }
0xca: {  	s22 =	simm.s32 @!p1 $0x200;
	s23 =	simm.s32 @!p1 $0x1  }
0xcb: {  	[tilespmem:s22], [sflag:$0x2] =	stream.linear.gather @!p1 [hbm4b:s24+s25], $0x80, $0x38;
	[tilespmem:$0x1F700] =	vst v63  }
0xcc: {  	_ =	swait.ge @!p1 [sflag:s23], $0x80  }
0xcd: {  	[sflag:s23] =	ssyncset.done @!p1 $0x0  }
0xce: {  	[sflag:s23] =	ssyncadd.s32 @!p1 $0xFFFFFF80  }
0xcf: {  	_ =	swait.ge @!p1 [sflag:s23], $0x80  }
.Ltmp1:
0xd0: {  	[sflag:s23] =	ssyncset.done @!p1 $0x0;
	(pc) =	sbr.rel @p0 .LBB2_4-.Ltmp1, $4  }
0xd1: {  	s22 =	simm.s32 @!p1 $0x78;
	[sflag:s23] =	ssyncadd.s32 @!p1 $0xFFFFFF80;
	s23 =	simm.s32 @!p1 $0x300  }
0xd2: {  	[tilespmem:s23], [sflag:$0x4] =	stream.indirect.gather @!p1 [hbm4b:s3+s22], $0x80, s25, s22, $0xb8;
	[tilespmem:$0x1F700] =	vst v63  }
0xd3: {  	_ =	swait.ge [sflag:s16], $0x3C00  }
0xd4: {  	p1 =	seq.s32 s20, $0x0;
	[sflag:s16] =	ssyncset.done $0x0  }
0xd5: {  	s21 =	simm.s32 @!p1 $0x9;
	[sflag:s16] =	ssyncadd.s32 $0xFFFFC400  }
0xd6: {  	[spmem:s0] =	stream.indirect.scatter.add.f32 [tilespmem:s13], [sflag:$0x9], $0x80, s7, s5, $0xb8;
	[tilespmem:$0x1F700] =	vst v63  }
0xd7: {  	_ =	swait.ge @!p1 [sflag:s21], $0x3C00  }
0xd8: {  	s22 =	sadd.s32 s20, s18;
	[sflag:s21] =	ssyncset.done @!p1 $0x0  }
0xd9: {  	s24 =	sadd.s32 s20, s17;
	s23 =	sadd.s32 $0x20, s22;
	[sflag:s21] =	ssyncadd.s32 @!p1 $0xFFFFC400  }
0xda: {  	[tilespmem:s6], [sflag:$0x3] =	stream.linear.gather [hbm4b:s23+s2], $0x80, $0x38;
	[tilespmem:$0x1F700] =	vst v63  }
0xdb: {  	s25 =	sadd.s32 $0x20, s24  }
0xdc: {  	[tilespmem:s7], [sflag:$0x3] =	stream.linear.gather [hbm4b:s25+s2], $0x80, $0x38;
	[tilespmem:$0x1F700] =	vst v63  }
0xdd: {  	_ =	swait.ge [sflag:s8], $0x80  }
0xde: {  	[sflag:s8] =	ssyncset.done $0x0  }
0xdf: {  	[sflag:s8] =	ssyncadd.s32 $0xFFFFFF80  }
0xe0: {  	_ =	swait.ge [sflag:s8], $0x80  }
0xe1: {  	[sflag:s8] =	ssyncset.done $0x0  }
0xe2: {  	[sflag:s8] =	ssyncadd.s32 $0xFFFFFF80  }
0xe3: {  	[tilespmem:s9], [sflag:$0x5] =	stream.indirect.gather [hbm4b:s3+s5], $0x80, s11, s5, $0xb8;
	[tilespmem:$0x1F700] =	vst v63  }
0xe4: {  	_ =	swait.ge [sflag:s30], $0x3C00  }
0xe5: {  	[sflag:s30] =	ssyncset.done $0x0  }
0xe6: {  	[sflag:s30] =	ssyncadd.s32 $0xFFFFC400  }
0xe7: {  	[spmem:s0] =	stream.indirect.scatter.add.f32 [tilespmem:s29], [sflag:$0x7], $0x80, s31, s5, $0xb8;
	[tilespmem:$0x1F700] =	vst v63  }
0xe8: {  	p0 =	seq.s32 s20, $0x510;
	_ =	swait.ge [sflag:s10], $0x3C00  }
0xe9: {  	s21 =	sadd.s32 @!p0 s20, s18;
	s20 =	sadd.s32 @!p0 s20, s17;
	[sflag:s10] =	ssyncset.done $0x0  }
0xea: {  	s22 =	sadd.s32 @!p0 $0x30, s21;
	s23 =	simm.s32 @!p0 $0x0;
	[sflag:s10] =	ssyncadd.s32 $0xFFFFC400  }
0xeb: {  	[tilespmem:s23], [sflag:$0x1] =	stream.linear.gather @!p0 [hbm4b:s22+s23], $0x80, $0x38;
	[tilespmem:$0x1F700] =	vst v63  }
0xec: {  	s24 =	simm.s32 @!p0 $0x180;
	s22 =	sadd.s32 @!p0 $0x30, s20  }
0xed: {  	[tilespmem:s24], [sflag:$0x1] =	stream.linear.gather @!p0 [hbm4b:s22+s23], $0x80, $0x38;
	[tilespmem:$0x1F700] =	vst v63  }
0xee: {  	_ =	swait.ge [sflag:s12], $0x80  }
0xef: {  	[sflag:s12] =	ssyncset.done $0x0  }
0xf0: {  	[sflag:s12] =	ssyncadd.s32 $0xFFFFFF80  }
0xf1: {  	_ =	swait.ge [sflag:s12], $0x80  }
0xf2: {  	[sflag:s12] =	ssyncset.done $0x0  }
0xf3: {  	[sflag:s12] =	ssyncadd.s32 $0xFFFFFF80  }
0xf4: {  	[tilespmem:s13], [sflag:$0x6] =	stream.indirect.gather [hbm4b:s3+s5], $0x80, s6, s5, $0xb8;
	[tilespmem:$0x1F700] =	vst v63  }
0xf5: {  	_ =	swait.ge [sflag:s14], $0x3C00  }
0xf6: {  	[sflag:s14] =	ssyncset.done $0x0  }
0xf7: {  	[sflag:s14] =	ssyncadd.s32 $0xFFFFC400  }
0xf8: {  	[spmem:s0] =	stream.indirect.scatter.add.f32 [tilespmem:s9], [sflag:$0x8], $0x80, s1, s5, $0xb8;
	[tilespmem:$0x1F700] =	vst v63  }
0xf9: {  	_ =	swait.ge [sflag:s15], $0x3C00  }
0xfa: {  	[sflag:s15] =	ssyncset.done $0x0  }
0xfb: {  	s21 =	sadd.s32 @!p0 $0x40, s21;
	s22 =	simm.s32 @!p0 $0x80;
	[sflag:s15] =	ssyncadd.s32 $0xFFFFC400  }
0xfc: {  	[tilespmem:s22], [sflag:$0x2] =	stream.linear.gather @!p0 [hbm4b:s21+s23], $0x80, $0x38;
	[tilespmem:$0x1F700] =	vst v63  }
0xfd: {  	s20 =	sadd.s32 @!p0 $0x40, s20;
	s21 =	simm.s32 @!p0 $0x200  }
0xfe: {  	[tilespmem:s21], [sflag:$0x2] =	stream.linear.gather @!p0 [hbm4b:s20+s23], $0x80, $0x38;
	[tilespmem:$0x1F700] =	vst v63  }
0xff: {  	s20 =	simm.s32 @!p0 $0x1  }
0x100: {  	_ =	swait.ge @!p0 [sflag:s20], $0x80  }
0x101: {  	[sflag:s20] =	ssyncset.done @!p0 $0x0  }
0x102: {  	[sflag:s20] =	ssyncadd.s32 @!p0 $0xFFFFFF80  }
0x103: {  	_ =	swait.ge @!p0 [sflag:s20], $0x80  }
0x104: {  	[sflag:s20] =	ssyncset.done @!p0 $0x0  }
0x105: {  	s21 =	simm.s32 @!p0 $0x300;
	[sflag:s20] =	ssyncadd.s32 @!p0 $0xFFFFFF80;
	s20 =	simm.s32 @!p0 $0x78  }
0x106: {  	[tilespmem:s21], [sflag:$0x4] =	stream.indirect.gather @!p0 [hbm4b:s3+s20], $0x80, s23, s20, $0xb8;
	[tilespmem:$0x1F700] =	vst v63  }
0x107: {  	_ =	swait.ge [sflag:s16], $0x3C00  }
0x108: {  	[sflag:s16] =	ssyncset.done $0x0  }
0x109: {  	s26 =	simm.s32 $0x9;
	[sflag:s16] =	ssyncadd.s32 $0xFFFFC400  }
0x10a: {  	[spmem:s0] =	stream.indirect.scatter.add.f32 [tilespmem:s13], [sflag:$0x9], $0x80, s7, s5, $0xb8;
	[tilespmem:$0x1F700] =	vst v63  }
0x10b: {  	_ =	swait.ge [sflag:s26], $0x3C00  }
0x10c: {  	[sflag:s26] =	ssyncset.done $0x0  }
0x10d: {  	s21 =	stileid.u32;
	[sflag:s26] =	ssyncadd.s32 $0xFFFFC400  }
0x10e: {  	s20 =	sshll.u32 s21, $0x6;
	[bflag:$0x0] =	sbarrier.arrive $0xFFFF  }
0x10f: {  	s22 =	sshrl.u32 s28, $0x3;
	s20 =	sor.u32 $0x1C04, s20;
	s24 =	rddreg [dreg:$0x6]  }
0x110: {  	[hbm:s24], [sflag:s20] =	dma.local [spmem:s22], $0x500  }
0x111: {  	s24 =	rddreg [dreg:$0x11]  }
0x112: {  	s22 =	rddreg [dreg:$0x7];
	s25 =	sshrl.u32 s24, $0x3  }
0x113: {  	[hbm:s22], [sflag:s20] =	dma.local [spmem:s25], $0x500  }
0x114: {  	s25 =	rddreg [dreg:$0x12]  }
0x115: {  	s22 =	rddreg [dreg:$0x8];
	s26 =	sshrl.u32 s25, $0x3  }
0x116: {  	[hbm:s22], [sflag:s20] =	dma.local [spmem:s26], $0x500  }
0x117: {  	s26 =	rddreg [dreg:$0x13]  }
0x118: {  	s23 =	smov.u32 s28;
	s22 =	rddreg [dreg:$0x9];
	s28 =	sshrl.u32 s26, $0x3  }
0x119: {  	[hbm:s22], [sflag:s20] =	dma.local [spmem:s28], $0x500  }
0x11a: {  	s21 =	rddreg [dreg:$0x14]  }
0x11b: {  	s22 =	rddreg [dreg:$0xa];
	s21 =	sshrl.u32 s21, $0x3  }
0x11c: {  	[hbm:s22], [sflag:s20] =	dma.local [spmem:s21], $0x500  }
0x11d: {  	s21 =	rddreg [dreg:$0x15]  }
0x11e: {  	s22 =	rddreg [dreg:$0xb];
	s21 =	sshrl.u32 s21, $0x3  }
0x11f: {  	[hbm:s22], [sflag:s20] =	dma.local [spmem:s21], $0x500  }
0x120: {  	s21 =	rddreg [dreg:$0x16]  }
0x121: {  	s22 =	rddreg [dreg:$0xc];
	s21 =	sshrl.u32 s21, $0x3  }
0x122: {  	[hbm:s22], [sflag:s20] =	dma.local [spmem:s21], $0x500  }
0x123: {  	s21 =	rddreg [dreg:$0x17]  }
0x124: {  	s22 =	rddreg [dreg:$0xd];
	s21 =	sshrl.u32 s21, $0x3  }
0x125: {  	[hbm:s22], [sflag:s20] =	dma.local [spmem:s21], $0x500  }
0x126: {  	_ =	swait.ge [sflag:s30], $0x500  }
0x127: {  	[sflag:s30] =	ssyncset.done $0x0  }
0x128: {  	[sflag:s30] =	ssyncadd.s32 $0xFFFFFB00  }
0x129: {  	_ =	swait.ge [sflag:s30], $0x500  }
0x12a: {  	[sflag:s30] =	ssyncset.done $0x0  }
0x12b: {  	[sflag:s30] =	ssyncadd.s32 $0xFFFFFB00  }
0x12c: {  	_ =	swait.ge [sflag:s30], $0x500  }
0x12d: {  	[sflag:s30] =	ssyncset.done $0x0  }
0x12e: {  	[sflag:s30] =	ssyncadd.s32 $0xFFFFFB00  }
0x12f: {  	_ =	swait.ge [sflag:s30], $0x500  }
0x130: {  	[sflag:s30] =	ssyncset.done $0x0  }
0x131: {  	[sflag:s30] =	ssyncadd.s32 $0xFFFFFB00  }
0x132: {  	_ =	swait.ge [sflag:s30], $0x500  }
0x133: {  	[sflag:s30] =	ssyncset.done $0x0  }
0x134: {  	[sflag:s30] =	ssyncadd.s32 $0xFFFFFB00  }
0x135: {  	_ =	swait.ge [sflag:s30], $0x500  }
0x136: {  	[sflag:s30] =	ssyncset.done $0x0  }
0x137: {  	[sflag:s30] =	ssyncadd.s32 $0xFFFFFB00  }
0x138: {  	_ =	swait.ge [sflag:s30], $0x500  }
0x139: {  	[sflag:s30] =	ssyncset.done $0x0  }
0x13a: {  	[sflag:s30] =	ssyncadd.s32 $0xFFFFFB00  }
0x13b: {  	_ =	swait.ge [sflag:s30], $0x500  }
0x13c: {  	s19 =	sadd.s32 $0x1, s19;
	s28 =	rddreg [dreg:$0x10]  }
0x13d: {  	p0 =	sne.s32 s19, s28  }
.Ltmp2:
0x13e: {  	_ = 	snop;
	(pc) =	sbr.rel @p0 .LBB2_1-.Ltmp2, $3  }
0x13f: {  	_ =	sdelay $0x1  }
0x140: {  	[sflag:s30] =	ssyncset.done $0x0  }
0x141: {  	[sflag:s30] =	ssyncadd.s32 $0xFFFFFB00  }
0x142: {  	_ =	sfence.sel $0x180000  }
0x143: {  	[bflag:$0x0] =	sbarrier.arrive $0xFFFF  }
0x144: {  	_ =	strace $0x90000047  }
0x145: {  	s0 =	stileid.u32;
	[bflag:$0x2] =	sbarrier.arrive $0xFFFF  }
0x146: {  	p0 =	sne.s32 s0, $0x0;
	s0 =	rddreg [dreg:$0x3]  }
0x147: {  	s0 =	sadd.s32 @!p0 $0x100000, s0  }
0x148: {  	[sflag:s0] =	ssyncadd.tile.s32 @!p0 $0x1;
	_ =	shalt  }
.Lfunc_end2:
_tile_overlayer_lowered:
.L_overlay_start_2:
0x149: {  	(tag) =	ssettag $0x2  }
0x14a: {  	s0 =	rddreg [dreg:$0x0];
	s2 =	stileid.u32  }
0x14b: {  	s1 =	rddreg [dreg:$0x1];
	p0 =	sne.s32 s2, $0x0  }
0x14c: {  	s3 =	rddreg [dreg:$0x2];
	[bflag:$0x3] =	sbarrier.arrive $0xFFFF;
	s2 =	simm.s32 @!p0 $0x1C0A  }
0x14d: {  	[timem:s3], [sflag:s2] =	dma.local @!p0 [hbm:s0], s1  }
0x14e: {  	s0 =	simm.s32 @!p0 $0xA  }
0x14f: {  	_ =	swait.ge @!p0 [sflag:s0], s1  }
0x150: {  	s1 =	ssub.s32 @!p0 $0x0, s1;
	[sflag:s0] =	ssyncset.done @!p0 $0x0  }
0x151: {  	[sflag:s0] =	ssyncadd.s32 @!p0 s1  }
0x152: {  	[bflag:$0x3] =	sbarrier.arrive $0xFFFF  }
0x153: {  	_ =	shalt  }

</sc_bundles>
